<compile_context>
chip_gen: v7x
topology: tpu7x:2x2x1
jax: 0.10.2.dev20260603
libtpu: 0.0.44.dev20260713+nightly
codegen_flags: <defaults>
</compile_context>

<pallas_src>
import functools

import jax
import jax.numpy as jnp
from jax import lax
from jax.experimental import pallas as pl
from jax.experimental.pallas import tpu as pltpu
from jax.experimental.pallas import tpu_sc as plsc

_SEQ = 2048
_UNITS = 32
_NC = 2
_NS = 16
_NW = _NC * _NS
_ROWS = _SEQ // _NW
_ROW_F = _SEQ * _UNITS
_WIN_D = _SEQ + _ROWS
_WIN_F = _WIN_D * _UNITS
_FIRE = 8


def _sc_body(emb_hbm, out_hbm, emb_v, win_v, *sems):
    cid = lax.axis_index("c")
    sid = lax.axis_index("s")
    wid = sid * _NC + cid

    pltpu.sync_copy(emb_hbm, emb_v)
    halves = [(emb_v[v, pl.ds(0, 16)], emb_v[v, pl.ds(16, 16)]) for v in range(5)]

    t1 = 62 + 64 * wid

    def fill_run(lo, hi, h):
        def body(ld, c):
            win_v[ld, pl.ds(0, 16)] = h[0]
            win_v[ld, pl.ds(16, 16)] = h[1]
            return c
        lax.fori_loop(lo, hi, body, 0)

    fill_run(0, t1, halves[0])
    for k in range(3):
        win_v[t1 + k, pl.ds(0, 16)] = halves[k + 1][0]
        win_v[t1 + k, pl.ds(16, 16)] = halves[k + 1][1]
    fill_run(t1 + 3, _WIN_D, halves[4])

    row0 = wid * _ROWS
    copies = [None] * _ROWS
    for r in range(_ROWS):
        if r >= _FIRE:
            copies[r - _FIRE].wait()
        src = win_v.at[pl.ds(_ROWS - 1 - r, _SEQ), :]
        dst = out_hbm.at[pl.ds((row0 + r) * _SEQ, _SEQ), :]
        copies[r] = pltpu.async_copy(src, dst, sems[r % _FIRE])
    for r in range(_ROWS - _FIRE, _ROWS):
        copies[r].wait()


_rel_pos_sc = functools.partial(
    pl.kernel,
    out_type=jax.ShapeDtypeStruct((_SEQ * _SEQ, _UNITS), jnp.float32),
    mesh=plsc.VectorSubcoreMesh(core_axis_name="c", subcore_axis_name="s"),
    compiler_params=pltpu.CompilerParams(use_tc_tiling_on_sc=False),
    scratch_types=(
        [pltpu.VMEM((2 * 2 + 1, _UNITS), jnp.float32),
         pltpu.VMEM((_WIN_D, _UNITS), jnp.float32)]
        + [pltpu.SemaphoreType.DMA] * _FIRE
    ),
)(_sc_body)


def kernel(embedding):
    flat = _rel_pos_sc(embedding)
    return flat.reshape(_SEQ, _SEQ, _UNITS)

# --- scband reference (transcript-rebuilt; emitter-appended) ---
"""Pipeline reference for scband-relative-position-25125558681899 (READ-ONLY COPY).

The authoritative reference and input builder live on the scoring server;
editing this copy changes nothing except your own understanding.
"""

import jax, jax.numpy as jnp
import numpy as np

SEQ_LENGTH = 2048
UNITS = 32
CLIP_VAL = 2

def setup_inputs(seed: int = 0) -> dict:
    key = jax.random.key(seed)
    # learned parameter: embedding table of shape (2*clip_val+1, units)
    embedding = jax.random.normal(key, (2 * CLIP_VAL + 1, UNITS), dtype=jnp.float32)
    return {"embedding": embedding}

def reference(embedding):
    # Recreate the constant relative-position index matrix built in __init__
    tau = jnp.arange(SEQ_LENGTH, dtype=jnp.float32)
    relative_mat = tau[None, :] - tau[:, None]
    relative_mat = jnp.clip(relative_mat, -CLIP_VAL, CLIP_VAL)
    relative_mat = (relative_mat + CLIP_VAL).astype(jnp.int32)
    reshaped_mat = relative_mat.reshape(-1)
    # gather_nd on a rank-2 table with index column -> row gather
    gathered = jnp.take(embedding, reshaped_mat, axis=0)
    out = gathered.reshape(SEQ_LENGTH, SEQ_LENGTH, UNITS)
    return out

if __name__ == "__main__":
    import jax
    _d = setup_inputs()
    print(jax.jit(kernel)(*tuple(_d.values())))

</pallas_src>

<mosaic_0001>
#map = affine_map<(d0, d1) -> (0, 0)>
module attributes {stable_mosaic.version = 14 : i64} {
  func.func @_sc_body(%arg0: i32, %arg1: i32, %arg2: memref<5x32xf32, #tpu.memory_space<hbm>>, %arg3: memref<4194304x32xf32, #tpu.memory_space<hbm>>, %arg4: memref<5x32xf32, #tpu.memory_space<vmem>>, %arg5: memref<2112x32xf32, #tpu.memory_space<vmem>>, %arg6: memref<!tpu.dma_semaphore, #tpu.memory_space<semaphore_mem>>, %arg7: memref<!tpu.dma_semaphore, #tpu.memory_space<semaphore_mem>>, %arg8: memref<!tpu.dma_semaphore, #tpu.memory_space<semaphore_mem>>, %arg9: memref<!tpu.dma_semaphore, #tpu.memory_space<semaphore_mem>>, %arg10: memref<!tpu.dma_semaphore, #tpu.memory_space<semaphore_mem>>, %arg11: memref<!tpu.dma_semaphore, #tpu.memory_space<semaphore_mem>>, %arg12: memref<!tpu.dma_semaphore, #tpu.memory_space<semaphore_mem>>, %arg13: memref<!tpu.dma_semaphore, #tpu.memory_space<semaphore_mem>>) attributes {dimension_semantics = [#tpu.dimension_semantics<core_parallel>, #tpu.dimension_semantics<subcore_parallel>], iteration_bounds = array<i64: 2, 16>, scalar_prefetch = 0 : i64, scratch_operands = 10 : i64, tpu.core_type = #tpu.core_type<sc_vector_subcore>, window_params = [{transform_indices = #map}, {transform_indices = #map}]} {
    %mul3A = arith.constant 2 : i32
    %mul3A_0 = arith.muli %arg1, %mul3A : i32
    %add3A = arith.addi %mul3A_0, %arg0 : i32
    "tpu.region"() ({
      %run_scoped3A = tpu.sem_alloc : memref<!tpu.dma_semaphore, #tpu.memory_space<semaphore_mem>>
      tpu.enqueue_dma source(%arg2 : memref<5x32xf32, #tpu.memory_space<hbm>>) target(%arg4 : memref<5x32xf32, #tpu.memory_space<vmem>>) target_semaphore(%run_scoped3A : memref<!tpu.dma_semaphore, #tpu.memory_space<semaphore_mem>>)
      tpu.wait_dma2 semaphore(%run_scoped3A : memref<!tpu.dma_semaphore, #tpu.memory_space<semaphore_mem>>) src(%arg2 : memref<5x32xf32, #tpu.memory_space<hbm>>) dst(%arg4 : memref<5x32xf32, #tpu.memory_space<vmem>>)
      tpu.yield
    }) : () -> ()
    %get3A = arith.constant 0 : i32
    %get3A_1 = arith.index_cast %get3A : i32 to index
    %get3A_2 = arith.constant 0 : index
    %get3A_3 = tpu.vector_load %arg4[%get3A_1, %get3A_2] {strides = array<i32>} : memref<5x32xf32, #tpu.memory_space<vmem>>, vector<1x16xf32>,
    %get3A_4 = vector.shape_cast %get3A_3 : vector<1x16xf32> to vector<16xf32>
    %get3A_5 = arith.constant 0 : i32
    %get3A_6 = arith.index_cast %get3A_5 : i32 to index
    %get3A_7 = arith.constant 16 : index
    %get3A_8 = tpu.vector_load %arg4[%get3A_6, %get3A_7] {strides = array<i32>} : memref<5x32xf32, #tpu.memory_space<vmem>>, vector<1x16xf32>,
    %get3A_9 = vector.shape_cast %get3A_8 : vector<1x16xf32> to vector<16xf32>
    %get3A_10 = arith.constant 1 : i32
    %get3A_11 = arith.index_cast %get3A_10 : i32 to index
    %get3A_12 = arith.constant 0 : index
    %get3A_13 = tpu.vector_load %arg4[%get3A_11, %get3A_12] {strides = array<i32>} : memref<5x32xf32, #tpu.memory_space<vmem>>, vector<1x16xf32>,
    %get3A_14 = vector.shape_cast %get3A_13 : vector<1x16xf32> to vector<16xf32>
    %get3A_15 = arith.constant 1 : i32
    %get3A_16 = arith.index_cast %get3A_15 : i32 to index
    %get3A_17 = arith.constant 16 : index
    %get3A_18 = tpu.vector_load %arg4[%get3A_16, %get3A_17] {strides = array<i32>} : memref<5x32xf32, #tpu.memory_space<vmem>>, vector<1x16xf32>,
    %get3A_19 = vector.shape_cast %get3A_18 : vector<1x16xf32> to vector<16xf32>
    %get3A_20 = arith.constant 2 : i32
    %get3A_21 = arith.index_cast %get3A_20 : i32 to index
    %get3A_22 = arith.constant 0 : index
    %get3A_23 = tpu.vector_load %arg4[%get3A_21, %get3A_22] {strides = array<i32>} : memref<5x32xf32, #tpu.memory_space<vmem>>, vector<1x16xf32>,
    %get3A_24 = vector.shape_cast %get3A_23 : vector<1x16xf32> to vector<16xf32>
    %get3A_25 = arith.constant 2 : i32
    %get3A_26 = arith.index_cast %get3A_25 : i32 to index
    %get3A_27 = arith.constant 16 : index
    %get3A_28 = tpu.vector_load %arg4[%get3A_26, %get3A_27] {strides = array<i32>} : memref<5x32xf32, #tpu.memory_space<vmem>>, vector<1x16xf32>,
    %get3A_29 = vector.shape_cast %get3A_28 : vector<1x16xf32> to vector<16xf32>
    %get3A_30 = arith.constant 3 : i32
    %get3A_31 = arith.index_cast %get3A_30 : i32 to index
    %get3A_32 = arith.constant 0 : index
    %get3A_33 = tpu.vector_load %arg4[%get3A_31, %get3A_32] {strides = array<i32>} : memref<5x32xf32, #tpu.memory_space<vmem>>, vector<1x16xf32>,
    %get3A_34 = vector.shape_cast %get3A_33 : vector<1x16xf32> to vector<16xf32>
    %get3A_35 = arith.constant 3 : i32
    %get3A_36 = arith.index_cast %get3A_35 : i32 to index
    %get3A_37 = arith.constant 16 : index
    %get3A_38 = tpu.vector_load %arg4[%get3A_36, %get3A_37] {strides = array<i32>} : memref<5x32xf32, #tpu.memory_space<vmem>>, vector<1x16xf32>,
    %get3A_39 = vector.shape_cast %get3A_38 : vector<1x16xf32> to vector<16xf32>
    %get3A_40 = arith.constant 4 : i32
    %get3A_41 = arith.index_cast %get3A_40 : i32 to index
    %get3A_42 = arith.constant 0 : index
    %get3A_43 = tpu.vector_load %arg4[%get3A_41, %get3A_42] {strides = array<i32>} : memref<5x32xf32, #tpu.memory_space<vmem>>, vector<1x16xf32>,
    %get3A_44 = vector.shape_cast %get3A_43 : vector<1x16xf32> to vector<16xf32>
    %get3A_45 = arith.constant 4 : i32
    %get3A_46 = arith.index_cast %get3A_45 : i32 to index
    %get3A_47 = arith.constant 16 : index
    %get3A_48 = tpu.vector_load %arg4[%get3A_46, %get3A_47] {strides = array<i32>} : memref<5x32xf32, #tpu.memory_space<vmem>>, vector<1x16xf32>,
    %get3A_49 = vector.shape_cast %get3A_48 : vector<1x16xf32> to vector<16xf32>
    %mul3A_50 = arith.constant 64 : i32
    %mul3A_51 = arith.muli %mul3A_50, %add3A : i32
    %add3A_52 = arith.constant 62 : i32
    %add3A_53 = arith.addi %add3A_52, %mul3A_51 : i32
    %while3A = arith.constant 0 : i32
    %while3A_54 = arith.constant 0 : i32
    %while3A_55 = arith.subi %add3A_53, %while3A_54 : i32
    %while3A_56 = arith.addi %while3A_54, %while3A_55 : i32
    %while3A_57 = arith.constant 1 : i32
    %while3A_58 = arith.divsi %while3A_55, %while3A_57 : i32
    %while3A_59 = arith.muli %while3A_58, %while3A_57 : i32
    %while3A_60 = arith.addi %while3A_54, %while3A_59 : i32
    %while3A_61 = arith.constant 1 : i32
    scf.for %while3A_1652 = %while3A_54 to %while3A_60 step %while3A_61  : i32 {
      %swap3A_1653 = arith.index_cast %while3A_1652 : i32 to index
      %swap3A_1654 = arith.constant 0 : index
      %swap3A_1655 = tpu.vector_load %arg5[%swap3A_1653, %swap3A_1654] {strides = array<i32>} : memref<2112x32xf32, #tpu.memory_space<vmem>>, vector<1x16xf32>,
      %swap3A_1656 = vector.shape_cast %swap3A_1655 : vector<1x16xf32> to vector<16xf32>
      %swap3A_1657 = vector.shape_cast %get3A_4 : vector<16xf32> to vector<1x16xf32>
      tpu.vector_store %arg5[%swap3A_1653, %swap3A_1654], %swap3A_1657 {strides = array<i32>} : memref<2112x32xf32, #tpu.memory_space<vmem>>, vector<1x16xf32>,
      %swap3A_1658 = arith.index_cast %while3A_1652 : i32 to index
      %swap3A_1659 = arith.constant 16 : index
      %swap3A_1660 = tpu.vector_load %arg5[%swap3A_1658, %swap3A_1659] {strides = array<i32>} : memref<2112x32xf32, #tpu.memory_space<vmem>>, vector<1x16xf32>,
      %swap3A_1661 = vector.shape_cast %swap3A_1660 : vector<1x16xf32> to vector<16xf32>
      %swap3A_1662 = vector.shape_cast %get3A_9 : vector<16xf32> to vector<1x16xf32>
      tpu.vector_store %arg5[%swap3A_1658, %swap3A_1659], %swap3A_1662 {strides = array<i32>} : memref<2112x32xf32, #tpu.memory_space<vmem>>, vector<1x16xf32>,
    }
    %while3A_62 = arith.constant 1 : i32
    scf.for %while3A_1652 = %while3A_60 to %while3A_56 step %while3A_62  : i32 {
      %swap3A_1653 = arith.index_cast %while3A_1652 : i32 to index
      %swap3A_1654 = arith.constant 0 : index
      %swap3A_1655 = tpu.vector_load %arg5[%swap3A_1653, %swap3A_1654] {strides = array<i32>} : memref<2112x32xf32, #tpu.memory_space<vmem>>, vector<1x16xf32>,
      %swap3A_1656 = vector.shape_cast %swap3A_1655 : vector<1x16xf32> to vector<16xf32>
      %swap3A_1657 = vector.shape_cast %get3A_4 : vector<16xf32> to vector<1x16xf32>
      tpu.vector_store %arg5[%swap3A_1653, %swap3A_1654], %swap3A_1657 {strides = array<i32>} : memref<2112x32xf32, #tpu.memory_space<vmem>>, vector<1x16xf32>,
      %swap3A_1658 = arith.index_cast %while3A_1652 : i32 to index
      %swap3A_1659 = arith.constant 16 : index
      %swap3A_1660 = tpu.vector_load %arg5[%swap3A_1658, %swap3A_1659] {strides = array<i32>} : memref<2112x32xf32, #tpu.memory_space<vmem>>, vector<1x16xf32>,
      %swap3A_1661 = vector.shape_cast %swap3A_1660 : vector<1x16xf32> to vector<16xf32>
      %swap3A_1662 = vector.shape_cast %get3A_9 : vector<16xf32> to vector<1x16xf32>
      tpu.vector_store %arg5[%swap3A_1658, %swap3A_1659], %swap3A_1662 {strides = array<i32>} : memref<2112x32xf32, #tpu.memory_space<vmem>>, vector<1x16xf32>,
    }
    %add3A_63 = arith.constant 0 : i32
    %add3A_64 = arith.addi %add3A_53, %add3A_63 : i32
    %swap3A = arith.index_cast %add3A_64 : i32 to index
    %swap3A_65 = arith.constant 0 : index
    %swap3A_66 = tpu.vector_load %arg5[%swap3A, %swap3A_65] {strides = array<i32>} : memref<2112x32xf32, #tpu.memory_space<vmem>>, vector<1x16xf32>,
    %swap3A_67 = vector.shape_cast %swap3A_66 : vector<1x16xf32> to vector<16xf32>
    %swap3A_68 = vector.shape_cast %get3A_14 : vector<16xf32> to vector<1x16xf32>
    tpu.vector_store %arg5[%swap3A, %swap3A_65], %swap3A_68 {strides = array<i32>} : memref<2112x32xf32, #tpu.memory_space<vmem>>, vector<1x16xf32>,
    %add3A_69 = arith.constant 0 : i32
    %add3A_70 = arith.addi %add3A_53, %add3A_69 : i32
    %swap3A_71 = arith.index_cast %add3A_70 : i32 to index
    %swap3A_72 = arith.constant 16 : index
    %swap3A_73 = tpu.vector_load %arg5[%swap3A_71, %swap3A_72] {strides = array<i32>} : memref<2112x32xf32, #tpu.memory_space<vmem>>, vector<1x16xf32>,
    %swap3A_74 = vector.shape_cast %swap3A_73 : vector<1x16xf32> to vector<16xf32>
    %swap3A_75 = vector.shape_cast %get3A_19 : vector<16xf32> to vector<1x16xf32>
    tpu.vector_store %arg5[%swap3A_71, %swap3A_72], %swap3A_75 {strides = array<i32>} : memref<2112x32xf32, #tpu.memory_space<vmem>>, vector<1x16xf32>,
    %add3A_76 = arith.constant 1 : i32
    %add3A_77 = arith.addi %add3A_53, %add3A_76 : i32
    %swap3A_78 = arith.index_cast %add3A_77 : i32 to index
    %swap3A_79 = arith.constant 0 : index
    %swap3A_80 = tpu.vector_load %arg5[%swap3A_78, %swap3A_79] {strides = array<i32>} : memref<2112x32xf32, #tpu.memory_space<vmem>>, vector<1x16xf32>,
    %swap3A_81 = vector.shape_cast %swap3A_80 : vector<1x16xf32> to vector<16xf32>
    %swap3A_82 = vector.shape_cast %get3A_24 : vector<16xf32> to vector<1x16xf32>
    tpu.vector_store %arg5[%swap3A_78, %swap3A_79], %swap3A_82 {strides = array<i32>} : memref<2112x32xf32, #tpu.memory_space<vmem>>, vector<1x16xf32>,
    %add3A_83 = arith.constant 1 : i32
    %add3A_84 = arith.addi %add3A_53, %add3A_83 : i32
    %swap3A_85 = arith.index_cast %add3A_84 : i32 to index
    %swap3A_86 = arith.constant 16 : index
    %swap3A_87 = tpu.vector_load %arg5[%swap3A_85, %swap3A_86] {strides = array<i32>} : memref<2112x32xf32, #tpu.memory_space<vmem>>, vector<1x16xf32>,
    %swap3A_88 = vector.shape_cast %swap3A_87 : vector<1x16xf32> to vector<16xf32>
    %swap3A_89 = vector.shape_cast %get3A_29 : vector<16xf32> to vector<1x16xf32>
    tpu.vector_store %arg5[%swap3A_85, %swap3A_86], %swap3A_89 {strides = array<i32>} : memref<2112x32xf32, #tpu.memory_space<vmem>>, vector<1x16xf32>,
    %add3A_90 = arith.constant 2 : i32
    %add3A_91 = arith.addi %add3A_53, %add3A_90 : i32
    %swap3A_92 = arith.index_cast %add3A_91 : i32 to index
    %swap3A_93 = arith.constant 0 : index
    %swap3A_94 = tpu.vector_load %arg5[%swap3A_92, %swap3A_93] {strides = array<i32>} : memref<2112x32xf32, #tpu.memory_space<vmem>>, vector<1x16xf32>,
    %swap3A_95 = vector.shape_cast %swap3A_94 : vector<1x16xf32> to vector<16xf32>
    %swap3A_96 = vector.shape_cast %get3A_34 : vector<16xf32> to vector<1x16xf32>
    tpu.vector_store %arg5[%swap3A_92, %swap3A_93], %swap3A_96 {strides = array<i32>} : memref<2112x32xf32, #tpu.memory_space<vmem>>, vector<1x16xf32>,
    %add3A_97 = arith.constant 2 : i32
    %add3A_98 = arith.addi %add3A_53, %add3A_97 : i32
    %swap3A_99 = arith.index_cast %add3A_98 : i32 to index
    %swap3A_100 = arith.constant 16 : index
    %swap3A_101 = tpu.vector_load %arg5[%swap3A_99, %swap3A_100] {strides = array<i32>} : memref<2112x32xf32, #tpu.memory_space<vmem>>, vector<1x16xf32>,
    %swap3A_102 = vector.shape_cast %swap3A_101 : vector<1x16xf32> to vector<16xf32>
    %swap3A_103 = vector.shape_cast %get3A_39 : vector<16xf32> to vector<1x16xf32>
    tpu.vector_store %arg5[%swap3A_99, %swap3A_100], %swap3A_103 {strides = array<i32>} : memref<2112x32xf32, #tpu.memory_space<vmem>>, vector<1x16xf32>,
    %add3A_104 = arith.constant 3 : i32
    %add3A_105 = arith.addi %add3A_53, %add3A_104 : i32
    %while3A_106 = arith.constant 0 : i32
    %while3A_107 = arith.constant 2112 : i32
    %while3A_108 = arith.subi %while3A_107, %add3A_105 : i32
    %while3A_109 = arith.addi %add3A_105, %while3A_108 : i32
    %while3A_110 = arith.constant 1 : i32
    %while3A_111 = arith.divsi %while3A_108, %while3A_110 : i32
    %while3A_112 = arith.muli %while3A_111, %while3A_110 : i32
    %while3A_113 = arith.addi %add3A_105, %while3A_112 : i32
    %while3A_114 = arith.constant 1 : i32
    scf.for %while3A_1652 = %add3A_105 to %while3A_113 step %while3A_114  : i32 {
      %swap3A_1653 = arith.index_cast %while3A_1652 : i32 to index
      %swap3A_1654 = arith.constant 0 : index
      %swap3A_1655 = tpu.vector_load %arg5[%swap3A_1653, %swap3A_1654] {strides = array<i32>} : memref<2112x32xf32, #tpu.memory_space<vmem>>, vector<1x16xf32>,
      %swap3A_1656 = vector.shape_cast %swap3A_1655 : vector<1x16xf32> to vector<16xf32>
      %swap3A_1657 = vector.shape_cast %get3A_44 : vector<16xf32> to vector<1x16xf32>
      tpu.vector_store %arg5[%swap3A_1653, %swap3A_1654], %swap3A_1657 {strides = array<i32>} : memref<2112x32xf32, #tpu.memory_space<vmem>>, vector<1x16xf32>,
      %swap3A_1658 = arith.index_cast %while3A_1652 : i32 to index
      %swap3A_1659 = arith.constant 16 : index
      %swap3A_1660 = tpu.vector_load %arg5[%swap3A_1658, %swap3A_1659] {strides = array<i32>} : memref<2112x32xf32, #tpu.memory_space<vmem>>, vector<1x16xf32>,
      %swap3A_1661 = vector.shape_cast %swap3A_1660 : vector<1x16xf32> to vector<16xf32>
      %swap3A_1662 = vector.shape_cast %get3A_49 : vector<16xf32> to vector<1x16xf32>
      tpu.vector_store %arg5[%swap3A_1658, %swap3A_1659], %swap3A_1662 {strides = array<i32>} : memref<2112x32xf32, #tpu.memory_space<vmem>>, vector<1x16xf32>,
    }
    %while3A_115 = arith.constant 1 : i32
    scf.for %while3A_1652 = %while3A_113 to %while3A_109 step %while3A_115  : i32 {
      %swap3A_1653 = arith.index_cast %while3A_1652 : i32 to index
      %swap3A_1654 = arith.constant 0 : index
      %swap3A_1655 = tpu.vector_load %arg5[%swap3A_1653, %swap3A_1654] {strides = array<i32>} : memref<2112x32xf32, #tpu.memory_space<vmem>>, vector<1x16xf32>,
      %swap3A_1656 = vector.shape_cast %swap3A_1655 : vector<1x16xf32> to vector<16xf32>
      %swap3A_1657 = vector.shape_cast %get3A_44 : vector<16xf32> to vector<1x16xf32>
      tpu.vector_store %arg5[%swap3A_1653, %swap3A_1654], %swap3A_1657 {strides = array<i32>} : memref<2112x32xf32, #tpu.memory_space<vmem>>, vector<1x16xf32>,
      %swap3A_1658 = arith.index_cast %while3A_1652 : i32 to index
      %swap3A_1659 = arith.constant 16 : index
      %swap3A_1660 = tpu.vector_load %arg5[%swap3A_1658, %swap3A_1659] {strides = array<i32>} : memref<2112x32xf32, #tpu.memory_space<vmem>>, vector<1x16xf32>,
      %swap3A_1661 = vector.shape_cast %swap3A_1660 : vector<1x16xf32> to vector<16xf32>
      %swap3A_1662 = vector.shape_cast %get3A_49 : vector<16xf32> to vector<1x16xf32>
      tpu.vector_store %arg5[%swap3A_1658, %swap3A_1659], %swap3A_1662 {strides = array<i32>} : memref<2112x32xf32, #tpu.memory_space<vmem>>, vector<1x16xf32>,
    }
    %mul3A_116 = arith.constant 64 : i32
    %mul3A_117 = arith.muli %add3A, %mul3A_116 : i32
    %add3A_118 = arith.constant 0 : i32
    %add3A_119 = arith.addi %mul3A_117, %add3A_118 : i32
    %mul3A_120 = arith.constant 2048 : i32
    %mul3A_121 = arith.muli %add3A_119, %mul3A_120 : i32
    %dma_start3A = arith.constant 63 : i32
    %dma_start3A_122 = arith.constant 0 : i32
    %dma_start3A_123 = tpu.memref_slice %arg5[%dma_start3A, %dma_start3A_122] : memref<2112x32xf32, #tpu.memory_space<vmem>> -> memref<2048x32xf32, #tpu.memory_space<vmem>>
    %dma_start3A_124 = arith.constant 0 : i32
    %dma_start3A_125 = tpu.memref_slice %arg3[%mul3A_121, %dma_start3A_124] : memref<4194304x32xf32, #tpu.memory_space<hbm>> -> memref<2048x32xf32, #tpu.memory_space<hbm>>
    %dma_start3A_126 = arith.constant 0 : i32
    %dma_start3A_127 = tpu.memref_slice %arg3[%mul3A_121, %dma_start3A_126] : memref<4194304x32xf32, #tpu.memory_space<hbm>> -> memref<2048x32xf32, #tpu.memory_space<hbm>>
    %dma_start3A_128 = arith.constant 63 : i32
    %dma_start3A_129 = arith.constant 0 : i32
    %dma_start3A_130 = tpu.memref_slice %arg5[%dma_start3A_128, %dma_start3A_129] : memref<2112x32xf32, #tpu.memory_space<vmem>> -> memref<2048x32xf32, #tpu.memory_space<vmem>>
    tpu.enqueue_dma source(%dma_start3A_130 : memref<2048x32xf32, #tpu.memory_space<vmem>>) target(%dma_start3A_127 : memref<2048x32xf32, #tpu.memory_space<hbm>>) target_semaphore(%arg6 : memref<!tpu.dma_semaphore, #tpu.memory_space<semaphore_mem>>)
    %add3A_131 = arith.constant 1 : i32
    %add3A_132 = arith.addi %mul3A_117, %add3A_131 : i32
    %mul3A_133 = arith.constant 2048 : i32
    %mul3A_134 = arith.muli %add3A_132, %mul3A_133 : i32
    %dma_start3A_135 = arith.constant 62 : i32
    %dma_start3A_136 = arith.constant 0 : i32
    %dma_start3A_137 = tpu.memref_slice %arg5[%dma_start3A_135, %dma_start3A_136] : memref<2112x32xf32, #tpu.memory_space<vmem>> -> memref<2048x32xf32, #tpu.memory_space<vmem>>
    %dma_start3A_138 = arith.constant 0 : i32
    %dma_start3A_139 = tpu.memref_slice %arg3[%mul3A_134, %dma_start3A_138] : memref<4194304x32xf32, #tpu.memory_space<hbm>> -> memref<2048x32xf32, #tpu.memory_space<hbm>>
    %dma_start3A_140 = arith.constant 0 : i32
    %dma_start3A_141 = tpu.memref_slice %arg3[%mul3A_134, %dma_start3A_140] : memref<4194304x32xf32, #tpu.memory_space<hbm>> -> memref<2048x32xf32, #tpu.memory_space<hbm>>
    %dma_start3A_142 = arith.constant 62 : i32
    %dma_start3A_143 = arith.constant 0 : i32
    %dma_start3A_144 = tpu.memref_slice %arg5[%dma_start3A_142, %dma_start3A_143] : memref<2112x32xf32, #tpu.memory_space<vmem>> -> memref<2048x32xf32, #tpu.memory_space<vmem>>
    tpu.enqueue_dma source(%dma_start3A_144 : memref<2048x32xf32, #tpu.memory_space<vmem>>) target(%dma_start3A_141 : memref<2048x32xf32, #tpu.memory_space<hbm>>) target_semaphore(%arg7 : memref<!tpu.dma_semaphore, #tpu.memory_space<semaphore_mem>>)
    %add3A_145 = arith.constant 2 : i32
    %add3A_146 = arith.addi %mul3A_117, %add3A_145 : i32
    %mul3A_147 = arith.constant 2048 : i32
    %mul3A_148 = arith.muli %add3A_146, %mul3A_147 : i32
    %dma_start3A_149 = arith.constant 61 : i32
    %dma_start3A_150 = arith.constant 0 : i32
    %dma_start3A_151 = tpu.memref_slice %arg5[%dma_start3A_149, %dma_start3A_150] : memref<2112x32xf32, #tpu.memory_space<vmem>> -> memref<2048x32xf32, #tpu.memory_space<vmem>>
    %dma_start3A_152 = arith.constant 0 : i32
    %dma_start3A_153 = tpu.memref_slice %arg3[%mul3A_148, %dma_start3A_152] : memref<4194304x32xf32, #tpu.memory_space<hbm>> -> memref<2048x32xf32, #tpu.memory_space<hbm>>
    %dma_start3A_154 = arith.constant 0 : i32
    %dma_start3A_155 = tpu.memref_slice %arg3[%mul3A_148, %dma_start3A_154] : memref<4194304x32xf32, #tpu.memory_space<hbm>> -> memref<2048x32xf32, #tpu.memory_space<hbm>>
    %dma_start3A_156 = arith.constant 61 : i32
    %dma_start3A_157 = arith.constant 0 : i32
    %dma_start3A_158 = tpu.memref_slice %arg5[%dma_start3A_156, %dma_start3A_157] : memref<2112x32xf32, #tpu.memory_space<vmem>> -> memref<2048x32xf32, #tpu.memory_space<vmem>>
    tpu.enqueue_dma source(%dma_start3A_158 : memref<2048x32xf32, #tpu.memory_space<vmem>>) target(%dma_start3A_155 : memref<2048x32xf32, #tpu.memory_space<hbm>>) target_semaphore(%arg8 : memref<!tpu.dma_semaphore, #tpu.memory_space<semaphore_mem>>)
    %add3A_159 = arith.constant 3 : i32
    %add3A_160 = arith.addi %mul3A_117, %add3A_159 : i32
    %mul3A_161 = arith.constant 2048 : i32
    %mul3A_162 = arith.muli %add3A_160, %mul3A_161 : i32
    %dma_start3A_163 = arith.constant 60 : i32
    %dma_start3A_164 = arith.constant 0 : i32
    %dma_start3A_165 = tpu.memref_slice %arg5[%dma_start3A_163, %dma_start3A_164] : memref<2112x32xf32, #tpu.memory_space<vmem>> -> memref<2048x32xf32, #tpu.memory_space<vmem>>
    %dma_start3A_166 = arith.constant 0 : i32
    %dma_start3A_167 = tpu.memref_slice %arg3[%mul3A_162, %dma_start3A_166] : memref<4194304x32xf32, #tpu.memory_space<hbm>> -> memref<2048x32xf32, #tpu.memory_space<hbm>>
    %dma_start3A_168 = arith.constant 0 : i32
    %dma_start3A_169 = tpu.memref_slice %arg3[%mul3A_162, %dma_start3A_168] : memref<4194304x32xf32, #tpu.memory_space<hbm>> -> memref<2048x32xf32, #tpu.memory_space<hbm>>
    %dma_start3A_170 = arith.constant 60 : i32
    %dma_start3A_171 = arith.constant 0 : i32
    %dma_start3A_172 = tpu.memref_slice %arg5[%dma_start3A_170, %dma_start3A_171] : memref<2112x32xf32, #tpu.memory_space<vmem>> -> memref<2048x32xf32, #tpu.memory_space<vmem>>
    tpu.enqueue_dma source(%dma_start3A_172 : memref<2048x32xf32, #tpu.memory_space<vmem>>) target(%dma_start3A_169 : memref<2048x32xf32, #tpu.memory_space<hbm>>) target_semaphore(%arg9 : memref<!tpu.dma_semaphore, #tpu.memory_space<semaphore_mem>>)
    %add3A_173 = arith.constant 4 : i32
    %add3A_174 = arith.addi %mul3A_117, %add3A_173 : i32
    %mul3A_175 = arith.constant 2048 : i32
    %mul3A_176 = arith.muli %add3A_174, %mul3A_175 : i32
    %dma_start3A_177 = arith.constant 59 : i32
    %dma_start3A_178 = arith.constant 0 : i32
    %dma_start3A_179 = tpu.memref_slice %arg5[%dma_start3A_177, %dma_start3A_178] : memref<2112x32xf32, #tpu.memory_space<vmem>> -> memref<2048x32xf32, #tpu.memory_space<vmem>>
    %dma_start3A_180 = arith.constant 0 : i32
    %dma_start3A_181 = tpu.memref_slice %arg3[%mul3A_176, %dma_start3A_180] : memref<4194304x32xf32, #tpu.memory_space<hbm>> -> memref<2048x32xf32, #tpu.memory_space<hbm>>
    %dma_start3A_182 = arith.constant 0 : i32
    %dma_start3A_183 = tpu.memref_slice %arg3[%mul3A_176, %dma_start3A_182] : memref<4194304x32xf32, #tpu.memory_space<hbm>> -> memref<2048x32xf32, #tpu.memory_space<hbm>>
    %dma_start3A_184 = arith.constant 59 : i32
    %dma_start3A_185 = arith.constant 0 : i32
    %dma_start3A_186 = tpu.memref_slice %arg5[%dma_start3A_184, %dma_start3A_185] : memref<2112x32xf32, #tpu.memory_space<vmem>> -> memref<2048x32xf32, #tpu.memory_space<vmem>>
    tpu.enqueue_dma source(%dma_start3A_186 : memref<2048x32xf32, #tpu.memory_space<vmem>>) target(%dma_start3A_183 : memref<2048x32xf32, #tpu.memory_space<hbm>>) target_semaphore(%arg10 : memref<!tpu.dma_semaphore, #tpu.memory_space<semaphore_mem>>)
    %add3A_187 = arith.constant 5 : i32
    %add3A_188 = arith.addi %mul3A_117, %add3A_187 : i32
    %mul3A_189 = arith.constant 2048 : i32
    %mul3A_190 = arith.muli %add3A_188, %mul3A_189 : i32
    %dma_start3A_191 = arith.constant 58 : i32
    %dma_start3A_192 = arith.constant 0 : i32
    %dma_start3A_193 = tpu.memref_slice %arg5[%dma_start3A_191, %dma_start3A_192] : memref<2112x32xf32, #tpu.memory_space<vmem>> -> memref<2048x32xf32, #tpu.memory_space<vmem>>
    %dma_start3A_194 = arith.constant 0 : i32
    %dma_start3A_195 = tpu.memref_slice %arg3[%mul3A_190, %dma_start3A_194] : memref<4194304x32xf32, #tpu.memory_space<hbm>> -> memref<2048x32xf32, #tpu.memory_space<hbm>>
    %dma_start3A_196 = arith.constant 0 : i32
    %dma_start3A_197 = tpu.memref_slice %arg3[%mul3A_190, %dma_start3A_196] : memref<4194304x32xf32, #tpu.memory_space<hbm>> -> memref<2048x32xf32, #tpu.memory_space<hbm>>
    %dma_start3A_198 = arith.constant 58 : i32
    %dma_start3A_199 = arith.constant 0 : i32
    %dma_start3A_200 = tpu.memref_slice %arg5[%dma_start3A_198, %dma_start3A_199] : memref<2112x32xf32, #tpu.memory_space<vmem>> -> memref<2048x32xf32, #tpu.memory_space<vmem>>
    tpu.enqueue_dma source(%dma_start3A_200 : memref<2048x32xf32, #tpu.memory_space<vmem>>) target(%dma_start3A_197 : memref<2048x32xf32, #tpu.memory_space<hbm>>) target_semaphore(%arg11 : memref<!tpu.dma_semaphore, #tpu.memory_space<semaphore_mem>>)
    %add3A_201 = arith.constant 6 : i32
    %add3A_202 = arith.addi %mul3A_117, %add3A_201 : i32
    %mul3A_203 = arith.constant 2048 : i32
    %mul3A_204 = arith.muli %add3A_202, %mul3A_203 : i32
    %dma_start3A_205 = arith.constant 57 : i32
    %dma_start3A_206 = arith.constant 0 : i32
    %dma_start3A_207 = tpu.memref_slice %arg5[%dma_start3A_205, %dma_start3A_206] : memref<2112x32xf32, #tpu.memory_space<vmem>> -> memref<2048x32xf32, #tpu.memory_space<vmem>>
    %dma_start3A_208 = arith.constant 0 : i32
    %dma_start3A_209 = tpu.memref_slice %arg3[%mul3A_204, %dma_start3A_208] : memref<4194304x32xf32, #tpu.memory_space<hbm>> -> memref<2048x32xf32, #tpu.memory_space<hbm>>
    %dma_start3A_210 = arith.constant 0 : i32
    %dma_start3A_211 = tpu.memref_slice %arg3[%mul3A_204, %dma_start3A_210] : memref<4194304x32xf32, #tpu.memory_space<hbm>> -> memref<2048x32xf32, #tpu.memory_space<hbm>>
    %dma_start3A_212 = arith.constant 57 : i32
    %dma_start3A_213 = arith.constant 0 : i32
    %dma_start3A_214 = tpu.memref_slice %arg5[%dma_start3A_212, %dma_start3A_213] : memref<2112x32xf32, #tpu.memory_space<vmem>> -> memref<2048x32xf32, #tpu.memory_space<vmem>>
    tpu.enqueue_dma source(%dma_start3A_214 : memref<2048x32xf32, #tpu.memory_space<vmem>>) target(%dma_start3A_211 : memref<2048x32xf32, #tpu.memory_space<hbm>>) target_semaphore(%arg12 : memref<!tpu.dma_semaphore, #tpu.memory_space<semaphore_mem>>)
    %add3A_215 = arith.constant 7 : i32
    %add3A_216 = arith.addi %mul3A_117, %add3A_215 : i32
    %mul3A_217 = arith.constant 2048 : i32
    %mul3A_218 = arith.muli %add3A_216, %mul3A_217 : i32
    %dma_start3A_219 = arith.constant 56 : i32
    %dma_start3A_220 = arith.constant 0 : i32
    %dma_start3A_221 = tpu.memref_slice %arg5[%dma_start3A_219, %dma_start3A_220] : memref<2112x32xf32, #tpu.memory_space<vmem>> -> memref<2048x32xf32, #tpu.memory_space<vmem>>
    %dma_start3A_222 = arith.constant 0 : i32
    %dma_start3A_223 = tpu.memref_slice %arg3[%mul3A_218, %dma_start3A_222] : memref<4194304x32xf32, #tpu.memory_space<hbm>> -> memref<2048x32xf32, #tpu.memory_space<hbm>>
    %dma_start3A_224 = arith.constant 0 : i32
    %dma_start3A_225 = tpu.memref_slice %arg3[%mul3A_218, %dma_start3A_224] : memref<4194304x32xf32, #tpu.memory_space<hbm>> -> memref<2048x32xf32, #tpu.memory_space<hbm>>
    %dma_start3A_226 = arith.constant 56 : i32
    %dma_start3A_227 = arith.constant 0 : i32
    %dma_start3A_228 = tpu.memref_slice %arg5[%dma_start3A_226, %dma_start3A_227] : memref<2112x32xf32, #tpu.memory_space<vmem>> -> memref<2048x32xf32, #tpu.memory_space<vmem>>
    tpu.enqueue_dma source(%dma_start3A_228 : memref<2048x32xf32, #tpu.memory_space<vmem>>) target(%dma_start3A_225 : memref<2048x32xf32, #tpu.memory_space<hbm>>) target_semaphore(%arg13 : memref<!tpu.dma_semaphore, #tpu.memory_space<semaphore_mem>>)
    %dma_wait3A = arith.constant 63 : i32
    %dma_wait3A_229 = arith.constant 0 : i32
    %dma_wait3A_230 = tpu.memref_slice %arg5[%dma_wait3A, %dma_wait3A_229] : memref<2112x32xf32, #tpu.memory_space<vmem>> -> memref<2048x32xf32, #tpu.memory_space<vmem>>
    %dma_wait3A_231 = arith.constant 0 : i32
    %dma_wait3A_232 = tpu.memref_slice %arg3[%mul3A_121, %dma_wait3A_231] : memref<4194304x32xf32, #tpu.memory_space<hbm>> -> memref<2048x32xf32, #tpu.memory_space<hbm>>
    %dma_wait3A_233 = arith.constant 0 : i32
    %dma_wait3A_234 = tpu.memref_slice %arg3[%mul3A_121, %dma_wait3A_233] : memref<4194304x32xf32, #tpu.memory_space<hbm>> -> memref<2048x32xf32, #tpu.memory_space<hbm>>
    %dma_wait3A_235 = arith.constant 63 : i32
    %dma_wait3A_236 = arith.constant 0 : i32
    %dma_wait3A_237 = tpu.memref_slice %arg5[%dma_wait3A_235, %dma_wait3A_236] : memref<2112x32xf32, #tpu.memory_space<vmem>> -> memref<2048x32xf32, #tpu.memory_space<vmem>>
    tpu.wait_dma2 semaphore(%arg6 : memref<!tpu.dma_semaphore, #tpu.memory_space<semaphore_mem>>) src(%dma_wait3A_237 : memref<2048x32xf32, #tpu.memory_space<vmem>>) dst(%dma_wait3A_234 : memref<2048x32xf32, #tpu.memory_space<hbm>>)
    %add3A_238 = arith.constant 8 : i32
    %add3A_239 = arith.addi %mul3A_117, %add3A_238 : i32
    %mul3A_240 = arith.constant 2048 : i32
    %mul3A_241 = arith.muli %add3A_239, %mul3A_240 : i32
    %dma_start3A_242 = arith.constant 55 : i32
    %dma_start3A_243 = arith.constant 0 : i32
    %dma_start3A_244 = tpu.memref_slice %arg5[%dma_start3A_242, %dma_start3A_243] : memref<2112x32xf32, #tpu.memory_space<vmem>> -> memref<2048x32xf32, #tpu.memory_space<vmem>>
    %dma_start3A_245 = arith.constant 0 : i32
    %dma_start3A_246 = tpu.memref_slice %arg3[%mul3A_241, %dma_start3A_245] : memref<4194304x32xf32, #tpu.memory_space<hbm>> -> memref<2048x32xf32, #tpu.memory_space<hbm>>
    %dma_start3A_247 = arith.constant 0 : i32
    %dma_start3A_248 = tpu.memref_slice %arg3[%mul3A_241, %dma_start3A_247] : memref<4194304x32xf32, #tpu.memory_space<hbm>> -> memref<2048x32xf32, #tpu.memory_space<hbm>>
    %dma_start3A_249 = arith.constant 55 : i32
    %dma_start3A_250 = arith.constant 0 : i32
    %dma_start3A_251 = tpu.memref_slice %arg5[%dma_start3A_249, %dma_start3A_250] : memref<2112x32xf32, #tpu.memory_space<vmem>> -> memref<2048x32xf32, #tpu.memory_space<vmem>>
    tpu.enqueue_dma source(%dma_start3A_251 : memref<2048x32xf32, #tpu.memory_space<vmem>>) target(%dma_start3A_248 : memref<2048x32xf32, #tpu.memory_space<hbm>>) target_semaphore(%arg6 : memref<!tpu.dma_semaphore, #tpu.memory_space<semaphore_mem>>)
    %dma_wait3A_252 = arith.constant 62 : i32
    %dma_wait3A_253 = arith.constant 0 : i32
    %dma_wait3A_254 = tpu.memref_slice %arg5[%dma_wait3A_252, %dma_wait3A_253] : memref<2112x32xf32, #tpu.memory_space<vmem>> -> memref<2048x32xf32, #tpu.memory_space<vmem>>
    %dma_wait3A_255 = arith.constant 0 : i32
    %dma_wait3A_256 = tpu.memref_slice %arg3[%mul3A_134, %dma_wait3A_255] : memref<4194304x32xf32, #tpu.memory_space<hbm>> -> memref<2048x32xf32, #tpu.memory_space<hbm>>
    %dma_wait3A_257 = arith.constant 0 : i32
    %dma_wait3A_258 = tpu.memref_slice %arg3[%mul3A_134, %dma_wait3A_257] : memref<4194304x32xf32, #tpu.memory_space<hbm>> -> memref<2048x32xf32, #tpu.memory_space<hbm>>
    %dma_wait3A_259 = arith.constant 62 : i32
    %dma_wait3A_260 = arith.constant 0 : i32
    %dma_wait3A_261 = tpu.memref_slice %arg5[%dma_wait3A_259, %dma_wait3A_260] : memref<2112x32xf32, #tpu.memory_space<vmem>> -> memref<2048x32xf32, #tpu.memory_space<vmem>>
    tpu.wait_dma2 semaphore(%arg7 : memref<!tpu.dma_semaphore, #tpu.memory_space<semaphore_mem>>) src(%dma_wait3A_261 : memref<2048x32xf32, #tpu.memory_space<vmem>>) dst(%dma_wait3A_258 : memref<2048x32xf32, #tpu.memory_space<hbm>>)
    %add3A_262 = arith.constant 9 : i32
    %add3A_263 = arith.addi %mul3A_117, %add3A_262 : i32
    %mul3A_264 = arith.constant 2048 : i32
    %mul3A_265 = arith.muli %add3A_263, %mul3A_264 : i32
    %dma_start3A_266 = arith.constant 54 : i32
    %dma_start3A_267 = arith.constant 0 : i32
    %dma_start3A_268 = tpu.memref_slice %arg5[%dma_start3A_266, %dma_start3A_267] : memref<2112x32xf32, #tpu.memory_space<vmem>> -> memref<2048x32xf32, #tpu.memory_space<vmem>>
    %dma_start3A_269 = arith.constant 0 : i32
    %dma_start3A_270 = tpu.memref_slice %arg3[%mul3A_265, %dma_start3A_269] : memref<4194304x32xf32, #tpu.memory_space<hbm>> -> memref<2048x32xf32, #tpu.memory_space<hbm>>
    %dma_start3A_271 = arith.constant 0 : i32
    %dma_start3A_272 = tpu.memref_slice %arg3[%mul3A_265, %dma_start3A_271] : memref<4194304x32xf32, #tpu.memory_space<hbm>> -> memref<2048x32xf32, #tpu.memory_space<hbm>>
    %dma_start3A_273 = arith.constant 54 : i32
    %dma_start3A_274 = arith.constant 0 : i32
    %dma_start3A_275 = tpu.memref_slice %arg5[%dma_start3A_273, %dma_start3A_274] : memref<2112x32xf32, #tpu.memory_space<vmem>> -> memref<2048x32xf32, #tpu.memory_space<vmem>>
    tpu.enqueue_dma source(%dma_start3A_275 : memref<2048x32xf32, #tpu.memory_space<vmem>>) target(%dma_start3A_272 : memref<2048x32xf32, #tpu.memory_space<hbm>>) target_semaphore(%arg7 : memref<!tpu.dma_semaphore, #tpu.memory_space<semaphore_mem>>)
    %dma_wait3A_276 = arith.constant 61 : i32
    %dma_wait3A_277 = arith.constant 0 : i32
    %dma_wait3A_278 = tpu.memref_slice %arg5[%dma_wait3A_276, %dma_wait3A_277] : memref<2112x32xf32, #tpu.memory_space<vmem>> -> memref<2048x32xf32, #tpu.memory_space<vmem>>
    %dma_wait3A_279 = arith.constant 0 : i32
    %dma_wait3A_280 = tpu.memref_slice %arg3[%mul3A_148, %dma_wait3A_279] : memref<4194304x32xf32, #tpu.memory_space<hbm>> -> memref<2048x32xf32, #tpu.memory_space<hbm>>
    %dma_wait3A_281 = arith.constant 0 : i32
    %dma_wait3A_282 = tpu.memref_slice %arg3[%mul3A_148, %dma_wait3A_281] : memref<4194304x32xf32, #tpu.memory_space<hbm>> -> memref<2048x32xf32, #tpu.memory_space<hbm>>
    %dma_wait3A_283 = arith.constant 61 : i32
    %dma_wait3A_284 = arith.constant 0 : i32
    %dma_wait3A_285 = tpu.memref_slice %arg5[%dma_wait3A_283, %dma_wait3A_284] : memref<2112x32xf32, #tpu.memory_space<vmem>> -> memref<2048x32xf32, #tpu.memory_space<vmem>>
    tpu.wait_dma2 semaphore(%arg8 : memref<!tpu.dma_semaphore, #tpu.memory_space<semaphore_mem>>) src(%dma_wait3A_285 : memref<2048x32xf32, #tpu.memory_space<vmem>>) dst(%dma_wait3A_282 : memref<2048x32xf32, #tpu.memory_space<hbm>>)
    %add3A_286 = arith.constant 10 : i32
    %add3A_287 = arith.addi %mul3A_117, %add3A_286 : i32
    %mul3A_288 = arith.constant 2048 : i32
    %mul3A_289 = arith.muli %add3A_287, %mul3A_288 : i32
    %dma_start3A_290 = arith.constant 53 : i32
    %dma_start3A_291 = arith.constant 0 : i32
    %dma_start3A_292 = tpu.memref_slice %arg5[%dma_start3A_290, %dma_start3A_291] : memref<2112x32xf32, #tpu.memory_space<vmem>> -> memref<2048x32xf32, #tpu.memory_space<vmem>>
    %dma_start3A_293 = arith.constant 0 : i32
    %dma_start3A_294 = tpu.memref_slice %arg3[%mul3A_289, %dma_start3A_293] : memref<4194304x32xf32, #tpu.memory_space<hbm>> -> memref<2048x32xf32, #tpu.memory_space<hbm>>
    %dma_start3A_295 = arith.constant 0 : i32
    %dma_start3A_296 = tpu.memref_slice %arg3[%mul3A_289, %dma_start3A_295] : memref<4194304x32xf32, #tpu.memory_space<hbm>> -> memref<2048x32xf32, #tpu.memory_space<hbm>>
    %dma_start3A_297 = arith.constant 53 : i32
    %dma_start3A_298 = arith.constant 0 : i32
    %dma_start3A_299 = tpu.memref_slice %arg5[%dma_start3A_297, %dma_start3A_298] : memref<2112x32xf32, #tpu.memory_space<vmem>> -> memref<2048x32xf32, #tpu.memory_space<vmem>>
    tpu.enqueue_dma source(%dma_start3A_299 : memref<2048x32xf32, #tpu.memory_space<vmem>>) target(%dma_start3A_296 : memref<2048x32xf32, #tpu.memory_space<hbm>>) target_semaphore(%arg8 : memref<!tpu.dma_semaphore, #tpu.memory_space<semaphore_mem>>)
    %dma_wait3A_300 = arith.constant 60 : i32
    %dma_wait3A_301 = arith.constant 0 : i32
    %dma_wait3A_302 = tpu.memref_slice %arg5[%dma_wait3A_300, %dma_wait3A_301] : memref<2112x32xf32, #tpu.memory_space<vmem>> -> memref<2048x32xf32, #tpu.memory_space<vmem>>
    %dma_wait3A_303 = arith.constant 0 : i32
    %dma_wait3A_304 = tpu.memref_slice %arg3[%mul3A_162, %dma_wait3A_303] : memref<4194304x32xf32, #tpu.memory_space<hbm>> -> memref<2048x32xf32, #tpu.memory_space<hbm>>
    %dma_wait3A_305 = arith.constant 0 : i32
    %dma_wait3A_306 = tpu.memref_slice %arg3[%mul3A_162, %dma_wait3A_305] : memref<4194304x32xf32, #tpu.memory_space<hbm>> -> memref<2048x32xf32, #tpu.memory_space<hbm>>
    %dma_wait3A_307 = arith.constant 60 : i32
    %dma_wait3A_308 = arith.constant 0 : i32
    %dma_wait3A_309 = tpu.memref_slice %arg5[%dma_wait3A_307, %dma_wait3A_308] : memref<2112x32xf32, #tpu.memory_space<vmem>> -> memref<2048x32xf32, #tpu.memory_space<vmem>>
    tpu.wait_dma2 semaphore(%arg9 : memref<!tpu.dma_semaphore, #tpu.memory_space<semaphore_mem>>) src(%dma_wait3A_309 : memref<2048x32xf32, #tpu.memory_space<vmem>>) dst(%dma_wait3A_306 : memref<2048x32xf32, #tpu.memory_space<hbm>>)
    %add3A_310 = arith.constant 11 : i32
    %add3A_311 = arith.addi %mul3A_117, %add3A_310 : i32
    %mul3A_312 = arith.constant 2048 : i32
    %mul3A_313 = arith.muli %add3A_311, %mul3A_312 : i32
    %dma_start3A_314 = arith.constant 52 : i32
    %dma_start3A_315 = arith.constant 0 : i32
    %dma_start3A_316 = tpu.memref_slice %arg5[%dma_start3A_314, %dma_start3A_315] : memref<2112x32xf32, #tpu.memory_space<vmem>> -> memref<2048x32xf32, #tpu.memory_space<vmem>>
    %dma_start3A_317 = arith.constant 0 : i32
    %dma_start3A_318 = tpu.memref_slice %arg3[%mul3A_313, %dma_start3A_317] : memref<4194304x32xf32, #tpu.memory_space<hbm>> -> memref<2048x32xf32, #tpu.memory_space<hbm>>
    %dma_start3A_319 = arith.constant 0 : i32
    %dma_start3A_320 = tpu.memref_slice %arg3[%mul3A_313, %dma_start3A_319] : memref<4194304x32xf32, #tpu.memory_space<hbm>> -> memref<2048x32xf32, #tpu.memory_space<hbm>>
    %dma_start3A_321 = arith.constant 52 : i32
    %dma_start3A_322 = arith.constant 0 : i32
    %dma_start3A_323 = tpu.memref_slice %arg5[%dma_start3A_321, %dma_start3A_322] : memref<2112x32xf32, #tpu.memory_space<vmem>> -> memref<2048x32xf32, #tpu.memory_space<vmem>>
    tpu.enqueue_dma source(%dma_start3A_323 : memref<2048x32xf32, #tpu.memory_space<vmem>>) target(%dma_start3A_320 : memref<2048x32xf32, #tpu.memory_space<hbm>>) target_semaphore(%arg9 : memref<!tpu.dma_semaphore, #tpu.memory_space<semaphore_mem>>)
    %dma_wait3A_324 = arith.constant 59 : i32
    %dma_wait3A_325 = arith.constant 0 : i32
    %dma_wait3A_326 = tpu.memref_slice %arg5[%dma_wait3A_324, %dma_wait3A_325] : memref<2112x32xf32, #tpu.memory_space<vmem>> -> memref<2048x32xf32, #tpu.memory_space<vmem>>
    %dma_wait3A_327 = arith.constant 0 : i32
    %dma_wait3A_328 = tpu.memref_slice %arg3[%mul3A_176, %dma_wait3A_327] : memref<4194304x32xf32, #tpu.memory_space<hbm>> -> memref<2048x32xf32, #tpu.memory_space<hbm>>
    %dma_wait3A_329 = arith.constant 0 : i32
    %dma_wait3A_330 = tpu.memref_slice %arg3[%mul3A_176, %dma_wait3A_329] : memref<4194304x32xf32, #tpu.memory_space<hbm>> -> memref<2048x32xf32, #tpu.memory_space<hbm>>
    %dma_wait3A_331 = arith.constant 59 : i32
    %dma_wait3A_332 = arith.constant 0 : i32
    %dma_wait3A_333 = tpu.memref_slice %arg5[%dma_wait3A_331, %dma_wait3A_332] : memref<2112x32xf32, #tpu.memory_space<vmem>> -> memref<2048x32xf32, #tpu.memory_space<vmem>>
    tpu.wait_dma2 semaphore(%arg10 : memref<!tpu.dma_semaphore, #tpu.memory_space<semaphore_mem>>) src(%dma_wait3A_333 : memref<2048x32xf32, #tpu.memory_space<vmem>>) dst(%dma_wait3A_330 : memref<2048x32xf32, #tpu.memory_space<hbm>>)
    %add3A_334 = arith.constant 12 : i32
    %add3A_335 = arith.addi %mul3A_117, %add3A_334 : i32
    %mul3A_336 = arith.constant 2048 : i32
    %mul3A_337 = arith.muli %add3A_335, %mul3A_336 : i32
    %dma_start3A_338 = arith.constant 51 : i32
    %dma_start3A_339 = arith.constant 0 : i32
    %dma_start3A_340 = tpu.memref_slice %arg5[%dma_start3A_338, %dma_start3A_339] : memref<2112x32xf32, #tpu.memory_space<vmem>> -> memref<2048x32xf32, #tpu.memory_space<vmem>>
    %dma_start3A_341 = arith.constant 0 : i32
    %dma_start3A_342 = tpu.memref_slice %arg3[%mul3A_337, %dma_start3A_341] : memref<4194304x32xf32, #tpu.memory_space<hbm>> -> memref<2048x32xf32, #tpu.memory_space<hbm>>
    %dma_start3A_343 = arith.constant 0 : i32
    %dma_start3A_344 = tpu.memref_slice %arg3[%mul3A_337, %dma_start3A_343] : memref<4194304x32xf32, #tpu.memory_space<hbm>> -> memref<2048x32xf32, #tpu.memory_space<hbm>>
    %dma_start3A_345 = arith.constant 51 : i32
    %dma_start3A_346 = arith.constant 0 : i32
    %dma_start3A_347 = tpu.memref_slice %arg5[%dma_start3A_345, %dma_start3A_346] : memref<2112x32xf32, #tpu.memory_space<vmem>> -> memref<2048x32xf32, #tpu.memory_space<vmem>>
    tpu.enqueue_dma source(%dma_start3A_347 : memref<2048x32xf32, #tpu.memory_space<vmem>>) target(%dma_start3A_344 : memref<2048x32xf32, #tpu.memory_space<hbm>>) target_semaphore(%arg10 : memref<!tpu.dma_semaphore, #tpu.memory_space<semaphore_mem>>)
    %dma_wait3A_348 = arith.constant 58 : i32
    %dma_wait3A_349 = arith.constant 0 : i32
    %dma_wait3A_350 = tpu.memref_slice %arg5[%dma_wait3A_348, %dma_wait3A_349] : memref<2112x32xf32, #tpu.memory_space<vmem>> -> memref<2048x32xf32, #tpu.memory_space<vmem>>
    %dma_wait3A_351 = arith.constant 0 : i32
    %dma_wait3A_352 = tpu.memref_slice %arg3[%mul3A_190, %dma_wait3A_351] : memref<4194304x32xf32, #tpu.memory_space<hbm>> -> memref<2048x32xf32, #tpu.memory_space<hbm>>
    %dma_wait3A_353 = arith.constant 0 : i32
    %dma_wait3A_354 = tpu.memref_slice %arg3[%mul3A_190, %dma_wait3A_353] : memref<4194304x32xf32, #tpu.memory_space<hbm>> -> memref<2048x32xf32, #tpu.memory_space<hbm>>
    %dma_wait3A_355 = arith.constant 58 : i32
    %dma_wait3A_356 = arith.constant 0 : i32
    %dma_wait3A_357 = tpu.memref_slice %arg5[%dma_wait3A_355, %dma_wait3A_356] : memref<2112x32xf32, #tpu.memory_space<vmem>> -> memref<2048x32xf32, #tpu.memory_space<vmem>>
    tpu.wait_dma2 semaphore(%arg11 : memref<!tpu.dma_semaphore, #tpu.memory_space<semaphore_mem>>) src(%dma_wait3A_357 : memref<2048x32xf32, #tpu.memory_space<vmem>>) dst(%dma_wait3A_354 : memref<2048x32xf32, #tpu.memory_space<hbm>>)
    %add3A_358 = arith.constant 13 : i32
    %add3A_359 = arith.addi %mul3A_117, %add3A_358 : i32
    %mul3A_360 = arith.constant 2048 : i32
    %mul3A_361 = arith.muli %add3A_359, %mul3A_360 : i32
    %dma_start3A_362 = arith.constant 50 : i32
    %dma_start3A_363 = arith.constant 0 : i32
    %dma_start3A_364 = tpu.memref_slice %arg5[%dma_start3A_362, %dma_start3A_363] : memref<2112x32xf32, #tpu.memory_space<vmem>> -> memref<2048x32xf32, #tpu.memory_space<vmem>>
    %dma_start3A_365 = arith.constant 0 : i32
    %dma_start3A_366 = tpu.memref_slice %arg3[%mul3A_361, %dma_start3A_365] : memref<4194304x32xf32, #tpu.memory_space<hbm>> -> memref<2048x32xf32, #tpu.memory_space<hbm>>
    %dma_start3A_367 = arith.constant 0 : i32
    %dma_start3A_368 = tpu.memref_slice %arg3[%mul3A_361, %dma_start3A_367] : memref<4194304x32xf32, #tpu.memory_space<hbm>> -> memref<2048x32xf32, #tpu.memory_space<hbm>>
    %dma_start3A_369 = arith.constant 50 : i32
    %dma_start3A_370 = arith.constant 0 : i32
    %dma_start3A_371 = tpu.memref_slice %arg5[%dma_start3A_369, %dma_start3A_370] : memref<2112x32xf32, #tpu.memory_space<vmem>> -> memref<2048x32xf32, #tpu.memory_space<vmem>>
    tpu.enqueue_dma source(%dma_start3A_371 : memref<2048x32xf32, #tpu.memory_space<vmem>>) target(%dma_start3A_368 : memref<2048x32xf32, #tpu.memory_space<hbm>>) target_semaphore(%arg11 : memref<!tpu.dma_semaphore, #tpu.memory_space<semaphore_mem>>)
    %dma_wait3A_372 = arith.constant 57 : i32
    %dma_wait3A_373 = arith.constant 0 : i32
    %dma_wait3A_374 = tpu.memref_slice %arg5[%dma_wait3A_372, %dma_wait3A_373] : memref<2112x32xf32, #tpu.memory_space<vmem>> -> memref<2048x32xf32, #tpu.memory_space<vmem>>
    %dma_wait3A_375 = arith.constant 0 : i32
    %dma_wait3A_376 = tpu.memref_slice %arg3[%mul3A_204, %dma_wait3A_375] : memref<4194304x32xf32, #tpu.memory_space<hbm>> -> memref<2048x32xf32, #tpu.memory_space<hbm>>
    %dma_wait3A_377 = arith.constant 0 : i32
    %dma_wait3A_378 = tpu.memref_slice %arg3[%mul3A_204, %dma_wait3A_377] : memref<4194304x32xf32, #tpu.memory_space<hbm>> -> memref<2048x32xf32, #tpu.memory_space<hbm>>
    %dma_wait3A_379 = arith.constant 57 : i32
    %dma_wait3A_380 = arith.constant 0 : i32
    %dma_wait3A_381 = tpu.memref_slice %arg5[%dma_wait3A_379, %dma_wait3A_380] : memref<2112x32xf32, #tpu.memory_space<vmem>> -> memref<2048x32xf32, #tpu.memory_space<vmem>>
    tpu.wait_dma2 semaphore(%arg12 : memref<!tpu.dma_semaphore, #tpu.memory_space<semaphore_mem>>) src(%dma_wait3A_381 : memref<2048x32xf32, #tpu.memory_space<vmem>>) dst(%dma_wait3A_378 : memref<2048x32xf32, #tpu.memory_space<hbm>>)
    %add3A_382 = arith.constant 14 : i32
    %add3A_383 = arith.addi %mul3A_117, %add3A_382 : i32
    %mul3A_384 = arith.constant 2048 : i32
    %mul3A_385 = arith.muli %add3A_383, %mul3A_384 : i32
    %dma_start3A_386 = arith.constant 49 : i32
    %dma_start3A_387 = arith.constant 0 : i32
    %dma_start3A_388 = tpu.memref_slice %arg5[%dma_start3A_386, %dma_start3A_387] : memref<2112x32xf32, #tpu.memory_space<vmem>> -> memref<2048x32xf32, #tpu.memory_space<vmem>>
    %dma_start3A_389 = arith.constant 0 : i32
    %dma_start3A_390 = tpu.memref_slice %arg3[%mul3A_385, %dma_start3A_389] : memref<4194304x32xf32, #tpu.memory_space<hbm>> -> memref<2048x32xf32, #tpu.memory_space<hbm>>
    %dma_start3A_391 = arith.constant 0 : i32
    %dma_start3A_392 = tpu.memref_slice %arg3[%mul3A_385, %dma_start3A_391] : memref<4194304x32xf32, #tpu.memory_space<hbm>> -> memref<2048x32xf32, #tpu.memory_space<hbm>>
    %dma_start3A_393 = arith.constant 49 : i32
    %dma_start3A_394 = arith.constant 0 : i32
    %dma_start3A_395 = tpu.memref_slice %arg5[%dma_start3A_393, %dma_start3A_394] : memref<2112x32xf32, #tpu.memory_space<vmem>> -> memref<2048x32xf32, #tpu.memory_space<vmem>>
    tpu.enqueue_dma source(%dma_start3A_395 : memref<2048x32xf32, #tpu.memory_space<vmem>>) target(%dma_start3A_392 : memref<2048x32xf32, #tpu.memory_space<hbm>>) target_semaphore(%arg12 : memref<!tpu.dma_semaphore, #tpu.memory_space<semaphore_mem>>)
    %dma_wait3A_396 = arith.constant 56 : i32
    %dma_wait3A_397 = arith.constant 0 : i32
    %dma_wait3A_398 = tpu.memref_slice %arg5[%dma_wait3A_396, %dma_wait3A_397] : memref<2112x32xf32, #tpu.memory_space<vmem>> -> memref<2048x32xf32, #tpu.memory_space<vmem>>
    %dma_wait3A_399 = arith.constant 0 : i32
    %dma_wait3A_400 = tpu.memref_slice %arg3[%mul3A_218, %dma_wait3A_399] : memref<4194304x32xf32, #tpu.memory_space<hbm>> -> memref<2048x32xf32, #tpu.memory_space<hbm>>
    %dma_wait3A_401 = arith.constant 0 : i32
    %dma_wait3A_402 = tpu.memref_slice %arg3[%mul3A_218, %dma_wait3A_401] : memref<4194304x32xf32, #tpu.memory_space<hbm>> -> memref<2048x32xf32, #tpu.memory_space<hbm>>
    %dma_wait3A_403 = arith.constant 56 : i32
    %dma_wait3A_404 = arith.constant 0 : i32
    %dma_wait3A_405 = tpu.memref_slice %arg5[%dma_wait3A_403, %dma_wait3A_404] : memref<2112x32xf32, #tpu.memory_space<vmem>> -> memref<2048x32xf32, #tpu.memory_space<vmem>>
    tpu.wait_dma2 semaphore(%arg13 : memref<!tpu.dma_semaphore, #tpu.memory_space<semaphore_mem>>) src(%dma_wait3A_405 : memref<2048x32xf32, #tpu.memory_space<vmem>>) dst(%dma_wait3A_402 : memref<2048x32xf32, #tpu.memory_space<hbm>>)
    %add3A_406 = arith.constant 15 : i32
    %add3A_407 = arith.addi %mul3A_117, %add3A_406 : i32
    %mul3A_408 = arith.constant 2048 : i32
    %mul3A_409 = arith.muli %add3A_407, %mul3A_408 : i32
    %dma_start3A_410 = arith.constant 48 : i32
    %dma_start3A_411 = arith.constant 0 : i32
    %dma_start3A_412 = tpu.memref_slice %arg5[%dma_start3A_410, %dma_start3A_411] : memref<2112x32xf32, #tpu.memory_space<vmem>> -> memref<2048x32xf32, #tpu.memory_space<vmem>>
    %dma_start3A_413 = arith.constant 0 : i32
    %dma_start3A_414 = tpu.memref_slice %arg3[%mul3A_409, %dma_start3A_413] : memref<4194304x32xf32, #tpu.memory_space<hbm>> -> memref<2048x32xf32, #tpu.memory_space<hbm>>
    %dma_start3A_415 = arith.constant 0 : i32
    %dma_start3A_416 = tpu.memref_slice %arg3[%mul3A_409, %dma_start3A_415] : memref<4194304x32xf32, #tpu.memory_space<hbm>> -> memref<2048x32xf32, #tpu.memory_space<hbm>>
    %dma_start3A_417 = arith.constant 48 : i32
    %dma_start3A_418 = arith.constant 0 : i32
    %dma_start3A_419 = tpu.memref_slice %arg5[%dma_start3A_417, %dma_start3A_418] : memref<2112x32xf32, #tpu.memory_space<vmem>> -> memref<2048x32xf32, #tpu.memory_space<vmem>>
    tpu.enqueue_dma source(%dma_start3A_419 : memref<2048x32xf32, #tpu.memory_space<vmem>>) target(%dma_start3A_416 : memref<2048x32xf32, #tpu.memory_space<hbm>>) target_semaphore(%arg13 : memref<!tpu.dma_semaphore, #tpu.memory_space<semaphore_mem>>)
    %dma_wait3A_420 = arith.constant 55 : i32
    %dma_wait3A_421 = arith.constant 0 : i32
    %dma_wait3A_422 = tpu.memref_slice %arg5[%dma_wait3A_420, %dma_wait3A_421] : memref<2112x32xf32, #tpu.memory_space<vmem>> -> memref<2048x32xf32, #tpu.memory_space<vmem>>
    %dma_wait3A_423 = arith.constant 0 : i32
    %dma_wait3A_424 = tpu.memref_slice %arg3[%mul3A_241, %dma_wait3A_423] : memref<4194304x32xf32, #tpu.memory_space<hbm>> -> memref<2048x32xf32, #tpu.memory_space<hbm>>
    %dma_wait3A_425 = arith.constant 0 : i32
    %dma_wait3A_426 = tpu.memref_slice %arg3[%mul3A_241, %dma_wait3A_425] : memref<4194304x32xf32, #tpu.memory_space<hbm>> -> memref<2048x32xf32, #tpu.memory_space<hbm>>
    %dma_wait3A_427 = arith.constant 55 : i32
    %dma_wait3A_428 = arith.constant 0 : i32
    %dma_wait3A_429 = tpu.memref_slice %arg5[%dma_wait3A_427, %dma_wait3A_428] : memref<2112x32xf32, #tpu.memory_space<vmem>> -> memref<2048x32xf32, #tpu.memory_space<vmem>>
    tpu.wait_dma2 semaphore(%arg6 : memref<!tpu.dma_semaphore, #tpu.memory_space<semaphore_mem>>) src(%dma_wait3A_429 : memref<2048x32xf32, #tpu.memory_space<vmem>>) dst(%dma_wait3A_426 : memref<2048x32xf32, #tpu.memory_space<hbm>>)
    %add3A_430 = arith.constant 16 : i32
    %add3A_431 = arith.addi %mul3A_117, %add3A_430 : i32
    %mul3A_432 = arith.constant 2048 : i32
    %mul3A_433 = arith.muli %add3A_431, %mul3A_432 : i32
    %dma_start3A_434 = arith.constant 47 : i32
    %dma_start3A_435 = arith.constant 0 : i32
    %dma_start3A_436 = tpu.memref_slice %arg5[%dma_start3A_434, %dma_start3A_435] : memref<2112x32xf32, #tpu.memory_space<vmem>> -> memref<2048x32xf32, #tpu.memory_space<vmem>>
    %dma_start3A_437 = arith.constant 0 : i32
    %dma_start3A_438 = tpu.memref_slice %arg3[%mul3A_433, %dma_start3A_437] : memref<4194304x32xf32, #tpu.memory_space<hbm>> -> memref<2048x32xf32, #tpu.memory_space<hbm>>
    %dma_start3A_439 = arith.constant 0 : i32
    %dma_start3A_440 = tpu.memref_slice %arg3[%mul3A_433, %dma_start3A_439] : memref<4194304x32xf32, #tpu.memory_space<hbm>> -> memref<2048x32xf32, #tpu.memory_space<hbm>>
    %dma_start3A_441 = arith.constant 47 : i32
    %dma_start3A_442 = arith.constant 0 : i32
    %dma_start3A_443 = tpu.memref_slice %arg5[%dma_start3A_441, %dma_start3A_442] : memref<2112x32xf32, #tpu.memory_space<vmem>> -> memref<2048x32xf32, #tpu.memory_space<vmem>>
    tpu.enqueue_dma source(%dma_start3A_443 : memref<2048x32xf32, #tpu.memory_space<vmem>>) target(%dma_start3A_440 : memref<2048x32xf32, #tpu.memory_space<hbm>>) target_semaphore(%arg6 : memref<!tpu.dma_semaphore, #tpu.memory_space<semaphore_mem>>)
    %dma_wait3A_444 = arith.constant 54 : i32
    %dma_wait3A_445 = arith.constant 0 : i32
    %dma_wait3A_446 = tpu.memref_slice %arg5[%dma_wait3A_444, %dma_wait3A_445] : memref<2112x32xf32, #tpu.memory_space<vmem>> -> memref<2048x32xf32, #tpu.memory_space<vmem>>
    %dma_wait3A_447 = arith.constant 0 : i32
    %dma_wait3A_448 = tpu.memref_slice %arg3[%mul3A_265, %dma_wait3A_447] : memref<4194304x32xf32, #tpu.memory_space<hbm>> -> memref<2048x32xf32, #tpu.memory_space<hbm>>
    %dma_wait3A_449 = arith.constant 0 : i32
    %dma_wait3A_450 = tpu.memref_slice %arg3[%mul3A_265, %dma_wait3A_449] : memref<4194304x32xf32, #tpu.memory_space<hbm>> -> memref<2048x32xf32, #tpu.memory_space<hbm>>
    %dma_wait3A_451 = arith.constant 54 : i32
    %dma_wait3A_452 = arith.constant 0 : i32
    %dma_wait3A_453 = tpu.memref_slice %arg5[%dma_wait3A_451, %dma_wait3A_452] : memref<2112x32xf32, #tpu.memory_space<vmem>> -> memref<2048x32xf32, #tpu.memory_space<vmem>>
    tpu.wait_dma2 semaphore(%arg7 : memref<!tpu.dma_semaphore, #tpu.memory_space<semaphore_mem>>) src(%dma_wait3A_453 : memref<2048x32xf32, #tpu.memory_space<vmem>>) dst(%dma_wait3A_450 : memref<2048x32xf32, #tpu.memory_space<hbm>>)
    %add3A_454 = arith.constant 17 : i32
    %add3A_455 = arith.addi %mul3A_117, %add3A_454 : i32
    %mul3A_456 = arith.constant 2048 : i32
    %mul3A_457 = arith.muli %add3A_455, %mul3A_456 : i32
    %dma_start3A_458 = arith.constant 46 : i32
    %dma_start3A_459 = arith.constant 0 : i32
    %dma_start3A_460 = tpu.memref_slice %arg5[%dma_start3A_458, %dma_start3A_459] : memref<2112x32xf32, #tpu.memory_space<vmem>> -> memref<2048x32xf32, #tpu.memory_space<vmem>>
    %dma_start3A_461 = arith.constant 0 : i32
    %dma_start3A_462 = tpu.memref_slice %arg3[%mul3A_457, %dma_start3A_461] : memref<4194304x32xf32, #tpu.memory_space<hbm>> -> memref<2048x32xf32, #tpu.memory_space<hbm>>
    %dma_start3A_463 = arith.constant 0 : i32
    %dma_start3A_464 = tpu.memref_slice %arg3[%mul3A_457, %dma_start3A_463] : memref<4194304x32xf32, #tpu.memory_space<hbm>> -> memref<2048x32xf32, #tpu.memory_space<hbm>>
    %dma_start3A_465 = arith.constant 46 : i32
    %dma_start3A_466 = arith.constant 0 : i32
    %dma_start3A_467 = tpu.memref_slice %arg5[%dma_start3A_465, %dma_start3A_466] : memref<2112x32xf32, #tpu.memory_space<vmem>> -> memref<2048x32xf32, #tpu.memory_space<vmem>>
    tpu.enqueue_dma source(%dma_start3A_467 : memref<2048x32xf32, #tpu.memory_space<vmem>>) target(%dma_start3A_464 : memref<2048x32xf32, #tpu.memory_space<hbm>>) target_semaphore(%arg7 : memref<!tpu.dma_semaphore, #tpu.memory_space<semaphore_mem>>)
    %dma_wait3A_468 = arith.constant 53 : i32
    %dma_wait3A_469 = arith.constant 0 : i32
    %dma_wait3A_470 = tpu.memref_slice %arg5[%dma_wait3A_468, %dma_wait3A_469] : memref<2112x32xf32, #tpu.memory_space<vmem>> -> memref<2048x32xf32, #tpu.memory_space<vmem>>
    %dma_wait3A_471 = arith.constant 0 : i32
    %dma_wait3A_472 = tpu.memref_slice %arg3[%mul3A_289, %dma_wait3A_471] : memref<4194304x32xf32, #tpu.memory_space<hbm>> -> memref<2048x32xf32, #tpu.memory_space<hbm>>
    %dma_wait3A_473 = arith.constant 0 : i32
    %dma_wait3A_474 = tpu.memref_slice %arg3[%mul3A_289, %dma_wait3A_473] : memref<4194304x32xf32, #tpu.memory_space<hbm>> -> memref<2048x32xf32, #tpu.memory_space<hbm>>
    %dma_wait3A_475 = arith.constant 53 : i32
    %dma_wait3A_476 = arith.constant 0 : i32
    %dma_wait3A_477 = tpu.memref_slice %arg5[%dma_wait3A_475, %dma_wait3A_476] : memref<2112x32xf32, #tpu.memory_space<vmem>> -> memref<2048x32xf32, #tpu.memory_space<vmem>>
    tpu.wait_dma2 semaphore(%arg8 : memref<!tpu.dma_semaphore, #tpu.memory_space<semaphore_mem>>) src(%dma_wait3A_477 : memref<2048x32xf32, #tpu.memory_space<vmem>>) dst(%dma_wait3A_474 : memref<2048x32xf32, #tpu.memory_space<hbm>>)
    %add3A_478 = arith.constant 18 : i32
    %add3A_479 = arith.addi %mul3A_117, %add3A_478 : i32
    %mul3A_480 = arith.constant 2048 : i32
    %mul3A_481 = arith.muli %add3A_479, %mul3A_480 : i32
    %dma_start3A_482 = arith.constant 45 : i32
    %dma_start3A_483 = arith.constant 0 : i32
    %dma_start3A_484 = tpu.memref_slice %arg5[%dma_start3A_482, %dma_start3A_483] : memref<2112x32xf32, #tpu.memory_space<vmem>> -> memref<2048x32xf32, #tpu.memory_space<vmem>>
    %dma_start3A_485 = arith.constant 0 : i32
    %dma_start3A_486 = tpu.memref_slice %arg3[%mul3A_481, %dma_start3A_485] : memref<4194304x32xf32, #tpu.memory_space<hbm>> -> memref<2048x32xf32, #tpu.memory_space<hbm>>
    %dma_start3A_487 = arith.constant 0 : i32
    %dma_start3A_488 = tpu.memref_slice %arg3[%mul3A_481, %dma_start3A_487] : memref<4194304x32xf32, #tpu.memory_space<hbm>> -> memref<2048x32xf32, #tpu.memory_space<hbm>>
    %dma_start3A_489 = arith.constant 45 : i32
    %dma_start3A_490 = arith.constant 0 : i32
    %dma_start3A_491 = tpu.memref_slice %arg5[%dma_start3A_489, %dma_start3A_490] : memref<2112x32xf32, #tpu.memory_space<vmem>> -> memref<2048x32xf32, #tpu.memory_space<vmem>>
    tpu.enqueue_dma source(%dma_start3A_491 : memref<2048x32xf32, #tpu.memory_space<vmem>>) target(%dma_start3A_488 : memref<2048x32xf32, #tpu.memory_space<hbm>>) target_semaphore(%arg8 : memref<!tpu.dma_semaphore, #tpu.memory_space<semaphore_mem>>)
    %dma_wait3A_492 = arith.constant 52 : i32
    %dma_wait3A_493 = arith.constant 0 : i32
    %dma_wait3A_494 = tpu.memref_slice %arg5[%dma_wait3A_492, %dma_wait3A_493] : memref<2112x32xf32, #tpu.memory_space<vmem>> -> memref<2048x32xf32, #tpu.memory_space<vmem>>
    %dma_wait3A_495 = arith.constant 0 : i32
    %dma_wait3A_496 = tpu.memref_slice %arg3[%mul3A_313, %dma_wait3A_495] : memref<4194304x32xf32, #tpu.memory_space<hbm>> -> memref<2048x32xf32, #tpu.memory_space<hbm>>
    %dma_wait3A_497 = arith.constant 0 : i32
    %dma_wait3A_498 = tpu.memref_slice %arg3[%mul3A_313, %dma_wait3A_497] : memref<4194304x32xf32, #tpu.memory_space<hbm>> -> memref<2048x32xf32, #tpu.memory_space<hbm>>
    %dma_wait3A_499 = arith.constant 52 : i32
    %dma_wait3A_500 = arith.constant 0 : i32
    %dma_wait3A_501 = tpu.memref_slice %arg5[%dma_wait3A_499, %dma_wait3A_500] : memref<2112x32xf32, #tpu.memory_space<vmem>> -> memref<2048x32xf32, #tpu.memory_space<vmem>>
    tpu.wait_dma2 semaphore(%arg9 : memref<!tpu.dma_semaphore, #tpu.memory_space<semaphore_mem>>) src(%dma_wait3A_501 : memref<2048x32xf32, #tpu.memory_space<vmem>>) dst(%dma_wait3A_498 : memref<2048x32xf32, #tpu.memory_space<hbm>>)
    %add3A_502 = arith.constant 19 : i32
    %add3A_503 = arith.addi %mul3A_117, %add3A_502 : i32
    %mul3A_504 = arith.constant 2048 : i32
    %mul3A_505 = arith.muli %add3A_503, %mul3A_504 : i32
    %dma_start3A_506 = arith.constant 44 : i32
    %dma_start3A_507 = arith.constant 0 : i32
    %dma_start3A_508 = tpu.memref_slice %arg5[%dma_start3A_506, %dma_start3A_507] : memref<2112x32xf32, #tpu.memory_space<vmem>> -> memref<2048x32xf32, #tpu.memory_space<vmem>>
    %dma_start3A_509 = arith.constant 0 : i32
    %dma_start3A_510 = tpu.memref_slice %arg3[%mul3A_505, %dma_start3A_509] : memref<4194304x32xf32, #tpu.memory_space<hbm>> -> memref<2048x32xf32, #tpu.memory_space<hbm>>
    %dma_start3A_511 = arith.constant 0 : i32
    %dma_start3A_512 = tpu.memref_slice %arg3[%mul3A_505, %dma_start3A_511] : memref<4194304x32xf32, #tpu.memory_space<hbm>> -> memref<2048x32xf32, #tpu.memory_space<hbm>>
    %dma_start3A_513 = arith.constant 44 : i32
    %dma_start3A_514 = arith.constant 0 : i32
    %dma_start3A_515 = tpu.memref_slice %arg5[%dma_start3A_513, %dma_start3A_514] : memref<2112x32xf32, #tpu.memory_space<vmem>> -> memref<2048x32xf32, #tpu.memory_space<vmem>>
    tpu.enqueue_dma source(%dma_start3A_515 : memref<2048x32xf32, #tpu.memory_space<vmem>>) target(%dma_start3A_512 : memref<2048x32xf32, #tpu.memory_space<hbm>>) target_semaphore(%arg9 : memref<!tpu.dma_semaphore, #tpu.memory_space<semaphore_mem>>)
    %dma_wait3A_516 = arith.constant 51 : i32
    %dma_wait3A_517 = arith.constant 0 : i32
    %dma_wait3A_518 = tpu.memref_slice %arg5[%dma_wait3A_516, %dma_wait3A_517] : memref<2112x32xf32, #tpu.memory_space<vmem>> -> memref<2048x32xf32, #tpu.memory_space<vmem>>
    %dma_wait3A_519 = arith.constant 0 : i32
    %dma_wait3A_520 = tpu.memref_slice %arg3[%mul3A_337, %dma_wait3A_519] : memref<4194304x32xf32, #tpu.memory_space<hbm>> -> memref<2048x32xf32, #tpu.memory_space<hbm>>
    %dma_wait3A_521 = arith.constant 0 : i32
    %dma_wait3A_522 = tpu.memref_slice %arg3[%mul3A_337, %dma_wait3A_521] : memref<4194304x32xf32, #tpu.memory_space<hbm>> -> memref<2048x32xf32, #tpu.memory_space<hbm>>
    %dma_wait3A_523 = arith.constant 51 : i32
    %dma_wait3A_524 = arith.constant 0 : i32
    %dma_wait3A_525 = tpu.memref_slice %arg5[%dma_wait3A_523, %dma_wait3A_524] : memref<2112x32xf32, #tpu.memory_space<vmem>> -> memref<2048x32xf32, #tpu.memory_space<vmem>>
    tpu.wait_dma2 semaphore(%arg10 : memref<!tpu.dma_semaphore, #tpu.memory_space<semaphore_mem>>) src(%dma_wait3A_525 : memref<2048x32xf32, #tpu.memory_space<vmem>>) dst(%dma_wait3A_522 : memref<2048x32xf32, #tpu.memory_space<hbm>>)
    %add3A_526 = arith.constant 20 : i32
    %add3A_527 = arith.addi %mul3A_117, %add3A_526 : i32
    %mul3A_528 = arith.constant 2048 : i32
    %mul3A_529 = arith.muli %add3A_527, %mul3A_528 : i32
    %dma_start3A_530 = arith.constant 43 : i32
    %dma_start3A_531 = arith.constant 0 : i32
    %dma_start3A_532 = tpu.memref_slice %arg5[%dma_start3A_530, %dma_start3A_531] : memref<2112x32xf32, #tpu.memory_space<vmem>> -> memref<2048x32xf32, #tpu.memory_space<vmem>>
    %dma_start3A_533 = arith.constant 0 : i32
    %dma_start3A_534 = tpu.memref_slice %arg3[%mul3A_529, %dma_start3A_533] : memref<4194304x32xf32, #tpu.memory_space<hbm>> -> memref<2048x32xf32, #tpu.memory_space<hbm>>
    %dma_start3A_535 = arith.constant 0 : i32
    %dma_start3A_536 = tpu.memref_slice %arg3[%mul3A_529, %dma_start3A_535] : memref<4194304x32xf32, #tpu.memory_space<hbm>> -> memref<2048x32xf32, #tpu.memory_space<hbm>>
    %dma_start3A_537 = arith.constant 43 : i32
    %dma_start3A_538 = arith.constant 0 : i32
    %dma_start3A_539 = tpu.memref_slice %arg5[%dma_start3A_537, %dma_start3A_538] : memref<2112x32xf32, #tpu.memory_space<vmem>> -> memref<2048x32xf32, #tpu.memory_space<vmem>>
    tpu.enqueue_dma source(%dma_start3A_539 : memref<2048x32xf32, #tpu.memory_space<vmem>>) target(%dma_start3A_536 : memref<2048x32xf32, #tpu.memory_space<hbm>>) target_semaphore(%arg10 : memref<!tpu.dma_semaphore, #tpu.memory_space<semaphore_mem>>)
    %dma_wait3A_540 = arith.constant 50 : i32
    %dma_wait3A_541 = arith.constant 0 : i32
    %dma_wait3A_542 = tpu.memref_slice %arg5[%dma_wait3A_540, %dma_wait3A_541] : memref<2112x32xf32, #tpu.memory_space<vmem>> -> memref<2048x32xf32, #tpu.memory_space<vmem>>
    %dma_wait3A_543 = arith.constant 0 : i32
    %dma_wait3A_544 = tpu.memref_slice %arg3[%mul3A_361, %dma_wait3A_543] : memref<4194304x32xf32, #tpu.memory_space<hbm>> -> memref<2048x32xf32, #tpu.memory_space<hbm>>
    %dma_wait3A_545 = arith.constant 0 : i32
    %dma_wait3A_546 = tpu.memref_slice %arg3[%mul3A_361, %dma_wait3A_545] : memref<4194304x32xf32, #tpu.memory_space<hbm>> -> memref<2048x32xf32, #tpu.memory_space<hbm>>
    %dma_wait3A_547 = arith.constant 50 : i32
    %dma_wait3A_548 = arith.constant 0 : i32
    %dma_wait3A_549 = tpu.memref_slice %arg5[%dma_wait3A_547, %dma_wait3A_548] : memref<2112x32xf32, #tpu.memory_space<vmem>> -> memref<2048x32xf32, #tpu.memory_space<vmem>>
    tpu.wait_dma2 semaphore(%arg11 : memref<!tpu.dma_semaphore, #tpu.memory_space<semaphore_mem>>) src(%dma_wait3A_549 : memref<2048x32xf32, #tpu.memory_space<vmem>>) dst(%dma_wait3A_546 : memref<2048x32xf32, #tpu.memory_space<hbm>>)
    %add3A_550 = arith.constant 21 : i32
    %add3A_551 = arith.addi %mul3A_117, %add3A_550 : i32
    %mul3A_552 = arith.constant 2048 : i32
    %mul3A_553 = arith.muli %add3A_551, %mul3A_552 : i32
    %dma_start3A_554 = arith.constant 42 : i32
    %dma_start3A_555 = arith.constant 0 : i32
    %dma_start3A_556 = tpu.memref_slice %arg5[%dma_start3A_554, %dma_start3A_555] : memref<2112x32xf32, #tpu.memory_space<vmem>> -> memref<2048x32xf32, #tpu.memory_space<vmem>>
    %dma_start3A_557 = arith.constant 0 : i32
    %dma_start3A_558 = tpu.memref_slice %arg3[%mul3A_553, %dma_start3A_557] : memref<4194304x32xf32, #tpu.memory_space<hbm>> -> memref<2048x32xf32, #tpu.memory_space<hbm>>
    %dma_start3A_559 = arith.constant 0 : i32
    %dma_start3A_560 = tpu.memref_slice %arg3[%mul3A_553, %dma_start3A_559] : memref<4194304x32xf32, #tpu.memory_space<hbm>> -> memref<2048x32xf32, #tpu.memory_space<hbm>>
    %dma_start3A_561 = arith.constant 42 : i32
    %dma_start3A_562 = arith.constant 0 : i32
    %dma_start3A_563 = tpu.memref_slice %arg5[%dma_start3A_561, %dma_start3A_562] : memref<2112x32xf32, #tpu.memory_space<vmem>> -> memref<2048x32xf32, #tpu.memory_space<vmem>>
    tpu.enqueue_dma source(%dma_start3A_563 : memref<2048x32xf32, #tpu.memory_space<vmem>>) target(%dma_start3A_560 : memref<2048x32xf32, #tpu.memory_space<hbm>>) target_semaphore(%arg11 : memref<!tpu.dma_semaphore, #tpu.memory_space<semaphore_mem>>)
    %dma_wait3A_564 = arith.constant 49 : i32
    %dma_wait3A_565 = arith.constant 0 : i32
    %dma_wait3A_566 = tpu.memref_slice %arg5[%dma_wait3A_564, %dma_wait3A_565] : memref<2112x32xf32, #tpu.memory_space<vmem>> -> memref<2048x32xf32, #tpu.memory_space<vmem>>
    %dma_wait3A_567 = arith.constant 0 : i32
    %dma_wait3A_568 = tpu.memref_slice %arg3[%mul3A_385, %dma_wait3A_567] : memref<4194304x32xf32, #tpu.memory_space<hbm>> -> memref<2048x32xf32, #tpu.memory_space<hbm>>
    %dma_wait3A_569 = arith.constant 0 : i32
    %dma_wait3A_570 = tpu.memref_slice %arg3[%mul3A_385, %dma_wait3A_569] : memref<4194304x32xf32, #tpu.memory_space<hbm>> -> memref<2048x32xf32, #tpu.memory_space<hbm>>
    %dma_wait3A_571 = arith.constant 49 : i32
    %dma_wait3A_572 = arith.constant 0 : i32
    %dma_wait3A_573 = tpu.memref_slice %arg5[%dma_wait3A_571, %dma_wait3A_572] : memref<2112x32xf32, #tpu.memory_space<vmem>> -> memref<2048x32xf32, #tpu.memory_space<vmem>>
    tpu.wait_dma2 semaphore(%arg12 : memref<!tpu.dma_semaphore, #tpu.memory_space<semaphore_mem>>) src(%dma_wait3A_573 : memref<2048x32xf32, #tpu.memory_space<vmem>>) dst(%dma_wait3A_570 : memref<2048x32xf32, #tpu.memory_space<hbm>>)
    %add3A_574 = arith.constant 22 : i32
    %add3A_575 = arith.addi %mul3A_117, %add3A_574 : i32
    %mul3A_576 = arith.constant 2048 : i32
    %mul3A_577 = arith.muli %add3A_575, %mul3A_576 : i32
    %dma_start3A_578 = arith.constant 41 : i32
    %dma_start3A_579 = arith.constant 0 : i32
    %dma_start3A_580 = tpu.memref_slice %arg5[%dma_start3A_578, %dma_start3A_579] : memref<2112x32xf32, #tpu.memory_space<vmem>> -> memref<2048x32xf32, #tpu.memory_space<vmem>>
    %dma_start3A_581 = arith.constant 0 : i32
    %dma_start3A_582 = tpu.memref_slice %arg3[%mul3A_577, %dma_start3A_581] : memref<4194304x32xf32, #tpu.memory_space<hbm>> -> memref<2048x32xf32, #tpu.memory_space<hbm>>
    %dma_start3A_583 = arith.constant 0 : i32
    %dma_start3A_584 = tpu.memref_slice %arg3[%mul3A_577, %dma_start3A_583] : memref<4194304x32xf32, #tpu.memory_space<hbm>> -> memref<2048x32xf32, #tpu.memory_space<hbm>>
    %dma_start3A_585 = arith.constant 41 : i32
    %dma_start3A_586 = arith.constant 0 : i32
    %dma_start3A_587 = tpu.memref_slice %arg5[%dma_start3A_585, %dma_start3A_586] : memref<2112x32xf32, #tpu.memory_space<vmem>> -> memref<2048x32xf32, #tpu.memory_space<vmem>>
    tpu.enqueue_dma source(%dma_start3A_587 : memref<2048x32xf32, #tpu.memory_space<vmem>>) target(%dma_start3A_584 : memref<2048x32xf32, #tpu.memory_space<hbm>>) target_semaphore(%arg12 : memref<!tpu.dma_semaphore, #tpu.memory_space<semaphore_mem>>)
    %dma_wait3A_588 = arith.constant 48 : i32
    %dma_wait3A_589 = arith.constant 0 : i32
    %dma_wait3A_590 = tpu.memref_slice %arg5[%dma_wait3A_588, %dma_wait3A_589] : memref<2112x32xf32, #tpu.memory_space<vmem>> -> memref<2048x32xf32, #tpu.memory_space<vmem>>
    %dma_wait3A_591 = arith.constant 0 : i32
    %dma_wait3A_592 = tpu.memref_slice %arg3[%mul3A_409, %dma_wait3A_591] : memref<4194304x32xf32, #tpu.memory_space<hbm>> -> memref<2048x32xf32, #tpu.memory_space<hbm>>
    %dma_wait3A_593 = arith.constant 0 : i32
    %dma_wait3A_594 = tpu.memref_slice %arg3[%mul3A_409, %dma_wait3A_593] : memref<4194304x32xf32, #tpu.memory_space<hbm>> -> memref<2048x32xf32, #tpu.memory_space<hbm>>
    %dma_wait3A_595 = arith.constant 48 : i32
    %dma_wait3A_596 = arith.constant 0 : i32
    %dma_wait3A_597 = tpu.memref_slice %arg5[%dma_wait3A_595, %dma_wait3A_596] : memref<2112x32xf32, #tpu.memory_space<vmem>> -> memref<2048x32xf32, #tpu.memory_space<vmem>>
    tpu.wait_dma2 semaphore(%arg13 : memref<!tpu.dma_semaphore, #tpu.memory_space<semaphore_mem>>) src(%dma_wait3A_597 : memref<2048x32xf32, #tpu.memory_space<vmem>>) dst(%dma_wait3A_594 : memref<2048x32xf32, #tpu.memory_space<hbm>>)
    %add3A_598 = arith.constant 23 : i32
    %add3A_599 = arith.addi %mul3A_117, %add3A_598 : i32
    %mul3A_600 = arith.constant 2048 : i32
    %mul3A_601 = arith.muli %add3A_599, %mul3A_600 : i32
    %dma_start3A_602 = arith.constant 40 : i32
    %dma_start3A_603 = arith.constant 0 : i32
    %dma_start3A_604 = tpu.memref_slice %arg5[%dma_start3A_602, %dma_start3A_603] : memref<2112x32xf32, #tpu.memory_space<vmem>> -> memref<2048x32xf32, #tpu.memory_space<vmem>>
    %dma_start3A_605 = arith.constant 0 : i32
    %dma_start3A_606 = tpu.memref_slice %arg3[%mul3A_601, %dma_start3A_605] : memref<4194304x32xf32, #tpu.memory_space<hbm>> -> memref<2048x32xf32, #tpu.memory_space<hbm>>
    %dma_start3A_607 = arith.constant 0 : i32
    %dma_start3A_608 = tpu.memref_slice %arg3[%mul3A_601, %dma_start3A_607] : memref<4194304x32xf32, #tpu.memory_space<hbm>> -> memref<2048x32xf32, #tpu.memory_space<hbm>>
    %dma_start3A_609 = arith.constant 40 : i32
    %dma_start3A_610 = arith.constant 0 : i32
    %dma_start3A_611 = tpu.memref_slice %arg5[%dma_start3A_609, %dma_start3A_610] : memref<2112x32xf32, #tpu.memory_space<vmem>> -> memref<2048x32xf32, #tpu.memory_space<vmem>>
    tpu.enqueue_dma source(%dma_start3A_611 : memref<2048x32xf32, #tpu.memory_space<vmem>>) target(%dma_start3A_608 : memref<2048x32xf32, #tpu.memory_space<hbm>>) target_semaphore(%arg13 : memref<!tpu.dma_semaphore, #tpu.memory_space<semaphore_mem>>)
    %dma_wait3A_612 = arith.constant 47 : i32
    %dma_wait3A_613 = arith.constant 0 : i32
    %dma_wait3A_614 = tpu.memref_slice %arg5[%dma_wait3A_612, %dma_wait3A_613] : memref<2112x32xf32, #tpu.memory_space<vmem>> -> memref<2048x32xf32, #tpu.memory_space<vmem>>
    %dma_wait3A_615 = arith.constant 0 : i32
    %dma_wait3A_616 = tpu.memref_slice %arg3[%mul3A_433, %dma_wait3A_615] : memref<4194304x32xf32, #tpu.memory_space<hbm>> -> memref<2048x32xf32, #tpu.memory_space<hbm>>
    %dma_wait3A_617 = arith.constant 0 : i32
    %dma_wait3A_618 = tpu.memref_slice %arg3[%mul3A_433, %dma_wait3A_617] : memref<4194304x32xf32, #tpu.memory_space<hbm>> -> memref<2048x32xf32, #tpu.memory_space<hbm>>
    %dma_wait3A_619 = arith.constant 47 : i32
    %dma_wait3A_620 = arith.constant 0 : i32
    %dma_wait3A_621 = tpu.memref_slice %arg5[%dma_wait3A_619, %dma_wait3A_620] : memref<2112x32xf32, #tpu.memory_space<vmem>> -> memref<2048x32xf32, #tpu.memory_space<vmem>>
    tpu.wait_dma2 semaphore(%arg6 : memref<!tpu.dma_semaphore, #tpu.memory_space<semaphore_mem>>) src(%dma_wait3A_621 : memref<2048x32xf32, #tpu.memory_space<vmem>>) dst(%dma_wait3A_618 : memref<2048x32xf32, #tpu.memory_space<hbm>>)
    %add3A_622 = arith.constant 24 : i32
    %add3A_623 = arith.addi %mul3A_117, %add3A_622 : i32
    %mul3A_624 = arith.constant 2048 : i32
    %mul3A_625 = arith.muli %add3A_623, %mul3A_624 : i32
    %dma_start3A_626 = arith.constant 39 : i32
    %dma_start3A_627 = arith.constant 0 : i32
    %dma_start3A_628 = tpu.memref_slice %arg5[%dma_start3A_626, %dma_start3A_627] : memref<2112x32xf32, #tpu.memory_space<vmem>> -> memref<2048x32xf32, #tpu.memory_space<vmem>>
    %dma_start3A_629 = arith.constant 0 : i32
    %dma_start3A_630 = tpu.memref_slice %arg3[%mul3A_625, %dma_start3A_629] : memref<4194304x32xf32, #tpu.memory_space<hbm>> -> memref<2048x32xf32, #tpu.memory_space<hbm>>
    %dma_start3A_631 = arith.constant 0 : i32
    %dma_start3A_632 = tpu.memref_slice %arg3[%mul3A_625, %dma_start3A_631] : memref<4194304x32xf32, #tpu.memory_space<hbm>> -> memref<2048x32xf32, #tpu.memory_space<hbm>>
    %dma_start3A_633 = arith.constant 39 : i32
    %dma_start3A_634 = arith.constant 0 : i32
    %dma_start3A_635 = tpu.memref_slice %arg5[%dma_start3A_633, %dma_start3A_634] : memref<2112x32xf32, #tpu.memory_space<vmem>> -> memref<2048x32xf32, #tpu.memory_space<vmem>>
    tpu.enqueue_dma source(%dma_start3A_635 : memref<2048x32xf32, #tpu.memory_space<vmem>>) target(%dma_start3A_632 : memref<2048x32xf32, #tpu.memory_space<hbm>>) target_semaphore(%arg6 : memref<!tpu.dma_semaphore, #tpu.memory_space<semaphore_mem>>)
    %dma_wait3A_636 = arith.constant 46 : i32
    %dma_wait3A_637 = arith.constant 0 : i32
    %dma_wait3A_638 = tpu.memref_slice %arg5[%dma_wait3A_636, %dma_wait3A_637] : memref<2112x32xf32, #tpu.memory_space<vmem>> -> memref<2048x32xf32, #tpu.memory_space<vmem>>
    %dma_wait3A_639 = arith.constant 0 : i32
    %dma_wait3A_640 = tpu.memref_slice %arg3[%mul3A_457, %dma_wait3A_639] : memref<4194304x32xf32, #tpu.memory_space<hbm>> -> memref<2048x32xf32, #tpu.memory_space<hbm>>
    %dma_wait3A_641 = arith.constant 0 : i32
    %dma_wait3A_642 = tpu.memref_slice %arg3[%mul3A_457, %dma_wait3A_641] : memref<4194304x32xf32, #tpu.memory_space<hbm>> -> memref<2048x32xf32, #tpu.memory_space<hbm>>
    %dma_wait3A_643 = arith.constant 46 : i32
    %dma_wait3A_644 = arith.constant 0 : i32
    %dma_wait3A_645 = tpu.memref_slice %arg5[%dma_wait3A_643, %dma_wait3A_644] : memref<2112x32xf32, #tpu.memory_space<vmem>> -> memref<2048x32xf32, #tpu.memory_space<vmem>>
    tpu.wait_dma2 semaphore(%arg7 : memref<!tpu.dma_semaphore, #tpu.memory_space<semaphore_mem>>) src(%dma_wait3A_645 : memref<2048x32xf32, #tpu.memory_space<vmem>>) dst(%dma_wait3A_642 : memref<2048x32xf32, #tpu.memory_space<hbm>>)
    %add3A_646 = arith.constant 25 : i32
    %add3A_647 = arith.addi %mul3A_117, %add3A_646 : i32
    %mul3A_648 = arith.constant 2048 : i32
    %mul3A_649 = arith.muli %add3A_647, %mul3A_648 : i32
    %dma_start3A_650 = arith.constant 38 : i32
    %dma_start3A_651 = arith.constant 0 : i32
    %dma_start3A_652 = tpu.memref_slice %arg5[%dma_start3A_650, %dma_start3A_651] : memref<2112x32xf32, #tpu.memory_space<vmem>> -> memref<2048x32xf32, #tpu.memory_space<vmem>>
    %dma_start3A_653 = arith.constant 0 : i32
    %dma_start3A_654 = tpu.memref_slice %arg3[%mul3A_649, %dma_start3A_653] : memref<4194304x32xf32, #tpu.memory_space<hbm>> -> memref<2048x32xf32, #tpu.memory_space<hbm>>
    %dma_start3A_655 = arith.constant 0 : i32
    %dma_start3A_656 = tpu.memref_slice %arg3[%mul3A_649, %dma_start3A_655] : memref<4194304x32xf32, #tpu.memory_space<hbm>> -> memref<2048x32xf32, #tpu.memory_space<hbm>>
    %dma_start3A_657 = arith.constant 38 : i32
    %dma_start3A_658 = arith.constant 0 : i32
    %dma_start3A_659 = tpu.memref_slice %arg5[%dma_start3A_657, %dma_start3A_658] : memref<2112x32xf32, #tpu.memory_space<vmem>> -> memref<2048x32xf32, #tpu.memory_space<vmem>>
    tpu.enqueue_dma source(%dma_start3A_659 : memref<2048x32xf32, #tpu.memory_space<vmem>>) target(%dma_start3A_656 : memref<2048x32xf32, #tpu.memory_space<hbm>>) target_semaphore(%arg7 : memref<!tpu.dma_semaphore, #tpu.memory_space<semaphore_mem>>)
    %dma_wait3A_660 = arith.constant 45 : i32
    %dma_wait3A_661 = arith.constant 0 : i32
    %dma_wait3A_662 = tpu.memref_slice %arg5[%dma_wait3A_660, %dma_wait3A_661] : memref<2112x32xf32, #tpu.memory_space<vmem>> -> memref<2048x32xf32, #tpu.memory_space<vmem>>
    %dma_wait3A_663 = arith.constant 0 : i32
    %dma_wait3A_664 = tpu.memref_slice %arg3[%mul3A_481, %dma_wait3A_663] : memref<4194304x32xf32, #tpu.memory_space<hbm>> -> memref<2048x32xf32, #tpu.memory_space<hbm>>
    %dma_wait3A_665 = arith.constant 0 : i32
    %dma_wait3A_666 = tpu.memref_slice %arg3[%mul3A_481, %dma_wait3A_665] : memref<4194304x32xf32, #tpu.memory_space<hbm>> -> memref<2048x32xf32, #tpu.memory_space<hbm>>
    %dma_wait3A_667 = arith.constant 45 : i32
    %dma_wait3A_668 = arith.constant 0 : i32
    %dma_wait3A_669 = tpu.memref_slice %arg5[%dma_wait3A_667, %dma_wait3A_668] : memref<2112x32xf32, #tpu.memory_space<vmem>> -> memref<2048x32xf32, #tpu.memory_space<vmem>>
    tpu.wait_dma2 semaphore(%arg8 : memref<!tpu.dma_semaphore, #tpu.memory_space<semaphore_mem>>) src(%dma_wait3A_669 : memref<2048x32xf32, #tpu.memory_space<vmem>>) dst(%dma_wait3A_666 : memref<2048x32xf32, #tpu.memory_space<hbm>>)
    %add3A_670 = arith.constant 26 : i32
    %add3A_671 = arith.addi %mul3A_117, %add3A_670 : i32
    %mul3A_672 = arith.constant 2048 : i32
    %mul3A_673 = arith.muli %add3A_671, %mul3A_672 : i32
    %dma_start3A_674 = arith.constant 37 : i32
    %dma_start3A_675 = arith.constant 0 : i32
    %dma_start3A_676 = tpu.memref_slice %arg5[%dma_start3A_674, %dma_start3A_675] : memref<2112x32xf32, #tpu.memory_space<vmem>> -> memref<2048x32xf32, #tpu.memory_space<vmem>>
    %dma_start3A_677 = arith.constant 0 : i32
    %dma_start3A_678 = tpu.memref_slice %arg3[%mul3A_673, %dma_start3A_677] : memref<4194304x32xf32, #tpu.memory_space<hbm>> -> memref<2048x32xf32, #tpu.memory_space<hbm>>
    %dma_start3A_679 = arith.constant 0 : i32
    %dma_start3A_680 = tpu.memref_slice %arg3[%mul3A_673, %dma_start3A_679] : memref<4194304x32xf32, #tpu.memory_space<hbm>> -> memref<2048x32xf32, #tpu.memory_space<hbm>>
    %dma_start3A_681 = arith.constant 37 : i32
    %dma_start3A_682 = arith.constant 0 : i32
    %dma_start3A_683 = tpu.memref_slice %arg5[%dma_start3A_681, %dma_start3A_682] : memref<2112x32xf32, #tpu.memory_space<vmem>> -> memref<2048x32xf32, #tpu.memory_space<vmem>>
    tpu.enqueue_dma source(%dma_start3A_683 : memref<2048x32xf32, #tpu.memory_space<vmem>>) target(%dma_start3A_680 : memref<2048x32xf32, #tpu.memory_space<hbm>>) target_semaphore(%arg8 : memref<!tpu.dma_semaphore, #tpu.memory_space<semaphore_mem>>)
    %dma_wait3A_684 = arith.constant 44 : i32
    %dma_wait3A_685 = arith.constant 0 : i32
    %dma_wait3A_686 = tpu.memref_slice %arg5[%dma_wait3A_684, %dma_wait3A_685] : memref<2112x32xf32, #tpu.memory_space<vmem>> -> memref<2048x32xf32, #tpu.memory_space<vmem>>
    %dma_wait3A_687 = arith.constant 0 : i32
    %dma_wait3A_688 = tpu.memref_slice %arg3[%mul3A_505, %dma_wait3A_687] : memref<4194304x32xf32, #tpu.memory_space<hbm>> -> memref<2048x32xf32, #tpu.memory_space<hbm>>
    %dma_wait3A_689 = arith.constant 0 : i32
    %dma_wait3A_690 = tpu.memref_slice %arg3[%mul3A_505, %dma_wait3A_689] : memref<4194304x32xf32, #tpu.memory_space<hbm>> -> memref<2048x32xf32, #tpu.memory_space<hbm>>
    %dma_wait3A_691 = arith.constant 44 : i32
    %dma_wait3A_692 = arith.constant 0 : i32
    %dma_wait3A_693 = tpu.memref_slice %arg5[%dma_wait3A_691, %dma_wait3A_692] : memref<2112x32xf32, #tpu.memory_space<vmem>> -> memref<2048x32xf32, #tpu.memory_space<vmem>>
    tpu.wait_dma2 semaphore(%arg9 : memref<!tpu.dma_semaphore, #tpu.memory_space<semaphore_mem>>) src(%dma_wait3A_693 : memref<2048x32xf32, #tpu.memory_space<vmem>>) dst(%dma_wait3A_690 : memref<2048x32xf32, #tpu.memory_space<hbm>>)
    %add3A_694 = arith.constant 27 : i32
    %add3A_695 = arith.addi %mul3A_117, %add3A_694 : i32
    %mul3A_696 = arith.constant 2048 : i32
    %mul3A_697 = arith.muli %add3A_695, %mul3A_696 : i32
    %dma_start3A_698 = arith.constant 36 : i32
    %dma_start3A_699 = arith.constant 0 : i32
    %dma_start3A_700 = tpu.memref_slice %arg5[%dma_start3A_698, %dma_start3A_699] : memref<2112x32xf32, #tpu.memory_space<vmem>> -> memref<2048x32xf32, #tpu.memory_space<vmem>>
    %dma_start3A_701 = arith.constant 0 : i32
    %dma_start3A_702 = tpu.memref_slice %arg3[%mul3A_697, %dma_start3A_701] : memref<4194304x32xf32, #tpu.memory_space<hbm>> -> memref<2048x32xf32, #tpu.memory_space<hbm>>
    %dma_start3A_703 = arith.constant 0 : i32
    %dma_start3A_704 = tpu.memref_slice %arg3[%mul3A_697, %dma_start3A_703] : memref<4194304x32xf32, #tpu.memory_space<hbm>> -> memref<2048x32xf32, #tpu.memory_space<hbm>>
    %dma_start3A_705 = arith.constant 36 : i32
    %dma_start3A_706 = arith.constant 0 : i32
    %dma_start3A_707 = tpu.memref_slice %arg5[%dma_start3A_705, %dma_start3A_706] : memref<2112x32xf32, #tpu.memory_space<vmem>> -> memref<2048x32xf32, #tpu.memory_space<vmem>>
    tpu.enqueue_dma source(%dma_start3A_707 : memref<2048x32xf32, #tpu.memory_space<vmem>>) target(%dma_start3A_704 : memref<2048x32xf32, #tpu.memory_space<hbm>>) target_semaphore(%arg9 : memref<!tpu.dma_semaphore, #tpu.memory_space<semaphore_mem>>)
    %dma_wait3A_708 = arith.constant 43 : i32
    %dma_wait3A_709 = arith.constant 0 : i32
    %dma_wait3A_710 = tpu.memref_slice %arg5[%dma_wait3A_708, %dma_wait3A_709] : memref<2112x32xf32, #tpu.memory_space<vmem>> -> memref<2048x32xf32, #tpu.memory_space<vmem>>
    %dma_wait3A_711 = arith.constant 0 : i32
    %dma_wait3A_712 = tpu.memref_slice %arg3[%mul3A_529, %dma_wait3A_711] : memref<4194304x32xf32, #tpu.memory_space<hbm>> -> memref<2048x32xf32, #tpu.memory_space<hbm>>
    %dma_wait3A_713 = arith.constant 0 : i32
    %dma_wait3A_714 = tpu.memref_slice %arg3[%mul3A_529, %dma_wait3A_713] : memref<4194304x32xf32, #tpu.memory_space<hbm>> -> memref<2048x32xf32, #tpu.memory_space<hbm>>
    %dma_wait3A_715 = arith.constant 43 : i32
    %dma_wait3A_716 = arith.constant 0 : i32
    %dma_wait3A_717 = tpu.memref_slice %arg5[%dma_wait3A_715, %dma_wait3A_716] : memref<2112x32xf32, #tpu.memory_space<vmem>> -> memref<2048x32xf32, #tpu.memory_space<vmem>>
    tpu.wait_dma2 semaphore(%arg10 : memref<!tpu.dma_semaphore, #tpu.memory_space<semaphore_mem>>) src(%dma_wait3A_717 : memref<2048x32xf32, #tpu.memory_space<vmem>>) dst(%dma_wait3A_714 : memref<2048x32xf32, #tpu.memory_space<hbm>>)
    %add3A_718 = arith.constant 28 : i32
    %add3A_719 = arith.addi %mul3A_117, %add3A_718 : i32
    %mul3A_720 = arith.constant 2048 : i32
    %mul3A_721 = arith.muli %add3A_719, %mul3A_720 : i32
    %dma_start3A_722 = arith.constant 35 : i32
    %dma_start3A_723 = arith.constant 0 : i32
    %dma_start3A_724 = tpu.memref_slice %arg5[%dma_start3A_722, %dma_start3A_723] : memref<2112x32xf32, #tpu.memory_space<vmem>> -> memref<2048x32xf32, #tpu.memory_space<vmem>>
    %dma_start3A_725 = arith.constant 0 : i32
    %dma_start3A_726 = tpu.memref_slice %arg3[%mul3A_721, %dma_start3A_725] : memref<4194304x32xf32, #tpu.memory_space<hbm>> -> memref<2048x32xf32, #tpu.memory_space<hbm>>
    %dma_start3A_727 = arith.constant 0 : i32
    %dma_start3A_728 = tpu.memref_slice %arg3[%mul3A_721, %dma_start3A_727] : memref<4194304x32xf32, #tpu.memory_space<hbm>> -> memref<2048x32xf32, #tpu.memory_space<hbm>>
    %dma_start3A_729 = arith.constant 35 : i32
    %dma_start3A_730 = arith.constant 0 : i32
    %dma_start3A_731 = tpu.memref_slice %arg5[%dma_start3A_729, %dma_start3A_730] : memref<2112x32xf32, #tpu.memory_space<vmem>> -> memref<2048x32xf32, #tpu.memory_space<vmem>>
    tpu.enqueue_dma source(%dma_start3A_731 : memref<2048x32xf32, #tpu.memory_space<vmem>>) target(%dma_start3A_728 : memref<2048x32xf32, #tpu.memory_space<hbm>>) target_semaphore(%arg10 : memref<!tpu.dma_semaphore, #tpu.memory_space<semaphore_mem>>)
    %dma_wait3A_732 = arith.constant 42 : i32
    %dma_wait3A_733 = arith.constant 0 : i32
    %dma_wait3A_734 = tpu.memref_slice %arg5[%dma_wait3A_732, %dma_wait3A_733] : memref<2112x32xf32, #tpu.memory_space<vmem>> -> memref<2048x32xf32, #tpu.memory_space<vmem>>
    %dma_wait3A_735 = arith.constant 0 : i32
    %dma_wait3A_736 = tpu.memref_slice %arg3[%mul3A_553, %dma_wait3A_735] : memref<4194304x32xf32, #tpu.memory_space<hbm>> -> memref<2048x32xf32, #tpu.memory_space<hbm>>
    %dma_wait3A_737 = arith.constant 0 : i32
    %dma_wait3A_738 = tpu.memref_slice %arg3[%mul3A_553, %dma_wait3A_737] : memref<4194304x32xf32, #tpu.memory_space<hbm>> -> memref<2048x32xf32, #tpu.memory_space<hbm>>
    %dma_wait3A_739 = arith.constant 42 : i32
    %dma_wait3A_740 = arith.constant 0 : i32
    %dma_wait3A_741 = tpu.memref_slice %arg5[%dma_wait3A_739, %dma_wait3A_740] : memref<2112x32xf32, #tpu.memory_space<vmem>> -> memref<2048x32xf32, #tpu.memory_space<vmem>>
    tpu.wait_dma2 semaphore(%arg11 : memref<!tpu.dma_semaphore, #tpu.memory_space<semaphore_mem>>) src(%dma_wait3A_741 : memref<2048x32xf32, #tpu.memory_space<vmem>>) dst(%dma_wait3A_738 : memref<2048x32xf32, #tpu.memory_space<hbm>>)
    %add3A_742 = arith.constant 29 : i32
    %add3A_743 = arith.addi %mul3A_117, %add3A_742 : i32
    %mul3A_744 = arith.constant 2048 : i32
    %mul3A_745 = arith.muli %add3A_743, %mul3A_744 : i32
    %dma_start3A_746 = arith.constant 34 : i32
    %dma_start3A_747 = arith.constant 0 : i32
    %dma_start3A_748 = tpu.memref_slice %arg5[%dma_start3A_746, %dma_start3A_747] : memref<2112x32xf32, #tpu.memory_space<vmem>> -> memref<2048x32xf32, #tpu.memory_space<vmem>>
    %dma_start3A_749 = arith.constant 0 : i32
    %dma_start3A_750 = tpu.memref_slice %arg3[%mul3A_745, %dma_start3A_749] : memref<4194304x32xf32, #tpu.memory_space<hbm>> -> memref<2048x32xf32, #tpu.memory_space<hbm>>
    %dma_start3A_751 = arith.constant 0 : i32
    %dma_start3A_752 = tpu.memref_slice %arg3[%mul3A_745, %dma_start3A_751] : memref<4194304x32xf32, #tpu.memory_space<hbm>> -> memref<2048x32xf32, #tpu.memory_space<hbm>>
    %dma_start3A_753 = arith.constant 34 : i32
    %dma_start3A_754 = arith.constant 0 : i32
    %dma_start3A_755 = tpu.memref_slice %arg5[%dma_start3A_753, %dma_start3A_754] : memref<2112x32xf32, #tpu.memory_space<vmem>> -> memref<2048x32xf32, #tpu.memory_space<vmem>>
    tpu.enqueue_dma source(%dma_start3A_755 : memref<2048x32xf32, #tpu.memory_space<vmem>>) target(%dma_start3A_752 : memref<2048x32xf32, #tpu.memory_space<hbm>>) target_semaphore(%arg11 : memref<!tpu.dma_semaphore, #tpu.memory_space<semaphore_mem>>)
    %dma_wait3A_756 = arith.constant 41 : i32
    %dma_wait3A_757 = arith.constant 0 : i32
    %dma_wait3A_758 = tpu.memref_slice %arg5[%dma_wait3A_756, %dma_wait3A_757] : memref<2112x32xf32, #tpu.memory_space<vmem>> -> memref<2048x32xf32, #tpu.memory_space<vmem>>
    %dma_wait3A_759 = arith.constant 0 : i32
    %dma_wait3A_760 = tpu.memref_slice %arg3[%mul3A_577, %dma_wait3A_759] : memref<4194304x32xf32, #tpu.memory_space<hbm>> -> memref<2048x32xf32, #tpu.memory_space<hbm>>
    %dma_wait3A_761 = arith.constant 0 : i32
    %dma_wait3A_762 = tpu.memref_slice %arg3[%mul3A_577, %dma_wait3A_761] : memref<4194304x32xf32, #tpu.memory_space<hbm>> -> memref<2048x32xf32, #tpu.memory_space<hbm>>
    %dma_wait3A_763 = arith.constant 41 : i32
    %dma_wait3A_764 = arith.constant 0 : i32
    %dma_wait3A_765 = tpu.memref_slice %arg5[%dma_wait3A_763, %dma_wait3A_764] : memref<2112x32xf32, #tpu.memory_space<vmem>> -> memref<2048x32xf32, #tpu.memory_space<vmem>>
    tpu.wait_dma2 semaphore(%arg12 : memref<!tpu.dma_semaphore, #tpu.memory_space<semaphore_mem>>) src(%dma_wait3A_765 : memref<2048x32xf32, #tpu.memory_space<vmem>>) dst(%dma_wait3A_762 : memref<2048x32xf32, #tpu.memory_space<hbm>>)
    %add3A_766 = arith.constant 30 : i32
    %add3A_767 = arith.addi %mul3A_117, %add3A_766 : i32
    %mul3A_768 = arith.constant 2048 : i32
    %mul3A_769 = arith.muli %add3A_767, %mul3A_768 : i32
    %dma_start3A_770 = arith.constant 33 : i32
    %dma_start3A_771 = arith.constant 0 : i32
    %dma_start3A_772 = tpu.memref_slice %arg5[%dma_start3A_770, %dma_start3A_771] : memref<2112x32xf32, #tpu.memory_space<vmem>> -> memref<2048x32xf32, #tpu.memory_space<vmem>>
    %dma_start3A_773 = arith.constant 0 : i32
    %dma_start3A_774 = tpu.memref_slice %arg3[%mul3A_769, %dma_start3A_773] : memref<4194304x32xf32, #tpu.memory_space<hbm>> -> memref<2048x32xf32, #tpu.memory_space<hbm>>
    %dma_start3A_775 = arith.constant 0 : i32
    %dma_start3A_776 = tpu.memref_slice %arg3[%mul3A_769, %dma_start3A_775] : memref<4194304x32xf32, #tpu.memory_space<hbm>> -> memref<2048x32xf32, #tpu.memory_space<hbm>>
    %dma_start3A_777 = arith.constant 33 : i32
    %dma_start3A_778 = arith.constant 0 : i32
    %dma_start3A_779 = tpu.memref_slice %arg5[%dma_start3A_777, %dma_start3A_778] : memref<2112x32xf32, #tpu.memory_space<vmem>> -> memref<2048x32xf32, #tpu.memory_space<vmem>>
    tpu.enqueue_dma source(%dma_start3A_779 : memref<2048x32xf32, #tpu.memory_space<vmem>>) target(%dma_start3A_776 : memref<2048x32xf32, #tpu.memory_space<hbm>>) target_semaphore(%arg12 : memref<!tpu.dma_semaphore, #tpu.memory_space<semaphore_mem>>)
    %dma_wait3A_780 = arith.constant 40 : i32
    %dma_wait3A_781 = arith.constant 0 : i32
    %dma_wait3A_782 = tpu.memref_slice %arg5[%dma_wait3A_780, %dma_wait3A_781] : memref<2112x32xf32, #tpu.memory_space<vmem>> -> memref<2048x32xf32, #tpu.memory_space<vmem>>
    %dma_wait3A_783 = arith.constant 0 : i32
    %dma_wait3A_784 = tpu.memref_slice %arg3[%mul3A_601, %dma_wait3A_783] : memref<4194304x32xf32, #tpu.memory_space<hbm>> -> memref<2048x32xf32, #tpu.memory_space<hbm>>
    %dma_wait3A_785 = arith.constant 0 : i32
    %dma_wait3A_786 = tpu.memref_slice %arg3[%mul3A_601, %dma_wait3A_785] : memref<4194304x32xf32, #tpu.memory_space<hbm>> -> memref<2048x32xf32, #tpu.memory_space<hbm>>
    %dma_wait3A_787 = arith.constant 40 : i32
    %dma_wait3A_788 = arith.constant 0 : i32
    %dma_wait3A_789 = tpu.memref_slice %arg5[%dma_wait3A_787, %dma_wait3A_788] : memref<2112x32xf32, #tpu.memory_space<vmem>> -> memref<2048x32xf32, #tpu.memory_space<vmem>>
    tpu.wait_dma2 semaphore(%arg13 : memref<!tpu.dma_semaphore, #tpu.memory_space<semaphore_mem>>) src(%dma_wait3A_789 : memref<2048x32xf32, #tpu.memory_space<vmem>>) dst(%dma_wait3A_786 : memref<2048x32xf32, #tpu.memory_space<hbm>>)
    %add3A_790 = arith.constant 31 : i32
    %add3A_791 = arith.addi %mul3A_117, %add3A_790 : i32
    %mul3A_792 = arith.constant 2048 : i32
    %mul3A_793 = arith.muli %add3A_791, %mul3A_792 : i32
    %dma_start3A_794 = arith.constant 32 : i32
    %dma_start3A_795 = arith.constant 0 : i32
    %dma_start3A_796 = tpu.memref_slice %arg5[%dma_start3A_794, %dma_start3A_795] : memref<2112x32xf32, #tpu.memory_space<vmem>> -> memref<2048x32xf32, #tpu.memory_space<vmem>>
    %dma_start3A_797 = arith.constant 0 : i32
    %dma_start3A_798 = tpu.memref_slice %arg3[%mul3A_793, %dma_start3A_797] : memref<4194304x32xf32, #tpu.memory_space<hbm>> -> memref<2048x32xf32, #tpu.memory_space<hbm>>
    %dma_start3A_799 = arith.constant 0 : i32
    %dma_start3A_800 = tpu.memref_slice %arg3[%mul3A_793, %dma_start3A_799] : memref<4194304x32xf32, #tpu.memory_space<hbm>> -> memref<2048x32xf32, #tpu.memory_space<hbm>>
    %dma_start3A_801 = arith.constant 32 : i32
    %dma_start3A_802 = arith.constant 0 : i32
    %dma_start3A_803 = tpu.memref_slice %arg5[%dma_start3A_801, %dma_start3A_802] : memref<2112x32xf32, #tpu.memory_space<vmem>> -> memref<2048x32xf32, #tpu.memory_space<vmem>>
    tpu.enqueue_dma source(%dma_start3A_803 : memref<2048x32xf32, #tpu.memory_space<vmem>>) target(%dma_start3A_800 : memref<2048x32xf32, #tpu.memory_space<hbm>>) target_semaphore(%arg13 : memref<!tpu.dma_semaphore, #tpu.memory_space<semaphore_mem>>)
    %dma_wait3A_804 = arith.constant 39 : i32
    %dma_wait3A_805 = arith.constant 0 : i32
    %dma_wait3A_806 = tpu.memref_slice %arg5[%dma_wait3A_804, %dma_wait3A_805] : memref<2112x32xf32, #tpu.memory_space<vmem>> -> memref<2048x32xf32, #tpu.memory_space<vmem>>
    %dma_wait3A_807 = arith.constant 0 : i32
    %dma_wait3A_808 = tpu.memref_slice %arg3[%mul3A_625, %dma_wait3A_807] : memref<4194304x32xf32, #tpu.memory_space<hbm>> -> memref<2048x32xf32, #tpu.memory_space<hbm>>
    %dma_wait3A_809 = arith.constant 0 : i32
    %dma_wait3A_810 = tpu.memref_slice %arg3[%mul3A_625, %dma_wait3A_809] : memref<4194304x32xf32, #tpu.memory_space<hbm>> -> memref<2048x32xf32, #tpu.memory_space<hbm>>
    %dma_wait3A_811 = arith.constant 39 : i32
    %dma_wait3A_812 = arith.constant 0 : i32
    %dma_wait3A_813 = tpu.memref_slice %arg5[%dma_wait3A_811, %dma_wait3A_812] : memref<2112x32xf32, #tpu.memory_space<vmem>> -> memref<2048x32xf32, #tpu.memory_space<vmem>>
    tpu.wait_dma2 semaphore(%arg6 : memref<!tpu.dma_semaphore, #tpu.memory_space<semaphore_mem>>) src(%dma_wait3A_813 : memref<2048x32xf32, #tpu.memory_space<vmem>>) dst(%dma_wait3A_810 : memref<2048x32xf32, #tpu.memory_space<hbm>>)
    %add3A_814 = arith.constant 32 : i32
    %add3A_815 = arith.addi %mul3A_117, %add3A_814 : i32
    %mul3A_816 = arith.constant 2048 : i32
    %mul3A_817 = arith.muli %add3A_815, %mul3A_816 : i32
    %dma_start3A_818 = arith.constant 31 : i32
    %dma_start3A_819 = arith.constant 0 : i32
    %dma_start3A_820 = tpu.memref_slice %arg5[%dma_start3A_818, %dma_start3A_819] : memref<2112x32xf32, #tpu.memory_space<vmem>> -> memref<2048x32xf32, #tpu.memory_space<vmem>>
    %dma_start3A_821 = arith.constant 0 : i32
    %dma_start3A_822 = tpu.memref_slice %arg3[%mul3A_817, %dma_start3A_821] : memref<4194304x32xf32, #tpu.memory_space<hbm>> -> memref<2048x32xf32, #tpu.memory_space<hbm>>
    %dma_start3A_823 = arith.constant 0 : i32
    %dma_start3A_824 = tpu.memref_slice %arg3[%mul3A_817, %dma_start3A_823] : memref<4194304x32xf32, #tpu.memory_space<hbm>> -> memref<2048x32xf32, #tpu.memory_space<hbm>>
    %dma_start3A_825 = arith.constant 31 : i32
    %dma_start3A_826 = arith.constant 0 : i32
    %dma_start3A_827 = tpu.memref_slice %arg5[%dma_start3A_825, %dma_start3A_826] : memref<2112x32xf32, #tpu.memory_space<vmem>> -> memref<2048x32xf32, #tpu.memory_space<vmem>>
    tpu.enqueue_dma source(%dma_start3A_827 : memref<2048x32xf32, #tpu.memory_space<vmem>>) target(%dma_start3A_824 : memref<2048x32xf32, #tpu.memory_space<hbm>>) target_semaphore(%arg6 : memref<!tpu.dma_semaphore, #tpu.memory_space<semaphore_mem>>)
    %dma_wait3A_828 = arith.constant 38 : i32
    %dma_wait3A_829 = arith.constant 0 : i32
    %dma_wait3A_830 = tpu.memref_slice %arg5[%dma_wait3A_828, %dma_wait3A_829] : memref<2112x32xf32, #tpu.memory_space<vmem>> -> memref<2048x32xf32, #tpu.memory_space<vmem>>
    %dma_wait3A_831 = arith.constant 0 : i32
    %dma_wait3A_832 = tpu.memref_slice %arg3[%mul3A_649, %dma_wait3A_831] : memref<4194304x32xf32, #tpu.memory_space<hbm>> -> memref<2048x32xf32, #tpu.memory_space<hbm>>
    %dma_wait3A_833 = arith.constant 0 : i32
    %dma_wait3A_834 = tpu.memref_slice %arg3[%mul3A_649, %dma_wait3A_833] : memref<4194304x32xf32, #tpu.memory_space<hbm>> -> memref<2048x32xf32, #tpu.memory_space<hbm>>
    %dma_wait3A_835 = arith.constant 38 : i32
    %dma_wait3A_836 = arith.constant 0 : i32
    %dma_wait3A_837 = tpu.memref_slice %arg5[%dma_wait3A_835, %dma_wait3A_836] : memref<2112x32xf32, #tpu.memory_space<vmem>> -> memref<2048x32xf32, #tpu.memory_space<vmem>>
    tpu.wait_dma2 semaphore(%arg7 : memref<!tpu.dma_semaphore, #tpu.memory_space<semaphore_mem>>) src(%dma_wait3A_837 : memref<2048x32xf32, #tpu.memory_space<vmem>>) dst(%dma_wait3A_834 : memref<2048x32xf32, #tpu.memory_space<hbm>>)
    %add3A_838 = arith.constant 33 : i32
    %add3A_839 = arith.addi %mul3A_117, %add3A_838 : i32
    %mul3A_840 = arith.constant 2048 : i32
    %mul3A_841 = arith.muli %add3A_839, %mul3A_840 : i32
    %dma_start3A_842 = arith.constant 30 : i32
    %dma_start3A_843 = arith.constant 0 : i32
    %dma_start3A_844 = tpu.memref_slice %arg5[%dma_start3A_842, %dma_start3A_843] : memref<2112x32xf32, #tpu.memory_space<vmem>> -> memref<2048x32xf32, #tpu.memory_space<vmem>>
    %dma_start3A_845 = arith.constant 0 : i32
    %dma_start3A_846 = tpu.memref_slice %arg3[%mul3A_841, %dma_start3A_845] : memref<4194304x32xf32, #tpu.memory_space<hbm>> -> memref<2048x32xf32, #tpu.memory_space<hbm>>
    %dma_start3A_847 = arith.constant 0 : i32
    %dma_start3A_848 = tpu.memref_slice %arg3[%mul3A_841, %dma_start3A_847] : memref<4194304x32xf32, #tpu.memory_space<hbm>> -> memref<2048x32xf32, #tpu.memory_space<hbm>>
    %dma_start3A_849 = arith.constant 30 : i32
    %dma_start3A_850 = arith.constant 0 : i32
    %dma_start3A_851 = tpu.memref_slice %arg5[%dma_start3A_849, %dma_start3A_850] : memref<2112x32xf32, #tpu.memory_space<vmem>> -> memref<2048x32xf32, #tpu.memory_space<vmem>>
    tpu.enqueue_dma source(%dma_start3A_851 : memref<2048x32xf32, #tpu.memory_space<vmem>>) target(%dma_start3A_848 : memref<2048x32xf32, #tpu.memory_space<hbm>>) target_semaphore(%arg7 : memref<!tpu.dma_semaphore, #tpu.memory_space<semaphore_mem>>)
    %dma_wait3A_852 = arith.constant 37 : i32
    %dma_wait3A_853 = arith.constant 0 : i32
    %dma_wait3A_854 = tpu.memref_slice %arg5[%dma_wait3A_852, %dma_wait3A_853] : memref<2112x32xf32, #tpu.memory_space<vmem>> -> memref<2048x32xf32, #tpu.memory_space<vmem>>
    %dma_wait3A_855 = arith.constant 0 : i32
    %dma_wait3A_856 = tpu.memref_slice %arg3[%mul3A_673, %dma_wait3A_855] : memref<4194304x32xf32, #tpu.memory_space<hbm>> -> memref<2048x32xf32, #tpu.memory_space<hbm>>
    %dma_wait3A_857 = arith.constant 0 : i32
    %dma_wait3A_858 = tpu.memref_slice %arg3[%mul3A_673, %dma_wait3A_857] : memref<4194304x32xf32, #tpu.memory_space<hbm>> -> memref<2048x32xf32, #tpu.memory_space<hbm>>
    %dma_wait3A_859 = arith.constant 37 : i32
    %dma_wait3A_860 = arith.constant 0 : i32
    %dma_wait3A_861 = tpu.memref_slice %arg5[%dma_wait3A_859, %dma_wait3A_860] : memref<2112x32xf32, #tpu.memory_space<vmem>> -> memref<2048x32xf32, #tpu.memory_space<vmem>>
    tpu.wait_dma2 semaphore(%arg8 : memref<!tpu.dma_semaphore, #tpu.memory_space<semaphore_mem>>) src(%dma_wait3A_861 : memref<2048x32xf32, #tpu.memory_space<vmem>>) dst(%dma_wait3A_858 : memref<2048x32xf32, #tpu.memory_space<hbm>>)
    %add3A_862 = arith.constant 34 : i32
    %add3A_863 = arith.addi %mul3A_117, %add3A_862 : i32
    %mul3A_864 = arith.constant 2048 : i32
    %mul3A_865 = arith.muli %add3A_863, %mul3A_864 : i32
    %dma_start3A_866 = arith.constant 29 : i32
    %dma_start3A_867 = arith.constant 0 : i32
    %dma_start3A_868 = tpu.memref_slice %arg5[%dma_start3A_866, %dma_start3A_867] : memref<2112x32xf32, #tpu.memory_space<vmem>> -> memref<2048x32xf32, #tpu.memory_space<vmem>>
    %dma_start3A_869 = arith.constant 0 : i32
    %dma_start3A_870 = tpu.memref_slice %arg3[%mul3A_865, %dma_start3A_869] : memref<4194304x32xf32, #tpu.memory_space<hbm>> -> memref<2048x32xf32, #tpu.memory_space<hbm>>
    %dma_start3A_871 = arith.constant 0 : i32
    %dma_start3A_872 = tpu.memref_slice %arg3[%mul3A_865, %dma_start3A_871] : memref<4194304x32xf32, #tpu.memory_space<hbm>> -> memref<2048x32xf32, #tpu.memory_space<hbm>>
    %dma_start3A_873 = arith.constant 29 : i32
    %dma_start3A_874 = arith.constant 0 : i32
    %dma_start3A_875 = tpu.memref_slice %arg5[%dma_start3A_873, %dma_start3A_874] : memref<2112x32xf32, #tpu.memory_space<vmem>> -> memref<2048x32xf32, #tpu.memory_space<vmem>>
    tpu.enqueue_dma source(%dma_start3A_875 : memref<2048x32xf32, #tpu.memory_space<vmem>>) target(%dma_start3A_872 : memref<2048x32xf32, #tpu.memory_space<hbm>>) target_semaphore(%arg8 : memref<!tpu.dma_semaphore, #tpu.memory_space<semaphore_mem>>)
    %dma_wait3A_876 = arith.constant 36 : i32
    %dma_wait3A_877 = arith.constant 0 : i32
    %dma_wait3A_878 = tpu.memref_slice %arg5[%dma_wait3A_876, %dma_wait3A_877] : memref<2112x32xf32, #tpu.memory_space<vmem>> -> memref<2048x32xf32, #tpu.memory_space<vmem>>
    %dma_wait3A_879 = arith.constant 0 : i32
    %dma_wait3A_880 = tpu.memref_slice %arg3[%mul3A_697, %dma_wait3A_879] : memref<4194304x32xf32, #tpu.memory_space<hbm>> -> memref<2048x32xf32, #tpu.memory_space<hbm>>
    %dma_wait3A_881 = arith.constant 0 : i32
    %dma_wait3A_882 = tpu.memref_slice %arg3[%mul3A_697, %dma_wait3A_881] : memref<4194304x32xf32, #tpu.memory_space<hbm>> -> memref<2048x32xf32, #tpu.memory_space<hbm>>
    %dma_wait3A_883 = arith.constant 36 : i32
    %dma_wait3A_884 = arith.constant 0 : i32
    %dma_wait3A_885 = tpu.memref_slice %arg5[%dma_wait3A_883, %dma_wait3A_884] : memref<2112x32xf32, #tpu.memory_space<vmem>> -> memref<2048x32xf32, #tpu.memory_space<vmem>>
    tpu.wait_dma2 semaphore(%arg9 : memref<!tpu.dma_semaphore, #tpu.memory_space<semaphore_mem>>) src(%dma_wait3A_885 : memref<2048x32xf32, #tpu.memory_space<vmem>>) dst(%dma_wait3A_882 : memref<2048x32xf32, #tpu.memory_space<hbm>>)
    %add3A_886 = arith.constant 35 : i32
    %add3A_887 = arith.addi %mul3A_117, %add3A_886 : i32
    %mul3A_888 = arith.constant 2048 : i32
    %mul3A_889 = arith.muli %add3A_887, %mul3A_888 : i32
    %dma_start3A_890 = arith.constant 28 : i32
    %dma_start3A_891 = arith.constant 0 : i32
    %dma_start3A_892 = tpu.memref_slice %arg5[%dma_start3A_890, %dma_start3A_891] : memref<2112x32xf32, #tpu.memory_space<vmem>> -> memref<2048x32xf32, #tpu.memory_space<vmem>>
    %dma_start3A_893 = arith.constant 0 : i32
    %dma_start3A_894 = tpu.memref_slice %arg3[%mul3A_889, %dma_start3A_893] : memref<4194304x32xf32, #tpu.memory_space<hbm>> -> memref<2048x32xf32, #tpu.memory_space<hbm>>
    %dma_start3A_895 = arith.constant 0 : i32
    %dma_start3A_896 = tpu.memref_slice %arg3[%mul3A_889, %dma_start3A_895] : memref<4194304x32xf32, #tpu.memory_space<hbm>> -> memref<2048x32xf32, #tpu.memory_space<hbm>>
    %dma_start3A_897 = arith.constant 28 : i32
    %dma_start3A_898 = arith.constant 0 : i32
    %dma_start3A_899 = tpu.memref_slice %arg5[%dma_start3A_897, %dma_start3A_898] : memref<2112x32xf32, #tpu.memory_space<vmem>> -> memref<2048x32xf32, #tpu.memory_space<vmem>>
    tpu.enqueue_dma source(%dma_start3A_899 : memref<2048x32xf32, #tpu.memory_space<vmem>>) target(%dma_start3A_896 : memref<2048x32xf32, #tpu.memory_space<hbm>>) target_semaphore(%arg9 : memref<!tpu.dma_semaphore, #tpu.memory_space<semaphore_mem>>)
    %dma_wait3A_900 = arith.constant 35 : i32
    %dma_wait3A_901 = arith.constant 0 : i32
    %dma_wait3A_902 = tpu.memref_slice %arg5[%dma_wait3A_900, %dma_wait3A_901] : memref<2112x32xf32, #tpu.memory_space<vmem>> -> memref<2048x32xf32, #tpu.memory_space<vmem>>
    %dma_wait3A_903 = arith.constant 0 : i32
    %dma_wait3A_904 = tpu.memref_slice %arg3[%mul3A_721, %dma_wait3A_903] : memref<4194304x32xf32, #tpu.memory_space<hbm>> -> memref<2048x32xf32, #tpu.memory_space<hbm>>
    %dma_wait3A_905 = arith.constant 0 : i32
    %dma_wait3A_906 = tpu.memref_slice %arg3[%mul3A_721, %dma_wait3A_905] : memref<4194304x32xf32, #tpu.memory_space<hbm>> -> memref<2048x32xf32, #tpu.memory_space<hbm>>
    %dma_wait3A_907 = arith.constant 35 : i32
    %dma_wait3A_908 = arith.constant 0 : i32
    %dma_wait3A_909 = tpu.memref_slice %arg5[%dma_wait3A_907, %dma_wait3A_908] : memref<2112x32xf32, #tpu.memory_space<vmem>> -> memref<2048x32xf32, #tpu.memory_space<vmem>>
    tpu.wait_dma2 semaphore(%arg10 : memref<!tpu.dma_semaphore, #tpu.memory_space<semaphore_mem>>) src(%dma_wait3A_909 : memref<2048x32xf32, #tpu.memory_space<vmem>>) dst(%dma_wait3A_906 : memref<2048x32xf32, #tpu.memory_space<hbm>>)
    %add3A_910 = arith.constant 36 : i32
    %add3A_911 = arith.addi %mul3A_117, %add3A_910 : i32
    %mul3A_912 = arith.constant 2048 : i32
    %mul3A_913 = arith.muli %add3A_911, %mul3A_912 : i32
    %dma_start3A_914 = arith.constant 27 : i32
    %dma_start3A_915 = arith.constant 0 : i32
    %dma_start3A_916 = tpu.memref_slice %arg5[%dma_start3A_914, %dma_start3A_915] : memref<2112x32xf32, #tpu.memory_space<vmem>> -> memref<2048x32xf32, #tpu.memory_space<vmem>>
    %dma_start3A_917 = arith.constant 0 : i32
    %dma_start3A_918 = tpu.memref_slice %arg3[%mul3A_913, %dma_start3A_917] : memref<4194304x32xf32, #tpu.memory_space<hbm>> -> memref<2048x32xf32, #tpu.memory_space<hbm>>
    %dma_start3A_919 = arith.constant 0 : i32
    %dma_start3A_920 = tpu.memref_slice %arg3[%mul3A_913, %dma_start3A_919] : memref<4194304x32xf32, #tpu.memory_space<hbm>> -> memref<2048x32xf32, #tpu.memory_space<hbm>>
    %dma_start3A_921 = arith.constant 27 : i32
    %dma_start3A_922 = arith.constant 0 : i32
    %dma_start3A_923 = tpu.memref_slice %arg5[%dma_start3A_921, %dma_start3A_922] : memref<2112x32xf32, #tpu.memory_space<vmem>> -> memref<2048x32xf32, #tpu.memory_space<vmem>>
    tpu.enqueue_dma source(%dma_start3A_923 : memref<2048x32xf32, #tpu.memory_space<vmem>>) target(%dma_start3A_920 : memref<2048x32xf32, #tpu.memory_space<hbm>>) target_semaphore(%arg10 : memref<!tpu.dma_semaphore, #tpu.memory_space<semaphore_mem>>)
    %dma_wait3A_924 = arith.constant 34 : i32
    %dma_wait3A_925 = arith.constant 0 : i32
    %dma_wait3A_926 = tpu.memref_slice %arg5[%dma_wait3A_924, %dma_wait3A_925] : memref<2112x32xf32, #tpu.memory_space<vmem>> -> memref<2048x32xf32, #tpu.memory_space<vmem>>
    %dma_wait3A_927 = arith.constant 0 : i32
    %dma_wait3A_928 = tpu.memref_slice %arg3[%mul3A_745, %dma_wait3A_927] : memref<4194304x32xf32, #tpu.memory_space<hbm>> -> memref<2048x32xf32, #tpu.memory_space<hbm>>
    %dma_wait3A_929 = arith.constant 0 : i32
    %dma_wait3A_930 = tpu.memref_slice %arg3[%mul3A_745, %dma_wait3A_929] : memref<4194304x32xf32, #tpu.memory_space<hbm>> -> memref<2048x32xf32, #tpu.memory_space<hbm>>
    %dma_wait3A_931 = arith.constant 34 : i32
    %dma_wait3A_932 = arith.constant 0 : i32
    %dma_wait3A_933 = tpu.memref_slice %arg5[%dma_wait3A_931, %dma_wait3A_932] : memref<2112x32xf32, #tpu.memory_space<vmem>> -> memref<2048x32xf32, #tpu.memory_space<vmem>>
    tpu.wait_dma2 semaphore(%arg11 : memref<!tpu.dma_semaphore, #tpu.memory_space<semaphore_mem>>) src(%dma_wait3A_933 : memref<2048x32xf32, #tpu.memory_space<vmem>>) dst(%dma_wait3A_930 : memref<2048x32xf32, #tpu.memory_space<hbm>>)
    %add3A_934 = arith.constant 37 : i32
    %add3A_935 = arith.addi %mul3A_117, %add3A_934 : i32
    %mul3A_936 = arith.constant 2048 : i32
    %mul3A_937 = arith.muli %add3A_935, %mul3A_936 : i32
    %dma_start3A_938 = arith.constant 26 : i32
    %dma_start3A_939 = arith.constant 0 : i32
    %dma_start3A_940 = tpu.memref_slice %arg5[%dma_start3A_938, %dma_start3A_939] : memref<2112x32xf32, #tpu.memory_space<vmem>> -> memref<2048x32xf32, #tpu.memory_space<vmem>>
    %dma_start3A_941 = arith.constant 0 : i32
    %dma_start3A_942 = tpu.memref_slice %arg3[%mul3A_937, %dma_start3A_941] : memref<4194304x32xf32, #tpu.memory_space<hbm>> -> memref<2048x32xf32, #tpu.memory_space<hbm>>
    %dma_start3A_943 = arith.constant 0 : i32
    %dma_start3A_944 = tpu.memref_slice %arg3[%mul3A_937, %dma_start3A_943] : memref<4194304x32xf32, #tpu.memory_space<hbm>> -> memref<2048x32xf32, #tpu.memory_space<hbm>>
    %dma_start3A_945 = arith.constant 26 : i32
    %dma_start3A_946 = arith.constant 0 : i32
    %dma_start3A_947 = tpu.memref_slice %arg5[%dma_start3A_945, %dma_start3A_946] : memref<2112x32xf32, #tpu.memory_space<vmem>> -> memref<2048x32xf32, #tpu.memory_space<vmem>>
    tpu.enqueue_dma source(%dma_start3A_947 : memref<2048x32xf32, #tpu.memory_space<vmem>>) target(%dma_start3A_944 : memref<2048x32xf32, #tpu.memory_space<hbm>>) target_semaphore(%arg11 : memref<!tpu.dma_semaphore, #tpu.memory_space<semaphore_mem>>)
    %dma_wait3A_948 = arith.constant 33 : i32
    %dma_wait3A_949 = arith.constant 0 : i32
    %dma_wait3A_950 = tpu.memref_slice %arg5[%dma_wait3A_948, %dma_wait3A_949] : memref<2112x32xf32, #tpu.memory_space<vmem>> -> memref<2048x32xf32, #tpu.memory_space<vmem>>
    %dma_wait3A_951 = arith.constant 0 : i32
    %dma_wait3A_952 = tpu.memref_slice %arg3[%mul3A_769, %dma_wait3A_951] : memref<4194304x32xf32, #tpu.memory_space<hbm>> -> memref<2048x32xf32, #tpu.memory_space<hbm>>
    %dma_wait3A_953 = arith.constant 0 : i32
    %dma_wait3A_954 = tpu.memref_slice %arg3[%mul3A_769, %dma_wait3A_953] : memref<4194304x32xf32, #tpu.memory_space<hbm>> -> memref<2048x32xf32, #tpu.memory_space<hbm>>
    %dma_wait3A_955 = arith.constant 33 : i32
    %dma_wait3A_956 = arith.constant 0 : i32
    %dma_wait3A_957 = tpu.memref_slice %arg5[%dma_wait3A_955, %dma_wait3A_956] : memref<2112x32xf32, #tpu.memory_space<vmem>> -> memref<2048x32xf32, #tpu.memory_space<vmem>>
    tpu.wait_dma2 semaphore(%arg12 : memref<!tpu.dma_semaphore, #tpu.memory_space<semaphore_mem>>) src(%dma_wait3A_957 : memref<2048x32xf32, #tpu.memory_space<vmem>>) dst(%dma_wait3A_954 : memref<2048x32xf32, #tpu.memory_space<hbm>>)
    %add3A_958 = arith.constant 38 : i32
    %add3A_959 = arith.addi %mul3A_117, %add3A_958 : i32
    %mul3A_960 = arith.constant 2048 : i32
    %mul3A_961 = arith.muli %add3A_959, %mul3A_960 : i32
    %dma_start3A_962 = arith.constant 25 : i32
    %dma_start3A_963 = arith.constant 0 : i32
    %dma_start3A_964 = tpu.memref_slice %arg5[%dma_start3A_962, %dma_start3A_963] : memref<2112x32xf32, #tpu.memory_space<vmem>> -> memref<2048x32xf32, #tpu.memory_space<vmem>>
    %dma_start3A_965 = arith.constant 0 : i32
    %dma_start3A_966 = tpu.memref_slice %arg3[%mul3A_961, %dma_start3A_965] : memref<4194304x32xf32, #tpu.memory_space<hbm>> -> memref<2048x32xf32, #tpu.memory_space<hbm>>
    %dma_start3A_967 = arith.constant 0 : i32
    %dma_start3A_968 = tpu.memref_slice %arg3[%mul3A_961, %dma_start3A_967] : memref<4194304x32xf32, #tpu.memory_space<hbm>> -> memref<2048x32xf32, #tpu.memory_space<hbm>>
    %dma_start3A_969 = arith.constant 25 : i32
    %dma_start3A_970 = arith.constant 0 : i32
    %dma_start3A_971 = tpu.memref_slice %arg5[%dma_start3A_969, %dma_start3A_970] : memref<2112x32xf32, #tpu.memory_space<vmem>> -> memref<2048x32xf32, #tpu.memory_space<vmem>>
    tpu.enqueue_dma source(%dma_start3A_971 : memref<2048x32xf32, #tpu.memory_space<vmem>>) target(%dma_start3A_968 : memref<2048x32xf32, #tpu.memory_space<hbm>>) target_semaphore(%arg12 : memref<!tpu.dma_semaphore, #tpu.memory_space<semaphore_mem>>)
    %dma_wait3A_972 = arith.constant 32 : i32
    %dma_wait3A_973 = arith.constant 0 : i32
    %dma_wait3A_974 = tpu.memref_slice %arg5[%dma_wait3A_972, %dma_wait3A_973] : memref<2112x32xf32, #tpu.memory_space<vmem>> -> memref<2048x32xf32, #tpu.memory_space<vmem>>
    %dma_wait3A_975 = arith.constant 0 : i32
    %dma_wait3A_976 = tpu.memref_slice %arg3[%mul3A_793, %dma_wait3A_975] : memref<4194304x32xf32, #tpu.memory_space<hbm>> -> memref<2048x32xf32, #tpu.memory_space<hbm>>
    %dma_wait3A_977 = arith.constant 0 : i32
    %dma_wait3A_978 = tpu.memref_slice %arg3[%mul3A_793, %dma_wait3A_977] : memref<4194304x32xf32, #tpu.memory_space<hbm>> -> memref<2048x32xf32, #tpu.memory_space<hbm>>
    %dma_wait3A_979 = arith.constant 32 : i32
    %dma_wait3A_980 = arith.constant 0 : i32
    %dma_wait3A_981 = tpu.memref_slice %arg5[%dma_wait3A_979, %dma_wait3A_980] : memref<2112x32xf32, #tpu.memory_space<vmem>> -> memref<2048x32xf32, #tpu.memory_space<vmem>>
    tpu.wait_dma2 semaphore(%arg13 : memref<!tpu.dma_semaphore, #tpu.memory_space<semaphore_mem>>) src(%dma_wait3A_981 : memref<2048x32xf32, #tpu.memory_space<vmem>>) dst(%dma_wait3A_978 : memref<2048x32xf32, #tpu.memory_space<hbm>>)
    %add3A_982 = arith.constant 39 : i32
    %add3A_983 = arith.addi %mul3A_117, %add3A_982 : i32
    %mul3A_984 = arith.constant 2048 : i32
    %mul3A_985 = arith.muli %add3A_983, %mul3A_984 : i32
    %dma_start3A_986 = arith.constant 24 : i32
    %dma_start3A_987 = arith.constant 0 : i32
    %dma_start3A_988 = tpu.memref_slice %arg5[%dma_start3A_986, %dma_start3A_987] : memref<2112x32xf32, #tpu.memory_space<vmem>> -> memref<2048x32xf32, #tpu.memory_space<vmem>>
    %dma_start3A_989 = arith.constant 0 : i32
    %dma_start3A_990 = tpu.memref_slice %arg3[%mul3A_985, %dma_start3A_989] : memref<4194304x32xf32, #tpu.memory_space<hbm>> -> memref<2048x32xf32, #tpu.memory_space<hbm>>
    %dma_start3A_991 = arith.constant 0 : i32
    %dma_start3A_992 = tpu.memref_slice %arg3[%mul3A_985, %dma_start3A_991] : memref<4194304x32xf32, #tpu.memory_space<hbm>> -> memref<2048x32xf32, #tpu.memory_space<hbm>>
    %dma_start3A_993 = arith.constant 24 : i32
    %dma_start3A_994 = arith.constant 0 : i32
    %dma_start3A_995 = tpu.memref_slice %arg5[%dma_start3A_993, %dma_start3A_994] : memref<2112x32xf32, #tpu.memory_space<vmem>> -> memref<2048x32xf32, #tpu.memory_space<vmem>>
    tpu.enqueue_dma source(%dma_start3A_995 : memref<2048x32xf32, #tpu.memory_space<vmem>>) target(%dma_start3A_992 : memref<2048x32xf32, #tpu.memory_space<hbm>>) target_semaphore(%arg13 : memref<!tpu.dma_semaphore, #tpu.memory_space<semaphore_mem>>)
    %dma_wait3A_996 = arith.constant 31 : i32
    %dma_wait3A_997 = arith.constant 0 : i32
    %dma_wait3A_998 = tpu.memref_slice %arg5[%dma_wait3A_996, %dma_wait3A_997] : memref<2112x32xf32, #tpu.memory_space<vmem>> -> memref<2048x32xf32, #tpu.memory_space<vmem>>
    %dma_wait3A_999 = arith.constant 0 : i32
    %dma_wait3A_1000 = tpu.memref_slice %arg3[%mul3A_817, %dma_wait3A_999] : memref<4194304x32xf32, #tpu.memory_space<hbm>> -> memref<2048x32xf32, #tpu.memory_space<hbm>>
    %dma_wait3A_1001 = arith.constant 0 : i32
    %dma_wait3A_1002 = tpu.memref_slice %arg3[%mul3A_817, %dma_wait3A_1001] : memref<4194304x32xf32, #tpu.memory_space<hbm>> -> memref<2048x32xf32, #tpu.memory_space<hbm>>
    %dma_wait3A_1003 = arith.constant 31 : i32
    %dma_wait3A_1004 = arith.constant 0 : i32
    %dma_wait3A_1005 = tpu.memref_slice %arg5[%dma_wait3A_1003, %dma_wait3A_1004] : memref<2112x32xf32, #tpu.memory_space<vmem>> -> memref<2048x32xf32, #tpu.memory_space<vmem>>
    tpu.wait_dma2 semaphore(%arg6 : memref<!tpu.dma_semaphore, #tpu.memory_space<semaphore_mem>>) src(%dma_wait3A_1005 : memref<2048x32xf32, #tpu.memory_space<vmem>>) dst(%dma_wait3A_1002 : memref<2048x32xf32, #tpu.memory_space<hbm>>)
    %add3A_1006 = arith.constant 40 : i32
    %add3A_1007 = arith.addi %mul3A_117, %add3A_1006 : i32
    %mul3A_1008 = arith.constant 2048 : i32
    %mul3A_1009 = arith.muli %add3A_1007, %mul3A_1008 : i32
    %dma_start3A_1010 = arith.constant 23 : i32
    %dma_start3A_1011 = arith.constant 0 : i32
    %dma_start3A_1012 = tpu.memref_slice %arg5[%dma_start3A_1010, %dma_start3A_1011] : memref<2112x32xf32, #tpu.memory_space<vmem>> -> memref<2048x32xf32, #tpu.memory_space<vmem>>
    %dma_start3A_1013 = arith.constant 0 : i32
    %dma_start3A_1014 = tpu.memref_slice %arg3[%mul3A_1009, %dma_start3A_1013] : memref<4194304x32xf32, #tpu.memory_space<hbm>> -> memref<2048x32xf32, #tpu.memory_space<hbm>>
    %dma_start3A_1015 = arith.constant 0 : i32
    %dma_start3A_1016 = tpu.memref_slice %arg3[%mul3A_1009, %dma_start3A_1015] : memref<4194304x32xf32, #tpu.memory_space<hbm>> -> memref<2048x32xf32, #tpu.memory_space<hbm>>
    %dma_start3A_1017 = arith.constant 23 : i32
    %dma_start3A_1018 = arith.constant 0 : i32
    %dma_start3A_1019 = tpu.memref_slice %arg5[%dma_start3A_1017, %dma_start3A_1018] : memref<2112x32xf32, #tpu.memory_space<vmem>> -> memref<2048x32xf32, #tpu.memory_space<vmem>>
    tpu.enqueue_dma source(%dma_start3A_1019 : memref<2048x32xf32, #tpu.memory_space<vmem>>) target(%dma_start3A_1016 : memref<2048x32xf32, #tpu.memory_space<hbm>>) target_semaphore(%arg6 : memref<!tpu.dma_semaphore, #tpu.memory_space<semaphore_mem>>)
    %dma_wait3A_1020 = arith.constant 30 : i32
    %dma_wait3A_1021 = arith.constant 0 : i32
    %dma_wait3A_1022 = tpu.memref_slice %arg5[%dma_wait3A_1020, %dma_wait3A_1021] : memref<2112x32xf32, #tpu.memory_space<vmem>> -> memref<2048x32xf32, #tpu.memory_space<vmem>>
    %dma_wait3A_1023 = arith.constant 0 : i32
    %dma_wait3A_1024 = tpu.memref_slice %arg3[%mul3A_841, %dma_wait3A_1023] : memref<4194304x32xf32, #tpu.memory_space<hbm>> -> memref<2048x32xf32, #tpu.memory_space<hbm>>
    %dma_wait3A_1025 = arith.constant 0 : i32
    %dma_wait3A_1026 = tpu.memref_slice %arg3[%mul3A_841, %dma_wait3A_1025] : memref<4194304x32xf32, #tpu.memory_space<hbm>> -> memref<2048x32xf32, #tpu.memory_space<hbm>>
    %dma_wait3A_1027 = arith.constant 30 : i32
    %dma_wait3A_1028 = arith.constant 0 : i32
    %dma_wait3A_1029 = tpu.memref_slice %arg5[%dma_wait3A_1027, %dma_wait3A_1028] : memref<2112x32xf32, #tpu.memory_space<vmem>> -> memref<2048x32xf32, #tpu.memory_space<vmem>>
    tpu.wait_dma2 semaphore(%arg7 : memref<!tpu.dma_semaphore, #tpu.memory_space<semaphore_mem>>) src(%dma_wait3A_1029 : memref<2048x32xf32, #tpu.memory_space<vmem>>) dst(%dma_wait3A_1026 : memref<2048x32xf32, #tpu.memory_space<hbm>>)
    %add3A_1030 = arith.constant 41 : i32
    %add3A_1031 = arith.addi %mul3A_117, %add3A_1030 : i32
    %mul3A_1032 = arith.constant 2048 : i32
    %mul3A_1033 = arith.muli %add3A_1031, %mul3A_1032 : i32
    %dma_start3A_1034 = arith.constant 22 : i32
    %dma_start3A_1035 = arith.constant 0 : i32
    %dma_start3A_1036 = tpu.memref_slice %arg5[%dma_start3A_1034, %dma_start3A_1035] : memref<2112x32xf32, #tpu.memory_space<vmem>> -> memref<2048x32xf32, #tpu.memory_space<vmem>>
    %dma_start3A_1037 = arith.constant 0 : i32
    %dma_start3A_1038 = tpu.memref_slice %arg3[%mul3A_1033, %dma_start3A_1037] : memref<4194304x32xf32, #tpu.memory_space<hbm>> -> memref<2048x32xf32, #tpu.memory_space<hbm>>
    %dma_start3A_1039 = arith.constant 0 : i32
    %dma_start3A_1040 = tpu.memref_slice %arg3[%mul3A_1033, %dma_start3A_1039] : memref<4194304x32xf32, #tpu.memory_space<hbm>> -> memref<2048x32xf32, #tpu.memory_space<hbm>>
    %dma_start3A_1041 = arith.constant 22 : i32
    %dma_start3A_1042 = arith.constant 0 : i32
    %dma_start3A_1043 = tpu.memref_slice %arg5[%dma_start3A_1041, %dma_start3A_1042] : memref<2112x32xf32, #tpu.memory_space<vmem>> -> memref<2048x32xf32, #tpu.memory_space<vmem>>
    tpu.enqueue_dma source(%dma_start3A_1043 : memref<2048x32xf32, #tpu.memory_space<vmem>>) target(%dma_start3A_1040 : memref<2048x32xf32, #tpu.memory_space<hbm>>) target_semaphore(%arg7 : memref<!tpu.dma_semaphore, #tpu.memory_space<semaphore_mem>>)
    %dma_wait3A_1044 = arith.constant 29 : i32
    %dma_wait3A_1045 = arith.constant 0 : i32
    %dma_wait3A_1046 = tpu.memref_slice %arg5[%dma_wait3A_1044, %dma_wait3A_1045] : memref<2112x32xf32, #tpu.memory_space<vmem>> -> memref<2048x32xf32, #tpu.memory_space<vmem>>
    %dma_wait3A_1047 = arith.constant 0 : i32
    %dma_wait3A_1048 = tpu.memref_slice %arg3[%mul3A_865, %dma_wait3A_1047] : memref<4194304x32xf32, #tpu.memory_space<hbm>> -> memref<2048x32xf32, #tpu.memory_space<hbm>>
    %dma_wait3A_1049 = arith.constant 0 : i32
    %dma_wait3A_1050 = tpu.memref_slice %arg3[%mul3A_865, %dma_wait3A_1049] : memref<4194304x32xf32, #tpu.memory_space<hbm>> -> memref<2048x32xf32, #tpu.memory_space<hbm>>
    %dma_wait3A_1051 = arith.constant 29 : i32
    %dma_wait3A_1052 = arith.constant 0 : i32
    %dma_wait3A_1053 = tpu.memref_slice %arg5[%dma_wait3A_1051, %dma_wait3A_1052] : memref<2112x32xf32, #tpu.memory_space<vmem>> -> memref<2048x32xf32, #tpu.memory_space<vmem>>
    tpu.wait_dma2 semaphore(%arg8 : memref<!tpu.dma_semaphore, #tpu.memory_space<semaphore_mem>>) src(%dma_wait3A_1053 : memref<2048x32xf32, #tpu.memory_space<vmem>>) dst(%dma_wait3A_1050 : memref<2048x32xf32, #tpu.memory_space<hbm>>)
    %add3A_1054 = arith.constant 42 : i32
    %add3A_1055 = arith.addi %mul3A_117, %add3A_1054 : i32
    %mul3A_1056 = arith.constant 2048 : i32
    %mul3A_1057 = arith.muli %add3A_1055, %mul3A_1056 : i32
    %dma_start3A_1058 = arith.constant 21 : i32
    %dma_start3A_1059 = arith.constant 0 : i32
    %dma_start3A_1060 = tpu.memref_slice %arg5[%dma_start3A_1058, %dma_start3A_1059] : memref<2112x32xf32, #tpu.memory_space<vmem>> -> memref<2048x32xf32, #tpu.memory_space<vmem>>
    %dma_start3A_1061 = arith.constant 0 : i32
    %dma_start3A_1062 = tpu.memref_slice %arg3[%mul3A_1057, %dma_start3A_1061] : memref<4194304x32xf32, #tpu.memory_space<hbm>> -> memref<2048x32xf32, #tpu.memory_space<hbm>>
    %dma_start3A_1063 = arith.constant 0 : i32
    %dma_start3A_1064 = tpu.memref_slice %arg3[%mul3A_1057, %dma_start3A_1063] : memref<4194304x32xf32, #tpu.memory_space<hbm>> -> memref<2048x32xf32, #tpu.memory_space<hbm>>
    %dma_start3A_1065 = arith.constant 21 : i32
    %dma_start3A_1066 = arith.constant 0 : i32
    %dma_start3A_1067 = tpu.memref_slice %arg5[%dma_start3A_1065, %dma_start3A_1066] : memref<2112x32xf32, #tpu.memory_space<vmem>> -> memref<2048x32xf32, #tpu.memory_space<vmem>>
    tpu.enqueue_dma source(%dma_start3A_1067 : memref<2048x32xf32, #tpu.memory_space<vmem>>) target(%dma_start3A_1064 : memref<2048x32xf32, #tpu.memory_space<hbm>>) target_semaphore(%arg8 : memref<!tpu.dma_semaphore, #tpu.memory_space<semaphore_mem>>)
    %dma_wait3A_1068 = arith.constant 28 : i32
    %dma_wait3A_1069 = arith.constant 0 : i32
    %dma_wait3A_1070 = tpu.memref_slice %arg5[%dma_wait3A_1068, %dma_wait3A_1069] : memref<2112x32xf32, #tpu.memory_space<vmem>> -> memref<2048x32xf32, #tpu.memory_space<vmem>>
    %dma_wait3A_1071 = arith.constant 0 : i32
    %dma_wait3A_1072 = tpu.memref_slice %arg3[%mul3A_889, %dma_wait3A_1071] : memref<4194304x32xf32, #tpu.memory_space<hbm>> -> memref<2048x32xf32, #tpu.memory_space<hbm>>
    %dma_wait3A_1073 = arith.constant 0 : i32
    %dma_wait3A_1074 = tpu.memref_slice %arg3[%mul3A_889, %dma_wait3A_1073] : memref<4194304x32xf32, #tpu.memory_space<hbm>> -> memref<2048x32xf32, #tpu.memory_space<hbm>>
    %dma_wait3A_1075 = arith.constant 28 : i32
    %dma_wait3A_1076 = arith.constant 0 : i32
    %dma_wait3A_1077 = tpu.memref_slice %arg5[%dma_wait3A_1075, %dma_wait3A_1076] : memref<2112x32xf32, #tpu.memory_space<vmem>> -> memref<2048x32xf32, #tpu.memory_space<vmem>>
    tpu.wait_dma2 semaphore(%arg9 : memref<!tpu.dma_semaphore, #tpu.memory_space<semaphore_mem>>) src(%dma_wait3A_1077 : memref<2048x32xf32, #tpu.memory_space<vmem>>) dst(%dma_wait3A_1074 : memref<2048x32xf32, #tpu.memory_space<hbm>>)
    %add3A_1078 = arith.constant 43 : i32
    %add3A_1079 = arith.addi %mul3A_117, %add3A_1078 : i32
    %mul3A_1080 = arith.constant 2048 : i32
    %mul3A_1081 = arith.muli %add3A_1079, %mul3A_1080 : i32
    %dma_start3A_1082 = arith.constant 20 : i32
    %dma_start3A_1083 = arith.constant 0 : i32
    %dma_start3A_1084 = tpu.memref_slice %arg5[%dma_start3A_1082, %dma_start3A_1083] : memref<2112x32xf32, #tpu.memory_space<vmem>> -> memref<2048x32xf32, #tpu.memory_space<vmem>>
    %dma_start3A_1085 = arith.constant 0 : i32
    %dma_start3A_1086 = tpu.memref_slice %arg3[%mul3A_1081, %dma_start3A_1085] : memref<4194304x32xf32, #tpu.memory_space<hbm>> -> memref<2048x32xf32, #tpu.memory_space<hbm>>
    %dma_start3A_1087 = arith.constant 0 : i32
    %dma_start3A_1088 = tpu.memref_slice %arg3[%mul3A_1081, %dma_start3A_1087] : memref<4194304x32xf32, #tpu.memory_space<hbm>> -> memref<2048x32xf32, #tpu.memory_space<hbm>>
    %dma_start3A_1089 = arith.constant 20 : i32
    %dma_start3A_1090 = arith.constant 0 : i32
    %dma_start3A_1091 = tpu.memref_slice %arg5[%dma_start3A_1089, %dma_start3A_1090] : memref<2112x32xf32, #tpu.memory_space<vmem>> -> memref<2048x32xf32, #tpu.memory_space<vmem>>
    tpu.enqueue_dma source(%dma_start3A_1091 : memref<2048x32xf32, #tpu.memory_space<vmem>>) target(%dma_start3A_1088 : memref<2048x32xf32, #tpu.memory_space<hbm>>) target_semaphore(%arg9 : memref<!tpu.dma_semaphore, #tpu.memory_space<semaphore_mem>>)
    %dma_wait3A_1092 = arith.constant 27 : i32
    %dma_wait3A_1093 = arith.constant 0 : i32
    %dma_wait3A_1094 = tpu.memref_slice %arg5[%dma_wait3A_1092, %dma_wait3A_1093] : memref<2112x32xf32, #tpu.memory_space<vmem>> -> memref<2048x32xf32, #tpu.memory_space<vmem>>
    %dma_wait3A_1095 = arith.constant 0 : i32
    %dma_wait3A_1096 = tpu.memref_slice %arg3[%mul3A_913, %dma_wait3A_1095] : memref<4194304x32xf32, #tpu.memory_space<hbm>> -> memref<2048x32xf32, #tpu.memory_space<hbm>>
    %dma_wait3A_1097 = arith.constant 0 : i32
    %dma_wait3A_1098 = tpu.memref_slice %arg3[%mul3A_913, %dma_wait3A_1097] : memref<4194304x32xf32, #tpu.memory_space<hbm>> -> memref<2048x32xf32, #tpu.memory_space<hbm>>
    %dma_wait3A_1099 = arith.constant 27 : i32
    %dma_wait3A_1100 = arith.constant 0 : i32
    %dma_wait3A_1101 = tpu.memref_slice %arg5[%dma_wait3A_1099, %dma_wait3A_1100] : memref<2112x32xf32, #tpu.memory_space<vmem>> -> memref<2048x32xf32, #tpu.memory_space<vmem>>
    tpu.wait_dma2 semaphore(%arg10 : memref<!tpu.dma_semaphore, #tpu.memory_space<semaphore_mem>>) src(%dma_wait3A_1101 : memref<2048x32xf32, #tpu.memory_space<vmem>>) dst(%dma_wait3A_1098 : memref<2048x32xf32, #tpu.memory_space<hbm>>)
    %add3A_1102 = arith.constant 44 : i32
    %add3A_1103 = arith.addi %mul3A_117, %add3A_1102 : i32
    %mul3A_1104 = arith.constant 2048 : i32
    %mul3A_1105 = arith.muli %add3A_1103, %mul3A_1104 : i32
    %dma_start3A_1106 = arith.constant 19 : i32
    %dma_start3A_1107 = arith.constant 0 : i32
    %dma_start3A_1108 = tpu.memref_slice %arg5[%dma_start3A_1106, %dma_start3A_1107] : memref<2112x32xf32, #tpu.memory_space<vmem>> -> memref<2048x32xf32, #tpu.memory_space<vmem>>
    %dma_start3A_1109 = arith.constant 0 : i32
    %dma_start3A_1110 = tpu.memref_slice %arg3[%mul3A_1105, %dma_start3A_1109] : memref<4194304x32xf32, #tpu.memory_space<hbm>> -> memref<2048x32xf32, #tpu.memory_space<hbm>>
    %dma_start3A_1111 = arith.constant 0 : i32
    %dma_start3A_1112 = tpu.memref_slice %arg3[%mul3A_1105, %dma_start3A_1111] : memref<4194304x32xf32, #tpu.memory_space<hbm>> -> memref<2048x32xf32, #tpu.memory_space<hbm>>
    %dma_start3A_1113 = arith.constant 19 : i32
    %dma_start3A_1114 = arith.constant 0 : i32
    %dma_start3A_1115 = tpu.memref_slice %arg5[%dma_start3A_1113, %dma_start3A_1114] : memref<2112x32xf32, #tpu.memory_space<vmem>> -> memref<2048x32xf32, #tpu.memory_space<vmem>>
    tpu.enqueue_dma source(%dma_start3A_1115 : memref<2048x32xf32, #tpu.memory_space<vmem>>) target(%dma_start3A_1112 : memref<2048x32xf32, #tpu.memory_space<hbm>>) target_semaphore(%arg10 : memref<!tpu.dma_semaphore, #tpu.memory_space<semaphore_mem>>)
    %dma_wait3A_1116 = arith.constant 26 : i32
    %dma_wait3A_1117 = arith.constant 0 : i32
    %dma_wait3A_1118 = tpu.memref_slice %arg5[%dma_wait3A_1116, %dma_wait3A_1117] : memref<2112x32xf32, #tpu.memory_space<vmem>> -> memref<2048x32xf32, #tpu.memory_space<vmem>>
    %dma_wait3A_1119 = arith.constant 0 : i32
    %dma_wait3A_1120 = tpu.memref_slice %arg3[%mul3A_937, %dma_wait3A_1119] : memref<4194304x32xf32, #tpu.memory_space<hbm>> -> memref<2048x32xf32, #tpu.memory_space<hbm>>
    %dma_wait3A_1121 = arith.constant 0 : i32
    %dma_wait3A_1122 = tpu.memref_slice %arg3[%mul3A_937, %dma_wait3A_1121] : memref<4194304x32xf32, #tpu.memory_space<hbm>> -> memref<2048x32xf32, #tpu.memory_space<hbm>>
    %dma_wait3A_1123 = arith.constant 26 : i32
    %dma_wait3A_1124 = arith.constant 0 : i32
    %dma_wait3A_1125 = tpu.memref_slice %arg5[%dma_wait3A_1123, %dma_wait3A_1124] : memref<2112x32xf32, #tpu.memory_space<vmem>> -> memref<2048x32xf32, #tpu.memory_space<vmem>>
    tpu.wait_dma2 semaphore(%arg11 : memref<!tpu.dma_semaphore, #tpu.memory_space<semaphore_mem>>) src(%dma_wait3A_1125 : memref<2048x32xf32, #tpu.memory_space<vmem>>) dst(%dma_wait3A_1122 : memref<2048x32xf32, #tpu.memory_space<hbm>>)
    %add3A_1126 = arith.constant 45 : i32
    %add3A_1127 = arith.addi %mul3A_117, %add3A_1126 : i32
    %mul3A_1128 = arith.constant 2048 : i32
    %mul3A_1129 = arith.muli %add3A_1127, %mul3A_1128 : i32
    %dma_start3A_1130 = arith.constant 18 : i32
    %dma_start3A_1131 = arith.constant 0 : i32
    %dma_start3A_1132 = tpu.memref_slice %arg5[%dma_start3A_1130, %dma_start3A_1131] : memref<2112x32xf32, #tpu.memory_space<vmem>> -> memref<2048x32xf32, #tpu.memory_space<vmem>>
    %dma_start3A_1133 = arith.constant 0 : i32
    %dma_start3A_1134 = tpu.memref_slice %arg3[%mul3A_1129, %dma_start3A_1133] : memref<4194304x32xf32, #tpu.memory_space<hbm>> -> memref<2048x32xf32, #tpu.memory_space<hbm>>
    %dma_start3A_1135 = arith.constant 0 : i32
    %dma_start3A_1136 = tpu.memref_slice %arg3[%mul3A_1129, %dma_start3A_1135] : memref<4194304x32xf32, #tpu.memory_space<hbm>> -> memref<2048x32xf32, #tpu.memory_space<hbm>>
    %dma_start3A_1137 = arith.constant 18 : i32
    %dma_start3A_1138 = arith.constant 0 : i32
    %dma_start3A_1139 = tpu.memref_slice %arg5[%dma_start3A_1137, %dma_start3A_1138] : memref<2112x32xf32, #tpu.memory_space<vmem>> -> memref<2048x32xf32, #tpu.memory_space<vmem>>
    tpu.enqueue_dma source(%dma_start3A_1139 : memref<2048x32xf32, #tpu.memory_space<vmem>>) target(%dma_start3A_1136 : memref<2048x32xf32, #tpu.memory_space<hbm>>) target_semaphore(%arg11 : memref<!tpu.dma_semaphore, #tpu.memory_space<semaphore_mem>>)
    %dma_wait3A_1140 = arith.constant 25 : i32
    %dma_wait3A_1141 = arith.constant 0 : i32
    %dma_wait3A_1142 = tpu.memref_slice %arg5[%dma_wait3A_1140, %dma_wait3A_1141] : memref<2112x32xf32, #tpu.memory_space<vmem>> -> memref<2048x32xf32, #tpu.memory_space<vmem>>
    %dma_wait3A_1143 = arith.constant 0 : i32
    %dma_wait3A_1144 = tpu.memref_slice %arg3[%mul3A_961, %dma_wait3A_1143] : memref<4194304x32xf32, #tpu.memory_space<hbm>> -> memref<2048x32xf32, #tpu.memory_space<hbm>>
    %dma_wait3A_1145 = arith.constant 0 : i32
    %dma_wait3A_1146 = tpu.memref_slice %arg3[%mul3A_961, %dma_wait3A_1145] : memref<4194304x32xf32, #tpu.memory_space<hbm>> -> memref<2048x32xf32, #tpu.memory_space<hbm>>
    %dma_wait3A_1147 = arith.constant 25 : i32
    %dma_wait3A_1148 = arith.constant 0 : i32
    %dma_wait3A_1149 = tpu.memref_slice %arg5[%dma_wait3A_1147, %dma_wait3A_1148] : memref<2112x32xf32, #tpu.memory_space<vmem>> -> memref<2048x32xf32, #tpu.memory_space<vmem>>
    tpu.wait_dma2 semaphore(%arg12 : memref<!tpu.dma_semaphore, #tpu.memory_space<semaphore_mem>>) src(%dma_wait3A_1149 : memref<2048x32xf32, #tpu.memory_space<vmem>>) dst(%dma_wait3A_1146 : memref<2048x32xf32, #tpu.memory_space<hbm>>)
    %add3A_1150 = arith.constant 46 : i32
    %add3A_1151 = arith.addi %mul3A_117, %add3A_1150 : i32
    %mul3A_1152 = arith.constant 2048 : i32
    %mul3A_1153 = arith.muli %add3A_1151, %mul3A_1152 : i32
    %dma_start3A_1154 = arith.constant 17 : i32
    %dma_start3A_1155 = arith.constant 0 : i32
    %dma_start3A_1156 = tpu.memref_slice %arg5[%dma_start3A_1154, %dma_start3A_1155] : memref<2112x32xf32, #tpu.memory_space<vmem>> -> memref<2048x32xf32, #tpu.memory_space<vmem>>
    %dma_start3A_1157 = arith.constant 0 : i32
    %dma_start3A_1158 = tpu.memref_slice %arg3[%mul3A_1153, %dma_start3A_1157] : memref<4194304x32xf32, #tpu.memory_space<hbm>> -> memref<2048x32xf32, #tpu.memory_space<hbm>>
    %dma_start3A_1159 = arith.constant 0 : i32
    %dma_start3A_1160 = tpu.memref_slice %arg3[%mul3A_1153, %dma_start3A_1159] : memref<4194304x32xf32, #tpu.memory_space<hbm>> -> memref<2048x32xf32, #tpu.memory_space<hbm>>
    %dma_start3A_1161 = arith.constant 17 : i32
    %dma_start3A_1162 = arith.constant 0 : i32
    %dma_start3A_1163 = tpu.memref_slice %arg5[%dma_start3A_1161, %dma_start3A_1162] : memref<2112x32xf32, #tpu.memory_space<vmem>> -> memref<2048x32xf32, #tpu.memory_space<vmem>>
    tpu.enqueue_dma source(%dma_start3A_1163 : memref<2048x32xf32, #tpu.memory_space<vmem>>) target(%dma_start3A_1160 : memref<2048x32xf32, #tpu.memory_space<hbm>>) target_semaphore(%arg12 : memref<!tpu.dma_semaphore, #tpu.memory_space<semaphore_mem>>)
    %dma_wait3A_1164 = arith.constant 24 : i32
    %dma_wait3A_1165 = arith.constant 0 : i32
    %dma_wait3A_1166 = tpu.memref_slice %arg5[%dma_wait3A_1164, %dma_wait3A_1165] : memref<2112x32xf32, #tpu.memory_space<vmem>> -> memref<2048x32xf32, #tpu.memory_space<vmem>>
    %dma_wait3A_1167 = arith.constant 0 : i32
    %dma_wait3A_1168 = tpu.memref_slice %arg3[%mul3A_985, %dma_wait3A_1167] : memref<4194304x32xf32, #tpu.memory_space<hbm>> -> memref<2048x32xf32, #tpu.memory_space<hbm>>
    %dma_wait3A_1169 = arith.constant 0 : i32
    %dma_wait3A_1170 = tpu.memref_slice %arg3[%mul3A_985, %dma_wait3A_1169] : memref<4194304x32xf32, #tpu.memory_space<hbm>> -> memref<2048x32xf32, #tpu.memory_space<hbm>>
    %dma_wait3A_1171 = arith.constant 24 : i32
    %dma_wait3A_1172 = arith.constant 0 : i32
    %dma_wait3A_1173 = tpu.memref_slice %arg5[%dma_wait3A_1171, %dma_wait3A_1172] : memref<2112x32xf32, #tpu.memory_space<vmem>> -> memref<2048x32xf32, #tpu.memory_space<vmem>>
    tpu.wait_dma2 semaphore(%arg13 : memref<!tpu.dma_semaphore, #tpu.memory_space<semaphore_mem>>) src(%dma_wait3A_1173 : memref<2048x32xf32, #tpu.memory_space<vmem>>) dst(%dma_wait3A_1170 : memref<2048x32xf32, #tpu.memory_space<hbm>>)
    %add3A_1174 = arith.constant 47 : i32
    %add3A_1175 = arith.addi %mul3A_117, %add3A_1174 : i32
    %mul3A_1176 = arith.constant 2048 : i32
    %mul3A_1177 = arith.muli %add3A_1175, %mul3A_1176 : i32
    %dma_start3A_1178 = arith.constant 16 : i32
    %dma_start3A_1179 = arith.constant 0 : i32
    %dma_start3A_1180 = tpu.memref_slice %arg5[%dma_start3A_1178, %dma_start3A_1179] : memref<2112x32xf32, #tpu.memory_space<vmem>> -> memref<2048x32xf32, #tpu.memory_space<vmem>>
    %dma_start3A_1181 = arith.constant 0 : i32
    %dma_start3A_1182 = tpu.memref_slice %arg3[%mul3A_1177, %dma_start3A_1181] : memref<4194304x32xf32, #tpu.memory_space<hbm>> -> memref<2048x32xf32, #tpu.memory_space<hbm>>
    %dma_start3A_1183 = arith.constant 0 : i32
    %dma_start3A_1184 = tpu.memref_slice %arg3[%mul3A_1177, %dma_start3A_1183] : memref<4194304x32xf32, #tpu.memory_space<hbm>> -> memref<2048x32xf32, #tpu.memory_space<hbm>>
    %dma_start3A_1185 = arith.constant 16 : i32
    %dma_start3A_1186 = arith.constant 0 : i32
    %dma_start3A_1187 = tpu.memref_slice %arg5[%dma_start3A_1185, %dma_start3A_1186] : memref<2112x32xf32, #tpu.memory_space<vmem>> -> memref<2048x32xf32, #tpu.memory_space<vmem>>
    tpu.enqueue_dma source(%dma_start3A_1187 : memref<2048x32xf32, #tpu.memory_space<vmem>>) target(%dma_start3A_1184 : memref<2048x32xf32, #tpu.memory_space<hbm>>) target_semaphore(%arg13 : memref<!tpu.dma_semaphore, #tpu.memory_space<semaphore_mem>>)
    %dma_wait3A_1188 = arith.constant 23 : i32
    %dma_wait3A_1189 = arith.constant 0 : i32
    %dma_wait3A_1190 = tpu.memref_slice %arg5[%dma_wait3A_1188, %dma_wait3A_1189] : memref<2112x32xf32, #tpu.memory_space<vmem>> -> memref<2048x32xf32, #tpu.memory_space<vmem>>
    %dma_wait3A_1191 = arith.constant 0 : i32
    %dma_wait3A_1192 = tpu.memref_slice %arg3[%mul3A_1009, %dma_wait3A_1191] : memref<4194304x32xf32, #tpu.memory_space<hbm>> -> memref<2048x32xf32, #tpu.memory_space<hbm>>
    %dma_wait3A_1193 = arith.constant 0 : i32
    %dma_wait3A_1194 = tpu.memref_slice %arg3[%mul3A_1009, %dma_wait3A_1193] : memref<4194304x32xf32, #tpu.memory_space<hbm>> -> memref<2048x32xf32, #tpu.memory_space<hbm>>
    %dma_wait3A_1195 = arith.constant 23 : i32
    %dma_wait3A_1196 = arith.constant 0 : i32
    %dma_wait3A_1197 = tpu.memref_slice %arg5[%dma_wait3A_1195, %dma_wait3A_1196] : memref<2112x32xf32, #tpu.memory_space<vmem>> -> memref<2048x32xf32, #tpu.memory_space<vmem>>
    tpu.wait_dma2 semaphore(%arg6 : memref<!tpu.dma_semaphore, #tpu.memory_space<semaphore_mem>>) src(%dma_wait3A_1197 : memref<2048x32xf32, #tpu.memory_space<vmem>>) dst(%dma_wait3A_1194 : memref<2048x32xf32, #tpu.memory_space<hbm>>)
    %add3A_1198 = arith.constant 48 : i32
    %add3A_1199 = arith.addi %mul3A_117, %add3A_1198 : i32
    %mul3A_1200 = arith.constant 2048 : i32
    %mul3A_1201 = arith.muli %add3A_1199, %mul3A_1200 : i32
    %dma_start3A_1202 = arith.constant 15 : i32
    %dma_start3A_1203 = arith.constant 0 : i32
    %dma_start3A_1204 = tpu.memref_slice %arg5[%dma_start3A_1202, %dma_start3A_1203] : memref<2112x32xf32, #tpu.memory_space<vmem>> -> memref<2048x32xf32, #tpu.memory_space<vmem>>
    %dma_start3A_1205 = arith.constant 0 : i32
    %dma_start3A_1206 = tpu.memref_slice %arg3[%mul3A_1201, %dma_start3A_1205] : memref<4194304x32xf32, #tpu.memory_space<hbm>> -> memref<2048x32xf32, #tpu.memory_space<hbm>>
    %dma_start3A_1207 = arith.constant 0 : i32
    %dma_start3A_1208 = tpu.memref_slice %arg3[%mul3A_1201, %dma_start3A_1207] : memref<4194304x32xf32, #tpu.memory_space<hbm>> -> memref<2048x32xf32, #tpu.memory_space<hbm>>
    %dma_start3A_1209 = arith.constant 15 : i32
    %dma_start3A_1210 = arith.constant 0 : i32
    %dma_start3A_1211 = tpu.memref_slice %arg5[%dma_start3A_1209, %dma_start3A_1210] : memref<2112x32xf32, #tpu.memory_space<vmem>> -> memref<2048x32xf32, #tpu.memory_space<vmem>>
    tpu.enqueue_dma source(%dma_start3A_1211 : memref<2048x32xf32, #tpu.memory_space<vmem>>) target(%dma_start3A_1208 : memref<2048x32xf32, #tpu.memory_space<hbm>>) target_semaphore(%arg6 : memref<!tpu.dma_semaphore, #tpu.memory_space<semaphore_mem>>)
    %dma_wait3A_1212 = arith.constant 22 : i32
    %dma_wait3A_1213 = arith.constant 0 : i32
    %dma_wait3A_1214 = tpu.memref_slice %arg5[%dma_wait3A_1212, %dma_wait3A_1213] : memref<2112x32xf32, #tpu.memory_space<vmem>> -> memref<2048x32xf32, #tpu.memory_space<vmem>>
    %dma_wait3A_1215 = arith.constant 0 : i32
    %dma_wait3A_1216 = tpu.memref_slice %arg3[%mul3A_1033, %dma_wait3A_1215] : memref<4194304x32xf32, #tpu.memory_space<hbm>> -> memref<2048x32xf32, #tpu.memory_space<hbm>>
    %dma_wait3A_1217 = arith.constant 0 : i32
    %dma_wait3A_1218 = tpu.memref_slice %arg3[%mul3A_1033, %dma_wait3A_1217] : memref<4194304x32xf32, #tpu.memory_space<hbm>> -> memref<2048x32xf32, #tpu.memory_space<hbm>>
    %dma_wait3A_1219 = arith.constant 22 : i32
    %dma_wait3A_1220 = arith.constant 0 : i32
    %dma_wait3A_1221 = tpu.memref_slice %arg5[%dma_wait3A_1219, %dma_wait3A_1220] : memref<2112x32xf32, #tpu.memory_space<vmem>> -> memref<2048x32xf32, #tpu.memory_space<vmem>>
    tpu.wait_dma2 semaphore(%arg7 : memref<!tpu.dma_semaphore, #tpu.memory_space<semaphore_mem>>) src(%dma_wait3A_1221 : memref<2048x32xf32, #tpu.memory_space<vmem>>) dst(%dma_wait3A_1218 : memref<2048x32xf32, #tpu.memory_space<hbm>>)
    %add3A_1222 = arith.constant 49 : i32
    %add3A_1223 = arith.addi %mul3A_117, %add3A_1222 : i32
    %mul3A_1224 = arith.constant 2048 : i32
    %mul3A_1225 = arith.muli %add3A_1223, %mul3A_1224 : i32
    %dma_start3A_1226 = arith.constant 14 : i32
    %dma_start3A_1227 = arith.constant 0 : i32
    %dma_start3A_1228 = tpu.memref_slice %arg5[%dma_start3A_1226, %dma_start3A_1227] : memref<2112x32xf32, #tpu.memory_space<vmem>> -> memref<2048x32xf32, #tpu.memory_space<vmem>>
    %dma_start3A_1229 = arith.constant 0 : i32
    %dma_start3A_1230 = tpu.memref_slice %arg3[%mul3A_1225, %dma_start3A_1229] : memref<4194304x32xf32, #tpu.memory_space<hbm>> -> memref<2048x32xf32, #tpu.memory_space<hbm>>
    %dma_start3A_1231 = arith.constant 0 : i32
    %dma_start3A_1232 = tpu.memref_slice %arg3[%mul3A_1225, %dma_start3A_1231] : memref<4194304x32xf32, #tpu.memory_space<hbm>> -> memref<2048x32xf32, #tpu.memory_space<hbm>>
    %dma_start3A_1233 = arith.constant 14 : i32
    %dma_start3A_1234 = arith.constant 0 : i32
    %dma_start3A_1235 = tpu.memref_slice %arg5[%dma_start3A_1233, %dma_start3A_1234] : memref<2112x32xf32, #tpu.memory_space<vmem>> -> memref<2048x32xf32, #tpu.memory_space<vmem>>
    tpu.enqueue_dma source(%dma_start3A_1235 : memref<2048x32xf32, #tpu.memory_space<vmem>>) target(%dma_start3A_1232 : memref<2048x32xf32, #tpu.memory_space<hbm>>) target_semaphore(%arg7 : memref<!tpu.dma_semaphore, #tpu.memory_space<semaphore_mem>>)
    %dma_wait3A_1236 = arith.constant 21 : i32
    %dma_wait3A_1237 = arith.constant 0 : i32
    %dma_wait3A_1238 = tpu.memref_slice %arg5[%dma_wait3A_1236, %dma_wait3A_1237] : memref<2112x32xf32, #tpu.memory_space<vmem>> -> memref<2048x32xf32, #tpu.memory_space<vmem>>
    %dma_wait3A_1239 = arith.constant 0 : i32
    %dma_wait3A_1240 = tpu.memref_slice %arg3[%mul3A_1057, %dma_wait3A_1239] : memref<4194304x32xf32, #tpu.memory_space<hbm>> -> memref<2048x32xf32, #tpu.memory_space<hbm>>
    %dma_wait3A_1241 = arith.constant 0 : i32
    %dma_wait3A_1242 = tpu.memref_slice %arg3[%mul3A_1057, %dma_wait3A_1241] : memref<4194304x32xf32, #tpu.memory_space<hbm>> -> memref<2048x32xf32, #tpu.memory_space<hbm>>
    %dma_wait3A_1243 = arith.constant 21 : i32
    %dma_wait3A_1244 = arith.constant 0 : i32
    %dma_wait3A_1245 = tpu.memref_slice %arg5[%dma_wait3A_1243, %dma_wait3A_1244] : memref<2112x32xf32, #tpu.memory_space<vmem>> -> memref<2048x32xf32, #tpu.memory_space<vmem>>
    tpu.wait_dma2 semaphore(%arg8 : memref<!tpu.dma_semaphore, #tpu.memory_space<semaphore_mem>>) src(%dma_wait3A_1245 : memref<2048x32xf32, #tpu.memory_space<vmem>>) dst(%dma_wait3A_1242 : memref<2048x32xf32, #tpu.memory_space<hbm>>)
    %add3A_1246 = arith.constant 50 : i32
    %add3A_1247 = arith.addi %mul3A_117, %add3A_1246 : i32
    %mul3A_1248 = arith.constant 2048 : i32
    %mul3A_1249 = arith.muli %add3A_1247, %mul3A_1248 : i32
    %dma_start3A_1250 = arith.constant 13 : i32
    %dma_start3A_1251 = arith.constant 0 : i32
    %dma_start3A_1252 = tpu.memref_slice %arg5[%dma_start3A_1250, %dma_start3A_1251] : memref<2112x32xf32, #tpu.memory_space<vmem>> -> memref<2048x32xf32, #tpu.memory_space<vmem>>
    %dma_start3A_1253 = arith.constant 0 : i32
    %dma_start3A_1254 = tpu.memref_slice %arg3[%mul3A_1249, %dma_start3A_1253] : memref<4194304x32xf32, #tpu.memory_space<hbm>> -> memref<2048x32xf32, #tpu.memory_space<hbm>>
    %dma_start3A_1255 = arith.constant 0 : i32
    %dma_start3A_1256 = tpu.memref_slice %arg3[%mul3A_1249, %dma_start3A_1255] : memref<4194304x32xf32, #tpu.memory_space<hbm>> -> memref<2048x32xf32, #tpu.memory_space<hbm>>
    %dma_start3A_1257 = arith.constant 13 : i32
    %dma_start3A_1258 = arith.constant 0 : i32
    %dma_start3A_1259 = tpu.memref_slice %arg5[%dma_start3A_1257, %dma_start3A_1258] : memref<2112x32xf32, #tpu.memory_space<vmem>> -> memref<2048x32xf32, #tpu.memory_space<vmem>>
    tpu.enqueue_dma source(%dma_start3A_1259 : memref<2048x32xf32, #tpu.memory_space<vmem>>) target(%dma_start3A_1256 : memref<2048x32xf32, #tpu.memory_space<hbm>>) target_semaphore(%arg8 : memref<!tpu.dma_semaphore, #tpu.memory_space<semaphore_mem>>)
    %dma_wait3A_1260 = arith.constant 20 : i32
    %dma_wait3A_1261 = arith.constant 0 : i32
    %dma_wait3A_1262 = tpu.memref_slice %arg5[%dma_wait3A_1260, %dma_wait3A_1261] : memref<2112x32xf32, #tpu.memory_space<vmem>> -> memref<2048x32xf32, #tpu.memory_space<vmem>>
    %dma_wait3A_1263 = arith.constant 0 : i32
    %dma_wait3A_1264 = tpu.memref_slice %arg3[%mul3A_1081, %dma_wait3A_1263] : memref<4194304x32xf32, #tpu.memory_space<hbm>> -> memref<2048x32xf32, #tpu.memory_space<hbm>>
    %dma_wait3A_1265 = arith.constant 0 : i32
    %dma_wait3A_1266 = tpu.memref_slice %arg3[%mul3A_1081, %dma_wait3A_1265] : memref<4194304x32xf32, #tpu.memory_space<hbm>> -> memref<2048x32xf32, #tpu.memory_space<hbm>>
    %dma_wait3A_1267 = arith.constant 20 : i32
    %dma_wait3A_1268 = arith.constant 0 : i32
    %dma_wait3A_1269 = tpu.memref_slice %arg5[%dma_wait3A_1267, %dma_wait3A_1268] : memref<2112x32xf32, #tpu.memory_space<vmem>> -> memref<2048x32xf32, #tpu.memory_space<vmem>>
    tpu.wait_dma2 semaphore(%arg9 : memref<!tpu.dma_semaphore, #tpu.memory_space<semaphore_mem>>) src(%dma_wait3A_1269 : memref<2048x32xf32, #tpu.memory_space<vmem>>) dst(%dma_wait3A_1266 : memref<2048x32xf32, #tpu.memory_space<hbm>>)
    %add3A_1270 = arith.constant 51 : i32
    %add3A_1271 = arith.addi %mul3A_117, %add3A_1270 : i32
    %mul3A_1272 = arith.constant 2048 : i32
    %mul3A_1273 = arith.muli %add3A_1271, %mul3A_1272 : i32
    %dma_start3A_1274 = arith.constant 12 : i32
    %dma_start3A_1275 = arith.constant 0 : i32
    %dma_start3A_1276 = tpu.memref_slice %arg5[%dma_start3A_1274, %dma_start3A_1275] : memref<2112x32xf32, #tpu.memory_space<vmem>> -> memref<2048x32xf32, #tpu.memory_space<vmem>>
    %dma_start3A_1277 = arith.constant 0 : i32
    %dma_start3A_1278 = tpu.memref_slice %arg3[%mul3A_1273, %dma_start3A_1277] : memref<4194304x32xf32, #tpu.memory_space<hbm>> -> memref<2048x32xf32, #tpu.memory_space<hbm>>
    %dma_start3A_1279 = arith.constant 0 : i32
    %dma_start3A_1280 = tpu.memref_slice %arg3[%mul3A_1273, %dma_start3A_1279] : memref<4194304x32xf32, #tpu.memory_space<hbm>> -> memref<2048x32xf32, #tpu.memory_space<hbm>>
    %dma_start3A_1281 = arith.constant 12 : i32
    %dma_start3A_1282 = arith.constant 0 : i32
    %dma_start3A_1283 = tpu.memref_slice %arg5[%dma_start3A_1281, %dma_start3A_1282] : memref<2112x32xf32, #tpu.memory_space<vmem>> -> memref<2048x32xf32, #tpu.memory_space<vmem>>
    tpu.enqueue_dma source(%dma_start3A_1283 : memref<2048x32xf32, #tpu.memory_space<vmem>>) target(%dma_start3A_1280 : memref<2048x32xf32, #tpu.memory_space<hbm>>) target_semaphore(%arg9 : memref<!tpu.dma_semaphore, #tpu.memory_space<semaphore_mem>>)
    %dma_wait3A_1284 = arith.constant 19 : i32
    %dma_wait3A_1285 = arith.constant 0 : i32
    %dma_wait3A_1286 = tpu.memref_slice %arg5[%dma_wait3A_1284, %dma_wait3A_1285] : memref<2112x32xf32, #tpu.memory_space<vmem>> -> memref<2048x32xf32, #tpu.memory_space<vmem>>
    %dma_wait3A_1287 = arith.constant 0 : i32
    %dma_wait3A_1288 = tpu.memref_slice %arg3[%mul3A_1105, %dma_wait3A_1287] : memref<4194304x32xf32, #tpu.memory_space<hbm>> -> memref<2048x32xf32, #tpu.memory_space<hbm>>
    %dma_wait3A_1289 = arith.constant 0 : i32
    %dma_wait3A_1290 = tpu.memref_slice %arg3[%mul3A_1105, %dma_wait3A_1289] : memref<4194304x32xf32, #tpu.memory_space<hbm>> -> memref<2048x32xf32, #tpu.memory_space<hbm>>
    %dma_wait3A_1291 = arith.constant 19 : i32
    %dma_wait3A_1292 = arith.constant 0 : i32
    %dma_wait3A_1293 = tpu.memref_slice %arg5[%dma_wait3A_1291, %dma_wait3A_1292] : memref<2112x32xf32, #tpu.memory_space<vmem>> -> memref<2048x32xf32, #tpu.memory_space<vmem>>
    tpu.wait_dma2 semaphore(%arg10 : memref<!tpu.dma_semaphore, #tpu.memory_space<semaphore_mem>>) src(%dma_wait3A_1293 : memref<2048x32xf32, #tpu.memory_space<vmem>>) dst(%dma_wait3A_1290 : memref<2048x32xf32, #tpu.memory_space<hbm>>)
    %add3A_1294 = arith.constant 52 : i32
    %add3A_1295 = arith.addi %mul3A_117, %add3A_1294 : i32
    %mul3A_1296 = arith.constant 2048 : i32
    %mul3A_1297 = arith.muli %add3A_1295, %mul3A_1296 : i32
    %dma_start3A_1298 = arith.constant 11 : i32
    %dma_start3A_1299 = arith.constant 0 : i32
    %dma_start3A_1300 = tpu.memref_slice %arg5[%dma_start3A_1298, %dma_start3A_1299] : memref<2112x32xf32, #tpu.memory_space<vmem>> -> memref<2048x32xf32, #tpu.memory_space<vmem>>
    %dma_start3A_1301 = arith.constant 0 : i32
    %dma_start3A_1302 = tpu.memref_slice %arg3[%mul3A_1297, %dma_start3A_1301] : memref<4194304x32xf32, #tpu.memory_space<hbm>> -> memref<2048x32xf32, #tpu.memory_space<hbm>>
    %dma_start3A_1303 = arith.constant 0 : i32
    %dma_start3A_1304 = tpu.memref_slice %arg3[%mul3A_1297, %dma_start3A_1303] : memref<4194304x32xf32, #tpu.memory_space<hbm>> -> memref<2048x32xf32, #tpu.memory_space<hbm>>
    %dma_start3A_1305 = arith.constant 11 : i32
    %dma_start3A_1306 = arith.constant 0 : i32
    %dma_start3A_1307 = tpu.memref_slice %arg5[%dma_start3A_1305, %dma_start3A_1306] : memref<2112x32xf32, #tpu.memory_space<vmem>> -> memref<2048x32xf32, #tpu.memory_space<vmem>>
    tpu.enqueue_dma source(%dma_start3A_1307 : memref<2048x32xf32, #tpu.memory_space<vmem>>) target(%dma_start3A_1304 : memref<2048x32xf32, #tpu.memory_space<hbm>>) target_semaphore(%arg10 : memref<!tpu.dma_semaphore, #tpu.memory_space<semaphore_mem>>)
    %dma_wait3A_1308 = arith.constant 18 : i32
    %dma_wait3A_1309 = arith.constant 0 : i32
    %dma_wait3A_1310 = tpu.memref_slice %arg5[%dma_wait3A_1308, %dma_wait3A_1309] : memref<2112x32xf32, #tpu.memory_space<vmem>> -> memref<2048x32xf32, #tpu.memory_space<vmem>>
    %dma_wait3A_1311 = arith.constant 0 : i32
    %dma_wait3A_1312 = tpu.memref_slice %arg3[%mul3A_1129, %dma_wait3A_1311] : memref<4194304x32xf32, #tpu.memory_space<hbm>> -> memref<2048x32xf32, #tpu.memory_space<hbm>>
    %dma_wait3A_1313 = arith.constant 0 : i32
    %dma_wait3A_1314 = tpu.memref_slice %arg3[%mul3A_1129, %dma_wait3A_1313] : memref<4194304x32xf32, #tpu.memory_space<hbm>> -> memref<2048x32xf32, #tpu.memory_space<hbm>>
    %dma_wait3A_1315 = arith.constant 18 : i32
    %dma_wait3A_1316 = arith.constant 0 : i32
    %dma_wait3A_1317 = tpu.memref_slice %arg5[%dma_wait3A_1315, %dma_wait3A_1316] : memref<2112x32xf32, #tpu.memory_space<vmem>> -> memref<2048x32xf32, #tpu.memory_space<vmem>>
    tpu.wait_dma2 semaphore(%arg11 : memref<!tpu.dma_semaphore, #tpu.memory_space<semaphore_mem>>) src(%dma_wait3A_1317 : memref<2048x32xf32, #tpu.memory_space<vmem>>) dst(%dma_wait3A_1314 : memref<2048x32xf32, #tpu.memory_space<hbm>>)
    %add3A_1318 = arith.constant 53 : i32
    %add3A_1319 = arith.addi %mul3A_117, %add3A_1318 : i32
    %mul3A_1320 = arith.constant 2048 : i32
    %mul3A_1321 = arith.muli %add3A_1319, %mul3A_1320 : i32
    %dma_start3A_1322 = arith.constant 10 : i32
    %dma_start3A_1323 = arith.constant 0 : i32
    %dma_start3A_1324 = tpu.memref_slice %arg5[%dma_start3A_1322, %dma_start3A_1323] : memref<2112x32xf32, #tpu.memory_space<vmem>> -> memref<2048x32xf32, #tpu.memory_space<vmem>>
    %dma_start3A_1325 = arith.constant 0 : i32
    %dma_start3A_1326 = tpu.memref_slice %arg3[%mul3A_1321, %dma_start3A_1325] : memref<4194304x32xf32, #tpu.memory_space<hbm>> -> memref<2048x32xf32, #tpu.memory_space<hbm>>
    %dma_start3A_1327 = arith.constant 0 : i32
    %dma_start3A_1328 = tpu.memref_slice %arg3[%mul3A_1321, %dma_start3A_1327] : memref<4194304x32xf32, #tpu.memory_space<hbm>> -> memref<2048x32xf32, #tpu.memory_space<hbm>>
    %dma_start3A_1329 = arith.constant 10 : i32
    %dma_start3A_1330 = arith.constant 0 : i32
    %dma_start3A_1331 = tpu.memref_slice %arg5[%dma_start3A_1329, %dma_start3A_1330] : memref<2112x32xf32, #tpu.memory_space<vmem>> -> memref<2048x32xf32, #tpu.memory_space<vmem>>
    tpu.enqueue_dma source(%dma_start3A_1331 : memref<2048x32xf32, #tpu.memory_space<vmem>>) target(%dma_start3A_1328 : memref<2048x32xf32, #tpu.memory_space<hbm>>) target_semaphore(%arg11 : memref<!tpu.dma_semaphore, #tpu.memory_space<semaphore_mem>>)
    %dma_wait3A_1332 = arith.constant 17 : i32
    %dma_wait3A_1333 = arith.constant 0 : i32
    %dma_wait3A_1334 = tpu.memref_slice %arg5[%dma_wait3A_1332, %dma_wait3A_1333] : memref<2112x32xf32, #tpu.memory_space<vmem>> -> memref<2048x32xf32, #tpu.memory_space<vmem>>
    %dma_wait3A_1335 = arith.constant 0 : i32
    %dma_wait3A_1336 = tpu.memref_slice %arg3[%mul3A_1153, %dma_wait3A_1335] : memref<4194304x32xf32, #tpu.memory_space<hbm>> -> memref<2048x32xf32, #tpu.memory_space<hbm>>
    %dma_wait3A_1337 = arith.constant 0 : i32
    %dma_wait3A_1338 = tpu.memref_slice %arg3[%mul3A_1153, %dma_wait3A_1337] : memref<4194304x32xf32, #tpu.memory_space<hbm>> -> memref<2048x32xf32, #tpu.memory_space<hbm>>
    %dma_wait3A_1339 = arith.constant 17 : i32
    %dma_wait3A_1340 = arith.constant 0 : i32
    %dma_wait3A_1341 = tpu.memref_slice %arg5[%dma_wait3A_1339, %dma_wait3A_1340] : memref<2112x32xf32, #tpu.memory_space<vmem>> -> memref<2048x32xf32, #tpu.memory_space<vmem>>
    tpu.wait_dma2 semaphore(%arg12 : memref<!tpu.dma_semaphore, #tpu.memory_space<semaphore_mem>>) src(%dma_wait3A_1341 : memref<2048x32xf32, #tpu.memory_space<vmem>>) dst(%dma_wait3A_1338 : memref<2048x32xf32, #tpu.memory_space<hbm>>)
    %add3A_1342 = arith.constant 54 : i32
    %add3A_1343 = arith.addi %mul3A_117, %add3A_1342 : i32
    %mul3A_1344 = arith.constant 2048 : i32
    %mul3A_1345 = arith.muli %add3A_1343, %mul3A_1344 : i32
    %dma_start3A_1346 = arith.constant 9 : i32
    %dma_start3A_1347 = arith.constant 0 : i32
    %dma_start3A_1348 = tpu.memref_slice %arg5[%dma_start3A_1346, %dma_start3A_1347] : memref<2112x32xf32, #tpu.memory_space<vmem>> -> memref<2048x32xf32, #tpu.memory_space<vmem>>
    %dma_start3A_1349 = arith.constant 0 : i32
    %dma_start3A_1350 = tpu.memref_slice %arg3[%mul3A_1345, %dma_start3A_1349] : memref<4194304x32xf32, #tpu.memory_space<hbm>> -> memref<2048x32xf32, #tpu.memory_space<hbm>>
    %dma_start3A_1351 = arith.constant 0 : i32
    %dma_start3A_1352 = tpu.memref_slice %arg3[%mul3A_1345, %dma_start3A_1351] : memref<4194304x32xf32, #tpu.memory_space<hbm>> -> memref<2048x32xf32, #tpu.memory_space<hbm>>
    %dma_start3A_1353 = arith.constant 9 : i32
    %dma_start3A_1354 = arith.constant 0 : i32
    %dma_start3A_1355 = tpu.memref_slice %arg5[%dma_start3A_1353, %dma_start3A_1354] : memref<2112x32xf32, #tpu.memory_space<vmem>> -> memref<2048x32xf32, #tpu.memory_space<vmem>>
    tpu.enqueue_dma source(%dma_start3A_1355 : memref<2048x32xf32, #tpu.memory_space<vmem>>) target(%dma_start3A_1352 : memref<2048x32xf32, #tpu.memory_space<hbm>>) target_semaphore(%arg12 : memref<!tpu.dma_semaphore, #tpu.memory_space<semaphore_mem>>)
    %dma_wait3A_1356 = arith.constant 16 : i32
    %dma_wait3A_1357 = arith.constant 0 : i32
    %dma_wait3A_1358 = tpu.memref_slice %arg5[%dma_wait3A_1356, %dma_wait3A_1357] : memref<2112x32xf32, #tpu.memory_space<vmem>> -> memref<2048x32xf32, #tpu.memory_space<vmem>>
    %dma_wait3A_1359 = arith.constant 0 : i32
    %dma_wait3A_1360 = tpu.memref_slice %arg3[%mul3A_1177, %dma_wait3A_1359] : memref<4194304x32xf32, #tpu.memory_space<hbm>> -> memref<2048x32xf32, #tpu.memory_space<hbm>>
    %dma_wait3A_1361 = arith.constant 0 : i32
    %dma_wait3A_1362 = tpu.memref_slice %arg3[%mul3A_1177, %dma_wait3A_1361] : memref<4194304x32xf32, #tpu.memory_space<hbm>> -> memref<2048x32xf32, #tpu.memory_space<hbm>>
    %dma_wait3A_1363 = arith.constant 16 : i32
    %dma_wait3A_1364 = arith.constant 0 : i32
    %dma_wait3A_1365 = tpu.memref_slice %arg5[%dma_wait3A_1363, %dma_wait3A_1364] : memref<2112x32xf32, #tpu.memory_space<vmem>> -> memref<2048x32xf32, #tpu.memory_space<vmem>>
    tpu.wait_dma2 semaphore(%arg13 : memref<!tpu.dma_semaphore, #tpu.memory_space<semaphore_mem>>) src(%dma_wait3A_1365 : memref<2048x32xf32, #tpu.memory_space<vmem>>) dst(%dma_wait3A_1362 : memref<2048x32xf32, #tpu.memory_space<hbm>>)
    %add3A_1366 = arith.constant 55 : i32
    %add3A_1367 = arith.addi %mul3A_117, %add3A_1366 : i32
    %mul3A_1368 = arith.constant 2048 : i32
    %mul3A_1369 = arith.muli %add3A_1367, %mul3A_1368 : i32
    %dma_start3A_1370 = arith.constant 8 : i32
    %dma_start3A_1371 = arith.constant 0 : i32
    %dma_start3A_1372 = tpu.memref_slice %arg5[%dma_start3A_1370, %dma_start3A_1371] : memref<2112x32xf32, #tpu.memory_space<vmem>> -> memref<2048x32xf32, #tpu.memory_space<vmem>>
    %dma_start3A_1373 = arith.constant 0 : i32
    %dma_start3A_1374 = tpu.memref_slice %arg3[%mul3A_1369, %dma_start3A_1373] : memref<4194304x32xf32, #tpu.memory_space<hbm>> -> memref<2048x32xf32, #tpu.memory_space<hbm>>
    %dma_start3A_1375 = arith.constant 0 : i32
    %dma_start3A_1376 = tpu.memref_slice %arg3[%mul3A_1369, %dma_start3A_1375] : memref<4194304x32xf32, #tpu.memory_space<hbm>> -> memref<2048x32xf32, #tpu.memory_space<hbm>>
    %dma_start3A_1377 = arith.constant 8 : i32
    %dma_start3A_1378 = arith.constant 0 : i32
    %dma_start3A_1379 = tpu.memref_slice %arg5[%dma_start3A_1377, %dma_start3A_1378] : memref<2112x32xf32, #tpu.memory_space<vmem>> -> memref<2048x32xf32, #tpu.memory_space<vmem>>
    tpu.enqueue_dma source(%dma_start3A_1379 : memref<2048x32xf32, #tpu.memory_space<vmem>>) target(%dma_start3A_1376 : memref<2048x32xf32, #tpu.memory_space<hbm>>) target_semaphore(%arg13 : memref<!tpu.dma_semaphore, #tpu.memory_space<semaphore_mem>>)
    %dma_wait3A_1380 = arith.constant 15 : i32
    %dma_wait3A_1381 = arith.constant 0 : i32
    %dma_wait3A_1382 = tpu.memref_slice %arg5[%dma_wait3A_1380, %dma_wait3A_1381] : memref<2112x32xf32, #tpu.memory_space<vmem>> -> memref<2048x32xf32, #tpu.memory_space<vmem>>
    %dma_wait3A_1383 = arith.constant 0 : i32
    %dma_wait3A_1384 = tpu.memref_slice %arg3[%mul3A_1201, %dma_wait3A_1383] : memref<4194304x32xf32, #tpu.memory_space<hbm>> -> memref<2048x32xf32, #tpu.memory_space<hbm>>
    %dma_wait3A_1385 = arith.constant 0 : i32
    %dma_wait3A_1386 = tpu.memref_slice %arg3[%mul3A_1201, %dma_wait3A_1385] : memref<4194304x32xf32, #tpu.memory_space<hbm>> -> memref<2048x32xf32, #tpu.memory_space<hbm>>
    %dma_wait3A_1387 = arith.constant 15 : i32
    %dma_wait3A_1388 = arith.constant 0 : i32
    %dma_wait3A_1389 = tpu.memref_slice %arg5[%dma_wait3A_1387, %dma_wait3A_1388] : memref<2112x32xf32, #tpu.memory_space<vmem>> -> memref<2048x32xf32, #tpu.memory_space<vmem>>
    tpu.wait_dma2 semaphore(%arg6 : memref<!tpu.dma_semaphore, #tpu.memory_space<semaphore_mem>>) src(%dma_wait3A_1389 : memref<2048x32xf32, #tpu.memory_space<vmem>>) dst(%dma_wait3A_1386 : memref<2048x32xf32, #tpu.memory_space<hbm>>)
    %add3A_1390 = arith.constant 56 : i32
    %add3A_1391 = arith.addi %mul3A_117, %add3A_1390 : i32
    %mul3A_1392 = arith.constant 2048 : i32
    %mul3A_1393 = arith.muli %add3A_1391, %mul3A_1392 : i32
    %dma_start3A_1394 = arith.constant 7 : i32
    %dma_start3A_1395 = arith.constant 0 : i32
    %dma_start3A_1396 = tpu.memref_slice %arg5[%dma_start3A_1394, %dma_start3A_1395] : memref<2112x32xf32, #tpu.memory_space<vmem>> -> memref<2048x32xf32, #tpu.memory_space<vmem>>
    %dma_start3A_1397 = arith.constant 0 : i32
    %dma_start3A_1398 = tpu.memref_slice %arg3[%mul3A_1393, %dma_start3A_1397] : memref<4194304x32xf32, #tpu.memory_space<hbm>> -> memref<2048x32xf32, #tpu.memory_space<hbm>>
    %dma_start3A_1399 = arith.constant 0 : i32
    %dma_start3A_1400 = tpu.memref_slice %arg3[%mul3A_1393, %dma_start3A_1399] : memref<4194304x32xf32, #tpu.memory_space<hbm>> -> memref<2048x32xf32, #tpu.memory_space<hbm>>
    %dma_start3A_1401 = arith.constant 7 : i32
    %dma_start3A_1402 = arith.constant 0 : i32
    %dma_start3A_1403 = tpu.memref_slice %arg5[%dma_start3A_1401, %dma_start3A_1402] : memref<2112x32xf32, #tpu.memory_space<vmem>> -> memref<2048x32xf32, #tpu.memory_space<vmem>>
    tpu.enqueue_dma source(%dma_start3A_1403 : memref<2048x32xf32, #tpu.memory_space<vmem>>) target(%dma_start3A_1400 : memref<2048x32xf32, #tpu.memory_space<hbm>>) target_semaphore(%arg6 : memref<!tpu.dma_semaphore, #tpu.memory_space<semaphore_mem>>)
    %dma_wait3A_1404 = arith.constant 14 : i32
    %dma_wait3A_1405 = arith.constant 0 : i32
    %dma_wait3A_1406 = tpu.memref_slice %arg5[%dma_wait3A_1404, %dma_wait3A_1405] : memref<2112x32xf32, #tpu.memory_space<vmem>> -> memref<2048x32xf32, #tpu.memory_space<vmem>>
    %dma_wait3A_1407 = arith.constant 0 : i32
    %dma_wait3A_1408 = tpu.memref_slice %arg3[%mul3A_1225, %dma_wait3A_1407] : memref<4194304x32xf32, #tpu.memory_space<hbm>> -> memref<2048x32xf32, #tpu.memory_space<hbm>>
    %dma_wait3A_1409 = arith.constant 0 : i32
    %dma_wait3A_1410 = tpu.memref_slice %arg3[%mul3A_1225, %dma_wait3A_1409] : memref<4194304x32xf32, #tpu.memory_space<hbm>> -> memref<2048x32xf32, #tpu.memory_space<hbm>>
    %dma_wait3A_1411 = arith.constant 14 : i32
    %dma_wait3A_1412 = arith.constant 0 : i32
    %dma_wait3A_1413 = tpu.memref_slice %arg5[%dma_wait3A_1411, %dma_wait3A_1412] : memref<2112x32xf32, #tpu.memory_space<vmem>> -> memref<2048x32xf32, #tpu.memory_space<vmem>>
    tpu.wait_dma2 semaphore(%arg7 : memref<!tpu.dma_semaphore, #tpu.memory_space<semaphore_mem>>) src(%dma_wait3A_1413 : memref<2048x32xf32, #tpu.memory_space<vmem>>) dst(%dma_wait3A_1410 : memref<2048x32xf32, #tpu.memory_space<hbm>>)
    %add3A_1414 = arith.constant 57 : i32
    %add3A_1415 = arith.addi %mul3A_117, %add3A_1414 : i32
    %mul3A_1416 = arith.constant 2048 : i32
    %mul3A_1417 = arith.muli %add3A_1415, %mul3A_1416 : i32
    %dma_start3A_1418 = arith.constant 6 : i32
    %dma_start3A_1419 = arith.constant 0 : i32
    %dma_start3A_1420 = tpu.memref_slice %arg5[%dma_start3A_1418, %dma_start3A_1419] : memref<2112x32xf32, #tpu.memory_space<vmem>> -> memref<2048x32xf32, #tpu.memory_space<vmem>>
    %dma_start3A_1421 = arith.constant 0 : i32
    %dma_start3A_1422 = tpu.memref_slice %arg3[%mul3A_1417, %dma_start3A_1421] : memref<4194304x32xf32, #tpu.memory_space<hbm>> -> memref<2048x32xf32, #tpu.memory_space<hbm>>
    %dma_start3A_1423 = arith.constant 0 : i32
    %dma_start3A_1424 = tpu.memref_slice %arg3[%mul3A_1417, %dma_start3A_1423] : memref<4194304x32xf32, #tpu.memory_space<hbm>> -> memref<2048x32xf32, #tpu.memory_space<hbm>>
    %dma_start3A_1425 = arith.constant 6 : i32
    %dma_start3A_1426 = arith.constant 0 : i32
    %dma_start3A_1427 = tpu.memref_slice %arg5[%dma_start3A_1425, %dma_start3A_1426] : memref<2112x32xf32, #tpu.memory_space<vmem>> -> memref<2048x32xf32, #tpu.memory_space<vmem>>
    tpu.enqueue_dma source(%dma_start3A_1427 : memref<2048x32xf32, #tpu.memory_space<vmem>>) target(%dma_start3A_1424 : memref<2048x32xf32, #tpu.memory_space<hbm>>) target_semaphore(%arg7 : memref<!tpu.dma_semaphore, #tpu.memory_space<semaphore_mem>>)
    %dma_wait3A_1428 = arith.constant 13 : i32
    %dma_wait3A_1429 = arith.constant 0 : i32
    %dma_wait3A_1430 = tpu.memref_slice %arg5[%dma_wait3A_1428, %dma_wait3A_1429] : memref<2112x32xf32, #tpu.memory_space<vmem>> -> memref<2048x32xf32, #tpu.memory_space<vmem>>
    %dma_wait3A_1431 = arith.constant 0 : i32
    %dma_wait3A_1432 = tpu.memref_slice %arg3[%mul3A_1249, %dma_wait3A_1431] : memref<4194304x32xf32, #tpu.memory_space<hbm>> -> memref<2048x32xf32, #tpu.memory_space<hbm>>
    %dma_wait3A_1433 = arith.constant 0 : i32
    %dma_wait3A_1434 = tpu.memref_slice %arg3[%mul3A_1249, %dma_wait3A_1433] : memref<4194304x32xf32, #tpu.memory_space<hbm>> -> memref<2048x32xf32, #tpu.memory_space<hbm>>
    %dma_wait3A_1435 = arith.constant 13 : i32
    %dma_wait3A_1436 = arith.constant 0 : i32
    %dma_wait3A_1437 = tpu.memref_slice %arg5[%dma_wait3A_1435, %dma_wait3A_1436] : memref<2112x32xf32, #tpu.memory_space<vmem>> -> memref<2048x32xf32, #tpu.memory_space<vmem>>
    tpu.wait_dma2 semaphore(%arg8 : memref<!tpu.dma_semaphore, #tpu.memory_space<semaphore_mem>>) src(%dma_wait3A_1437 : memref<2048x32xf32, #tpu.memory_space<vmem>>) dst(%dma_wait3A_1434 : memref<2048x32xf32, #tpu.memory_space<hbm>>)
    %add3A_1438 = arith.constant 58 : i32
    %add3A_1439 = arith.addi %mul3A_117, %add3A_1438 : i32
    %mul3A_1440 = arith.constant 2048 : i32
    %mul3A_1441 = arith.muli %add3A_1439, %mul3A_1440 : i32
    %dma_start3A_1442 = arith.constant 5 : i32
    %dma_start3A_1443 = arith.constant 0 : i32
    %dma_start3A_1444 = tpu.memref_slice %arg5[%dma_start3A_1442, %dma_start3A_1443] : memref<2112x32xf32, #tpu.memory_space<vmem>> -> memref<2048x32xf32, #tpu.memory_space<vmem>>
    %dma_start3A_1445 = arith.constant 0 : i32
    %dma_start3A_1446 = tpu.memref_slice %arg3[%mul3A_1441, %dma_start3A_1445] : memref<4194304x32xf32, #tpu.memory_space<hbm>> -> memref<2048x32xf32, #tpu.memory_space<hbm>>
    %dma_start3A_1447 = arith.constant 0 : i32
    %dma_start3A_1448 = tpu.memref_slice %arg3[%mul3A_1441, %dma_start3A_1447] : memref<4194304x32xf32, #tpu.memory_space<hbm>> -> memref<2048x32xf32, #tpu.memory_space<hbm>>
    %dma_start3A_1449 = arith.constant 5 : i32
    %dma_start3A_1450 = arith.constant 0 : i32
    %dma_start3A_1451 = tpu.memref_slice %arg5[%dma_start3A_1449, %dma_start3A_1450] : memref<2112x32xf32, #tpu.memory_space<vmem>> -> memref<2048x32xf32, #tpu.memory_space<vmem>>
    tpu.enqueue_dma source(%dma_start3A_1451 : memref<2048x32xf32, #tpu.memory_space<vmem>>) target(%dma_start3A_1448 : memref<2048x32xf32, #tpu.memory_space<hbm>>) target_semaphore(%arg8 : memref<!tpu.dma_semaphore, #tpu.memory_space<semaphore_mem>>)
    %dma_wait3A_1452 = arith.constant 12 : i32
    %dma_wait3A_1453 = arith.constant 0 : i32
    %dma_wait3A_1454 = tpu.memref_slice %arg5[%dma_wait3A_1452, %dma_wait3A_1453] : memref<2112x32xf32, #tpu.memory_space<vmem>> -> memref<2048x32xf32, #tpu.memory_space<vmem>>
    %dma_wait3A_1455 = arith.constant 0 : i32
    %dma_wait3A_1456 = tpu.memref_slice %arg3[%mul3A_1273, %dma_wait3A_1455] : memref<4194304x32xf32, #tpu.memory_space<hbm>> -> memref<2048x32xf32, #tpu.memory_space<hbm>>
    %dma_wait3A_1457 = arith.constant 0 : i32
    %dma_wait3A_1458 = tpu.memref_slice %arg3[%mul3A_1273, %dma_wait3A_1457] : memref<4194304x32xf32, #tpu.memory_space<hbm>> -> memref<2048x32xf32, #tpu.memory_space<hbm>>
    %dma_wait3A_1459 = arith.constant 12 : i32
    %dma_wait3A_1460 = arith.constant 0 : i32
    %dma_wait3A_1461 = tpu.memref_slice %arg5[%dma_wait3A_1459, %dma_wait3A_1460] : memref<2112x32xf32, #tpu.memory_space<vmem>> -> memref<2048x32xf32, #tpu.memory_space<vmem>>
    tpu.wait_dma2 semaphore(%arg9 : memref<!tpu.dma_semaphore, #tpu.memory_space<semaphore_mem>>) src(%dma_wait3A_1461 : memref<2048x32xf32, #tpu.memory_space<vmem>>) dst(%dma_wait3A_1458 : memref<2048x32xf32, #tpu.memory_space<hbm>>)
    %add3A_1462 = arith.constant 59 : i32
    %add3A_1463 = arith.addi %mul3A_117, %add3A_1462 : i32
    %mul3A_1464 = arith.constant 2048 : i32
    %mul3A_1465 = arith.muli %add3A_1463, %mul3A_1464 : i32
    %dma_start3A_1466 = arith.constant 4 : i32
    %dma_start3A_1467 = arith.constant 0 : i32
    %dma_start3A_1468 = tpu.memref_slice %arg5[%dma_start3A_1466, %dma_start3A_1467] : memref<2112x32xf32, #tpu.memory_space<vmem>> -> memref<2048x32xf32, #tpu.memory_space<vmem>>
    %dma_start3A_1469 = arith.constant 0 : i32
    %dma_start3A_1470 = tpu.memref_slice %arg3[%mul3A_1465, %dma_start3A_1469] : memref<4194304x32xf32, #tpu.memory_space<hbm>> -> memref<2048x32xf32, #tpu.memory_space<hbm>>
    %dma_start3A_1471 = arith.constant 0 : i32
    %dma_start3A_1472 = tpu.memref_slice %arg3[%mul3A_1465, %dma_start3A_1471] : memref<4194304x32xf32, #tpu.memory_space<hbm>> -> memref<2048x32xf32, #tpu.memory_space<hbm>>
    %dma_start3A_1473 = arith.constant 4 : i32
    %dma_start3A_1474 = arith.constant 0 : i32
    %dma_start3A_1475 = tpu.memref_slice %arg5[%dma_start3A_1473, %dma_start3A_1474] : memref<2112x32xf32, #tpu.memory_space<vmem>> -> memref<2048x32xf32, #tpu.memory_space<vmem>>
    tpu.enqueue_dma source(%dma_start3A_1475 : memref<2048x32xf32, #tpu.memory_space<vmem>>) target(%dma_start3A_1472 : memref<2048x32xf32, #tpu.memory_space<hbm>>) target_semaphore(%arg9 : memref<!tpu.dma_semaphore, #tpu.memory_space<semaphore_mem>>)
    %dma_wait3A_1476 = arith.constant 11 : i32
    %dma_wait3A_1477 = arith.constant 0 : i32
    %dma_wait3A_1478 = tpu.memref_slice %arg5[%dma_wait3A_1476, %dma_wait3A_1477] : memref<2112x32xf32, #tpu.memory_space<vmem>> -> memref<2048x32xf32, #tpu.memory_space<vmem>>
    %dma_wait3A_1479 = arith.constant 0 : i32
    %dma_wait3A_1480 = tpu.memref_slice %arg3[%mul3A_1297, %dma_wait3A_1479] : memref<4194304x32xf32, #tpu.memory_space<hbm>> -> memref<2048x32xf32, #tpu.memory_space<hbm>>
    %dma_wait3A_1481 = arith.constant 0 : i32
    %dma_wait3A_1482 = tpu.memref_slice %arg3[%mul3A_1297, %dma_wait3A_1481] : memref<4194304x32xf32, #tpu.memory_space<hbm>> -> memref<2048x32xf32, #tpu.memory_space<hbm>>
    %dma_wait3A_1483 = arith.constant 11 : i32
    %dma_wait3A_1484 = arith.constant 0 : i32
    %dma_wait3A_1485 = tpu.memref_slice %arg5[%dma_wait3A_1483, %dma_wait3A_1484] : memref<2112x32xf32, #tpu.memory_space<vmem>> -> memref<2048x32xf32, #tpu.memory_space<vmem>>
    tpu.wait_dma2 semaphore(%arg10 : memref<!tpu.dma_semaphore, #tpu.memory_space<semaphore_mem>>) src(%dma_wait3A_1485 : memref<2048x32xf32, #tpu.memory_space<vmem>>) dst(%dma_wait3A_1482 : memref<2048x32xf32, #tpu.memory_space<hbm>>)
    %add3A_1486 = arith.constant 60 : i32
    %add3A_1487 = arith.addi %mul3A_117, %add3A_1486 : i32
    %mul3A_1488 = arith.constant 2048 : i32
    %mul3A_1489 = arith.muli %add3A_1487, %mul3A_1488 : i32
    %dma_start3A_1490 = arith.constant 3 : i32
    %dma_start3A_1491 = arith.constant 0 : i32
    %dma_start3A_1492 = tpu.memref_slice %arg5[%dma_start3A_1490, %dma_start3A_1491] : memref<2112x32xf32, #tpu.memory_space<vmem>> -> memref<2048x32xf32, #tpu.memory_space<vmem>>
    %dma_start3A_1493 = arith.constant 0 : i32
    %dma_start3A_1494 = tpu.memref_slice %arg3[%mul3A_1489, %dma_start3A_1493] : memref<4194304x32xf32, #tpu.memory_space<hbm>> -> memref<2048x32xf32, #tpu.memory_space<hbm>>
    %dma_start3A_1495 = arith.constant 0 : i32
    %dma_start3A_1496 = tpu.memref_slice %arg3[%mul3A_1489, %dma_start3A_1495] : memref<4194304x32xf32, #tpu.memory_space<hbm>> -> memref<2048x32xf32, #tpu.memory_space<hbm>>
    %dma_start3A_1497 = arith.constant 3 : i32
    %dma_start3A_1498 = arith.constant 0 : i32
    %dma_start3A_1499 = tpu.memref_slice %arg5[%dma_start3A_1497, %dma_start3A_1498] : memref<2112x32xf32, #tpu.memory_space<vmem>> -> memref<2048x32xf32, #tpu.memory_space<vmem>>
    tpu.enqueue_dma source(%dma_start3A_1499 : memref<2048x32xf32, #tpu.memory_space<vmem>>) target(%dma_start3A_1496 : memref<2048x32xf32, #tpu.memory_space<hbm>>) target_semaphore(%arg10 : memref<!tpu.dma_semaphore, #tpu.memory_space<semaphore_mem>>)
    %dma_wait3A_1500 = arith.constant 10 : i32
    %dma_wait3A_1501 = arith.constant 0 : i32
    %dma_wait3A_1502 = tpu.memref_slice %arg5[%dma_wait3A_1500, %dma_wait3A_1501] : memref<2112x32xf32, #tpu.memory_space<vmem>> -> memref<2048x32xf32, #tpu.memory_space<vmem>>
    %dma_wait3A_1503 = arith.constant 0 : i32
    %dma_wait3A_1504 = tpu.memref_slice %arg3[%mul3A_1321, %dma_wait3A_1503] : memref<4194304x32xf32, #tpu.memory_space<hbm>> -> memref<2048x32xf32, #tpu.memory_space<hbm>>
    %dma_wait3A_1505 = arith.constant 0 : i32
    %dma_wait3A_1506 = tpu.memref_slice %arg3[%mul3A_1321, %dma_wait3A_1505] : memref<4194304x32xf32, #tpu.memory_space<hbm>> -> memref<2048x32xf32, #tpu.memory_space<hbm>>
    %dma_wait3A_1507 = arith.constant 10 : i32
    %dma_wait3A_1508 = arith.constant 0 : i32
    %dma_wait3A_1509 = tpu.memref_slice %arg5[%dma_wait3A_1507, %dma_wait3A_1508] : memref<2112x32xf32, #tpu.memory_space<vmem>> -> memref<2048x32xf32, #tpu.memory_space<vmem>>
    tpu.wait_dma2 semaphore(%arg11 : memref<!tpu.dma_semaphore, #tpu.memory_space<semaphore_mem>>) src(%dma_wait3A_1509 : memref<2048x32xf32, #tpu.memory_space<vmem>>) dst(%dma_wait3A_1506 : memref<2048x32xf32, #tpu.memory_space<hbm>>)
    %add3A_1510 = arith.constant 61 : i32
    %add3A_1511 = arith.addi %mul3A_117, %add3A_1510 : i32
    %mul3A_1512 = arith.constant 2048 : i32
    %mul3A_1513 = arith.muli %add3A_1511, %mul3A_1512 : i32
    %dma_start3A_1514 = arith.constant 2 : i32
    %dma_start3A_1515 = arith.constant 0 : i32
    %dma_start3A_1516 = tpu.memref_slice %arg5[%dma_start3A_1514, %dma_start3A_1515] : memref<2112x32xf32, #tpu.memory_space<vmem>> -> memref<2048x32xf32, #tpu.memory_space<vmem>>
    %dma_start3A_1517 = arith.constant 0 : i32
    %dma_start3A_1518 = tpu.memref_slice %arg3[%mul3A_1513, %dma_start3A_1517] : memref<4194304x32xf32, #tpu.memory_space<hbm>> -> memref<2048x32xf32, #tpu.memory_space<hbm>>
    %dma_start3A_1519 = arith.constant 0 : i32
    %dma_start3A_1520 = tpu.memref_slice %arg3[%mul3A_1513, %dma_start3A_1519] : memref<4194304x32xf32, #tpu.memory_space<hbm>> -> memref<2048x32xf32, #tpu.memory_space<hbm>>
    %dma_start3A_1521 = arith.constant 2 : i32
    %dma_start3A_1522 = arith.constant 0 : i32
    %dma_start3A_1523 = tpu.memref_slice %arg5[%dma_start3A_1521, %dma_start3A_1522] : memref<2112x32xf32, #tpu.memory_space<vmem>> -> memref<2048x32xf32, #tpu.memory_space<vmem>>
    tpu.enqueue_dma source(%dma_start3A_1523 : memref<2048x32xf32, #tpu.memory_space<vmem>>) target(%dma_start3A_1520 : memref<2048x32xf32, #tpu.memory_space<hbm>>) target_semaphore(%arg11 : memref<!tpu.dma_semaphore, #tpu.memory_space<semaphore_mem>>)
    %dma_wait3A_1524 = arith.constant 9 : i32
    %dma_wait3A_1525 = arith.constant 0 : i32
    %dma_wait3A_1526 = tpu.memref_slice %arg5[%dma_wait3A_1524, %dma_wait3A_1525] : memref<2112x32xf32, #tpu.memory_space<vmem>> -> memref<2048x32xf32, #tpu.memory_space<vmem>>
    %dma_wait3A_1527 = arith.constant 0 : i32
    %dma_wait3A_1528 = tpu.memref_slice %arg3[%mul3A_1345, %dma_wait3A_1527] : memref<4194304x32xf32, #tpu.memory_space<hbm>> -> memref<2048x32xf32, #tpu.memory_space<hbm>>
    %dma_wait3A_1529 = arith.constant 0 : i32
    %dma_wait3A_1530 = tpu.memref_slice %arg3[%mul3A_1345, %dma_wait3A_1529] : memref<4194304x32xf32, #tpu.memory_space<hbm>> -> memref<2048x32xf32, #tpu.memory_space<hbm>>
    %dma_wait3A_1531 = arith.constant 9 : i32
    %dma_wait3A_1532 = arith.constant 0 : i32
    %dma_wait3A_1533 = tpu.memref_slice %arg5[%dma_wait3A_1531, %dma_wait3A_1532] : memref<2112x32xf32, #tpu.memory_space<vmem>> -> memref<2048x32xf32, #tpu.memory_space<vmem>>
    tpu.wait_dma2 semaphore(%arg12 : memref<!tpu.dma_semaphore, #tpu.memory_space<semaphore_mem>>) src(%dma_wait3A_1533 : memref<2048x32xf32, #tpu.memory_space<vmem>>) dst(%dma_wait3A_1530 : memref<2048x32xf32, #tpu.memory_space<hbm>>)
    %add3A_1534 = arith.constant 62 : i32
    %add3A_1535 = arith.addi %mul3A_117, %add3A_1534 : i32
    %mul3A_1536 = arith.constant 2048 : i32
    %mul3A_1537 = arith.muli %add3A_1535, %mul3A_1536 : i32
    %dma_start3A_1538 = arith.constant 1 : i32
    %dma_start3A_1539 = arith.constant 0 : i32
    %dma_start3A_1540 = tpu.memref_slice %arg5[%dma_start3A_1538, %dma_start3A_1539] : memref<2112x32xf32, #tpu.memory_space<vmem>> -> memref<2048x32xf32, #tpu.memory_space<vmem>>
    %dma_start3A_1541 = arith.constant 0 : i32
    %dma_start3A_1542 = tpu.memref_slice %arg3[%mul3A_1537, %dma_start3A_1541] : memref<4194304x32xf32, #tpu.memory_space<hbm>> -> memref<2048x32xf32, #tpu.memory_space<hbm>>
    %dma_start3A_1543 = arith.constant 0 : i32
    %dma_start3A_1544 = tpu.memref_slice %arg3[%mul3A_1537, %dma_start3A_1543] : memref<4194304x32xf32, #tpu.memory_space<hbm>> -> memref<2048x32xf32, #tpu.memory_space<hbm>>
    %dma_start3A_1545 = arith.constant 1 : i32
    %dma_start3A_1546 = arith.constant 0 : i32
    %dma_start3A_1547 = tpu.memref_slice %arg5[%dma_start3A_1545, %dma_start3A_1546] : memref<2112x32xf32, #tpu.memory_space<vmem>> -> memref<2048x32xf32, #tpu.memory_space<vmem>>
    tpu.enqueue_dma source(%dma_start3A_1547 : memref<2048x32xf32, #tpu.memory_space<vmem>>) target(%dma_start3A_1544 : memref<2048x32xf32, #tpu.memory_space<hbm>>) target_semaphore(%arg12 : memref<!tpu.dma_semaphore, #tpu.memory_space<semaphore_mem>>)
    %dma_wait3A_1548 = arith.constant 8 : i32
    %dma_wait3A_1549 = arith.constant 0 : i32
    %dma_wait3A_1550 = tpu.memref_slice %arg5[%dma_wait3A_1548, %dma_wait3A_1549] : memref<2112x32xf32, #tpu.memory_space<vmem>> -> memref<2048x32xf32, #tpu.memory_space<vmem>>
    %dma_wait3A_1551 = arith.constant 0 : i32
    %dma_wait3A_1552 = tpu.memref_slice %arg3[%mul3A_1369, %dma_wait3A_1551] : memref<4194304x32xf32, #tpu.memory_space<hbm>> -> memref<2048x32xf32, #tpu.memory_space<hbm>>
    %dma_wait3A_1553 = arith.constant 0 : i32
    %dma_wait3A_1554 = tpu.memref_slice %arg3[%mul3A_1369, %dma_wait3A_1553] : memref<4194304x32xf32, #tpu.memory_space<hbm>> -> memref<2048x32xf32, #tpu.memory_space<hbm>>
    %dma_wait3A_1555 = arith.constant 8 : i32
    %dma_wait3A_1556 = arith.constant 0 : i32
    %dma_wait3A_1557 = tpu.memref_slice %arg5[%dma_wait3A_1555, %dma_wait3A_1556] : memref<2112x32xf32, #tpu.memory_space<vmem>> -> memref<2048x32xf32, #tpu.memory_space<vmem>>
    tpu.wait_dma2 semaphore(%arg13 : memref<!tpu.dma_semaphore, #tpu.memory_space<semaphore_mem>>) src(%dma_wait3A_1557 : memref<2048x32xf32, #tpu.memory_space<vmem>>) dst(%dma_wait3A_1554 : memref<2048x32xf32, #tpu.memory_space<hbm>>)
    %add3A_1558 = arith.constant 63 : i32
    %add3A_1559 = arith.addi %mul3A_117, %add3A_1558 : i32
    %mul3A_1560 = arith.constant 2048 : i32
    %mul3A_1561 = arith.muli %add3A_1559, %mul3A_1560 : i32
    %dma_start3A_1562 = arith.constant 0 : i32
    %dma_start3A_1563 = arith.constant 0 : i32
    %dma_start3A_1564 = tpu.memref_slice %arg5[%dma_start3A_1562, %dma_start3A_1563] : memref<2112x32xf32, #tpu.memory_space<vmem>> -> memref<2048x32xf32, #tpu.memory_space<vmem>>
    %dma_start3A_1565 = arith.constant 0 : i32
    %dma_start3A_1566 = tpu.memref_slice %arg3[%mul3A_1561, %dma_start3A_1565] : memref<4194304x32xf32, #tpu.memory_space<hbm>> -> memref<2048x32xf32, #tpu.memory_space<hbm>>
    %dma_start3A_1567 = arith.constant 0 : i32
    %dma_start3A_1568 = tpu.memref_slice %arg3[%mul3A_1561, %dma_start3A_1567] : memref<4194304x32xf32, #tpu.memory_space<hbm>> -> memref<2048x32xf32, #tpu.memory_space<hbm>>
    %dma_start3A_1569 = arith.constant 0 : i32
    %dma_start3A_1570 = arith.constant 0 : i32
    %dma_start3A_1571 = tpu.memref_slice %arg5[%dma_start3A_1569, %dma_start3A_1570] : memref<2112x32xf32, #tpu.memory_space<vmem>> -> memref<2048x32xf32, #tpu.memory_space<vmem>>
    tpu.enqueue_dma source(%dma_start3A_1571 : memref<2048x32xf32, #tpu.memory_space<vmem>>) target(%dma_start3A_1568 : memref<2048x32xf32, #tpu.memory_space<hbm>>) target_semaphore(%arg13 : memref<!tpu.dma_semaphore, #tpu.memory_space<semaphore_mem>>)
    %dma_wait3A_1572 = arith.constant 7 : i32
    %dma_wait3A_1573 = arith.constant 0 : i32
    %dma_wait3A_1574 = tpu.memref_slice %arg5[%dma_wait3A_1572, %dma_wait3A_1573] : memref<2112x32xf32, #tpu.memory_space<vmem>> -> memref<2048x32xf32, #tpu.memory_space<vmem>>
    %dma_wait3A_1575 = arith.constant 0 : i32
    %dma_wait3A_1576 = tpu.memref_slice %arg3[%mul3A_1393, %dma_wait3A_1575] : memref<4194304x32xf32, #tpu.memory_space<hbm>> -> memref<2048x32xf32, #tpu.memory_space<hbm>>
    %dma_wait3A_1577 = arith.constant 0 : i32
    %dma_wait3A_1578 = tpu.memref_slice %arg3[%mul3A_1393, %dma_wait3A_1577] : memref<4194304x32xf32, #tpu.memory_space<hbm>> -> memref<2048x32xf32, #tpu.memory_space<hbm>>
    %dma_wait3A_1579 = arith.constant 7 : i32
    %dma_wait3A_1580 = arith.constant 0 : i32
    %dma_wait3A_1581 = tpu.memref_slice %arg5[%dma_wait3A_1579, %dma_wait3A_1580] : memref<2112x32xf32, #tpu.memory_space<vmem>> -> memref<2048x32xf32, #tpu.memory_space<vmem>>
    tpu.wait_dma2 semaphore(%arg6 : memref<!tpu.dma_semaphore, #tpu.memory_space<semaphore_mem>>) src(%dma_wait3A_1581 : memref<2048x32xf32, #tpu.memory_space<vmem>>) dst(%dma_wait3A_1578 : memref<2048x32xf32, #tpu.memory_space<hbm>>)
    %dma_wait3A_1582 = arith.constant 6 : i32
    %dma_wait3A_1583 = arith.constant 0 : i32
    %dma_wait3A_1584 = tpu.memref_slice %arg5[%dma_wait3A_1582, %dma_wait3A_1583] : memref<2112x32xf32, #tpu.memory_space<vmem>> -> memref<2048x32xf32, #tpu.memory_space<vmem>>
    %dma_wait3A_1585 = arith.constant 0 : i32
    %dma_wait3A_1586 = tpu.memref_slice %arg3[%mul3A_1417, %dma_wait3A_1585] : memref<4194304x32xf32, #tpu.memory_space<hbm>> -> memref<2048x32xf32, #tpu.memory_space<hbm>>
    %dma_wait3A_1587 = arith.constant 0 : i32
    %dma_wait3A_1588 = tpu.memref_slice %arg3[%mul3A_1417, %dma_wait3A_1587] : memref<4194304x32xf32, #tpu.memory_space<hbm>> -> memref<2048x32xf32, #tpu.memory_space<hbm>>
    %dma_wait3A_1589 = arith.constant 6 : i32
    %dma_wait3A_1590 = arith.constant 0 : i32
    %dma_wait3A_1591 = tpu.memref_slice %arg5[%dma_wait3A_1589, %dma_wait3A_1590] : memref<2112x32xf32, #tpu.memory_space<vmem>> -> memref<2048x32xf32, #tpu.memory_space<vmem>>
    tpu.wait_dma2 semaphore(%arg7 : memref<!tpu.dma_semaphore, #tpu.memory_space<semaphore_mem>>) src(%dma_wait3A_1591 : memref<2048x32xf32, #tpu.memory_space<vmem>>) dst(%dma_wait3A_1588 : memref<2048x32xf32, #tpu.memory_space<hbm>>)
    %dma_wait3A_1592 = arith.constant 5 : i32
    %dma_wait3A_1593 = arith.constant 0 : i32
    %dma_wait3A_1594 = tpu.memref_slice %arg5[%dma_wait3A_1592, %dma_wait3A_1593] : memref<2112x32xf32, #tpu.memory_space<vmem>> -> memref<2048x32xf32, #tpu.memory_space<vmem>>
    %dma_wait3A_1595 = arith.constant 0 : i32
    %dma_wait3A_1596 = tpu.memref_slice %arg3[%mul3A_1441, %dma_wait3A_1595] : memref<4194304x32xf32, #tpu.memory_space<hbm>> -> memref<2048x32xf32, #tpu.memory_space<hbm>>
    %dma_wait3A_1597 = arith.constant 0 : i32
    %dma_wait3A_1598 = tpu.memref_slice %arg3[%mul3A_1441, %dma_wait3A_1597] : memref<4194304x32xf32, #tpu.memory_space<hbm>> -> memref<2048x32xf32, #tpu.memory_space<hbm>>
    %dma_wait3A_1599 = arith.constant 5 : i32
    %dma_wait3A_1600 = arith.constant 0 : i32
    %dma_wait3A_1601 = tpu.memref_slice %arg5[%dma_wait3A_1599, %dma_wait3A_1600] : memref<2112x32xf32, #tpu.memory_space<vmem>> -> memref<2048x32xf32, #tpu.memory_space<vmem>>
    tpu.wait_dma2 semaphore(%arg8 : memref<!tpu.dma_semaphore, #tpu.memory_space<semaphore_mem>>) src(%dma_wait3A_1601 : memref<2048x32xf32, #tpu.memory_space<vmem>>) dst(%dma_wait3A_1598 : memref<2048x32xf32, #tpu.memory_space<hbm>>)
    %dma_wait3A_1602 = arith.constant 4 : i32
    %dma_wait3A_1603 = arith.constant 0 : i32
    %dma_wait3A_1604 = tpu.memref_slice %arg5[%dma_wait3A_1602, %dma_wait3A_1603] : memref<2112x32xf32, #tpu.memory_space<vmem>> -> memref<2048x32xf32, #tpu.memory_space<vmem>>
    %dma_wait3A_1605 = arith.constant 0 : i32
    %dma_wait3A_1606 = tpu.memref_slice %arg3[%mul3A_1465, %dma_wait3A_1605] : memref<4194304x32xf32, #tpu.memory_space<hbm>> -> memref<2048x32xf32, #tpu.memory_space<hbm>>
    %dma_wait3A_1607 = arith.constant 0 : i32
    %dma_wait3A_1608 = tpu.memref_slice %arg3[%mul3A_1465, %dma_wait3A_1607] : memref<4194304x32xf32, #tpu.memory_space<hbm>> -> memref<2048x32xf32, #tpu.memory_space<hbm>>
    %dma_wait3A_1609 = arith.constant 4 : i32
    %dma_wait3A_1610 = arith.constant 0 : i32
    %dma_wait3A_1611 = tpu.memref_slice %arg5[%dma_wait3A_1609, %dma_wait3A_1610] : memref<2112x32xf32, #tpu.memory_space<vmem>> -> memref<2048x32xf32, #tpu.memory_space<vmem>>
    tpu.wait_dma2 semaphore(%arg9 : memref<!tpu.dma_semaphore, #tpu.memory_space<semaphore_mem>>) src(%dma_wait3A_1611 : memref<2048x32xf32, #tpu.memory_space<vmem>>) dst(%dma_wait3A_1608 : memref<2048x32xf32, #tpu.memory_space<hbm>>)
    %dma_wait3A_1612 = arith.constant 3 : i32
    %dma_wait3A_1613 = arith.constant 0 : i32
    %dma_wait3A_1614 = tpu.memref_slice %arg5[%dma_wait3A_1612, %dma_wait3A_1613] : memref<2112x32xf32, #tpu.memory_space<vmem>> -> memref<2048x32xf32, #tpu.memory_space<vmem>>
    %dma_wait3A_1615 = arith.constant 0 : i32
    %dma_wait3A_1616 = tpu.memref_slice %arg3[%mul3A_1489, %dma_wait3A_1615] : memref<4194304x32xf32, #tpu.memory_space<hbm>> -> memref<2048x32xf32, #tpu.memory_space<hbm>>
    %dma_wait3A_1617 = arith.constant 0 : i32
    %dma_wait3A_1618 = tpu.memref_slice %arg3[%mul3A_1489, %dma_wait3A_1617] : memref<4194304x32xf32, #tpu.memory_space<hbm>> -> memref<2048x32xf32, #tpu.memory_space<hbm>>
    %dma_wait3A_1619 = arith.constant 3 : i32
    %dma_wait3A_1620 = arith.constant 0 : i32
    %dma_wait3A_1621 = tpu.memref_slice %arg5[%dma_wait3A_1619, %dma_wait3A_1620] : memref<2112x32xf32, #tpu.memory_space<vmem>> -> memref<2048x32xf32, #tpu.memory_space<vmem>>
    tpu.wait_dma2 semaphore(%arg10 : memref<!tpu.dma_semaphore, #tpu.memory_space<semaphore_mem>>) src(%dma_wait3A_1621 : memref<2048x32xf32, #tpu.memory_space<vmem>>) dst(%dma_wait3A_1618 : memref<2048x32xf32, #tpu.memory_space<hbm>>)
    %dma_wait3A_1622 = arith.constant 2 : i32
    %dma_wait3A_1623 = arith.constant 0 : i32
    %dma_wait3A_1624 = tpu.memref_slice %arg5[%dma_wait3A_1622, %dma_wait3A_1623] : memref<2112x32xf32, #tpu.memory_space<vmem>> -> memref<2048x32xf32, #tpu.memory_space<vmem>>
    %dma_wait3A_1625 = arith.constant 0 : i32
    %dma_wait3A_1626 = tpu.memref_slice %arg3[%mul3A_1513, %dma_wait3A_1625] : memref<4194304x32xf32, #tpu.memory_space<hbm>> -> memref<2048x32xf32, #tpu.memory_space<hbm>>
    %dma_wait3A_1627 = arith.constant 0 : i32
    %dma_wait3A_1628 = tpu.memref_slice %arg3[%mul3A_1513, %dma_wait3A_1627] : memref<4194304x32xf32, #tpu.memory_space<hbm>> -> memref<2048x32xf32, #tpu.memory_space<hbm>>
    %dma_wait3A_1629 = arith.constant 2 : i32
    %dma_wait3A_1630 = arith.constant 0 : i32
    %dma_wait3A_1631 = tpu.memref_slice %arg5[%dma_wait3A_1629, %dma_wait3A_1630] : memref<2112x32xf32, #tpu.memory_space<vmem>> -> memref<2048x32xf32, #tpu.memory_space<vmem>>
    tpu.wait_dma2 semaphore(%arg11 : memref<!tpu.dma_semaphore, #tpu.memory_space<semaphore_mem>>) src(%dma_wait3A_1631 : memref<2048x32xf32, #tpu.memory_space<vmem>>) dst(%dma_wait3A_1628 : memref<2048x32xf32, #tpu.memory_space<hbm>>)
    %dma_wait3A_1632 = arith.constant 1 : i32
    %dma_wait3A_1633 = arith.constant 0 : i32
    %dma_wait3A_1634 = tpu.memref_slice %arg5[%dma_wait3A_1632, %dma_wait3A_1633] : memref<2112x32xf32, #tpu.memory_space<vmem>> -> memref<2048x32xf32, #tpu.memory_space<vmem>>
    %dma_wait3A_1635 = arith.constant 0 : i32
    %dma_wait3A_1636 = tpu.memref_slice %arg3[%mul3A_1537, %dma_wait3A_1635] : memref<4194304x32xf32, #tpu.memory_space<hbm>> -> memref<2048x32xf32, #tpu.memory_space<hbm>>
    %dma_wait3A_1637 = arith.constant 0 : i32
    %dma_wait3A_1638 = tpu.memref_slice %arg3[%mul3A_1537, %dma_wait3A_1637] : memref<4194304x32xf32, #tpu.memory_space<hbm>> -> memref<2048x32xf32, #tpu.memory_space<hbm>>
    %dma_wait3A_1639 = arith.constant 1 : i32
    %dma_wait3A_1640 = arith.constant 0 : i32
    %dma_wait3A_1641 = tpu.memref_slice %arg5[%dma_wait3A_1639, %dma_wait3A_1640] : memref<2112x32xf32, #tpu.memory_space<vmem>> -> memref<2048x32xf32, #tpu.memory_space<vmem>>
    tpu.wait_dma2 semaphore(%arg12 : memref<!tpu.dma_semaphore, #tpu.memory_space<semaphore_mem>>) src(%dma_wait3A_1641 : memref<2048x32xf32, #tpu.memory_space<vmem>>) dst(%dma_wait3A_1638 : memref<2048x32xf32, #tpu.memory_space<hbm>>)
    %dma_wait3A_1642 = arith.constant 0 : i32
    %dma_wait3A_1643 = arith.constant 0 : i32
    %dma_wait3A_1644 = tpu.memref_slice %arg5[%dma_wait3A_1642, %dma_wait3A_1643] : memref<2112x32xf32, #tpu.memory_space<vmem>> -> memref<2048x32xf32, #tpu.memory_space<vmem>>
    %dma_wait3A_1645 = arith.constant 0 : i32
    %dma_wait3A_1646 = tpu.memref_slice %arg3[%mul3A_1561, %dma_wait3A_1645] : memref<4194304x32xf32, #tpu.memory_space<hbm>> -> memref<2048x32xf32, #tpu.memory_space<hbm>>
    %dma_wait3A_1647 = arith.constant 0 : i32
    %dma_wait3A_1648 = tpu.memref_slice %arg3[%mul3A_1561, %dma_wait3A_1647] : memref<4194304x32xf32, #tpu.memory_space<hbm>> -> memref<2048x32xf32, #tpu.memory_space<hbm>>
    %dma_wait3A_1649 = arith.constant 0 : i32
    %dma_wait3A_1650 = arith.constant 0 : i32
    %dma_wait3A_1651 = tpu.memref_slice %arg5[%dma_wait3A_1649, %dma_wait3A_1650] : memref<2112x32xf32, #tpu.memory_space<vmem>> -> memref<2048x32xf32, #tpu.memory_space<vmem>>
    tpu.wait_dma2 semaphore(%arg13 : memref<!tpu.dma_semaphore, #tpu.memory_space<semaphore_mem>>) src(%dma_wait3A_1651 : memref<2048x32xf32, #tpu.memory_space<vmem>>) dst(%dma_wait3A_1648 : memref<2048x32xf32, #tpu.memory_space<hbm>>)
    return
  }
}

</mosaic_0001>

<sc_bundles>
// kernel: kernel.3.cloned.1.call-start
scs
__scs_entry_jumppad:
0x0: {  	(pc) =	sbr.rel $0x88, $3  }
0x1: {  	(tag) =	ssettag $0x0;
	lr =	simm.s32 $0x1  }
0x2: {  	[smem:$0x3FA0] =	sst lr;
	_ =	strace $0xD0000000  }
0x3: {  	_ = 	snop  }
0x4: {  	_ = 	snop  }
0x5: {  	_ = 	snop  }
0x6: {  	_ = 	snop  }
0x7: {  	_ = 	snop  }
__scs_overlays_trampoline_lowered:
0x8: {  	[smem:$0x3FAF] =	sst s0  }
0x9: {  	[smem:$0x3FB0] =	sst s1  }
0xa: {  	[smem:$0x3FB1] =	sst s2  }
0xb: {  	[smem:$0x3FB2] =	sst s3  }
0xc: {  	[smem:$0x3FB3] =	sst s4  }
0xd: {  	[smem:$0x3FB4] =	sst s5  }
0xe: {  	[smem:$0x3FB5] =	sst s6  }
0xf: {  	[smem:$0x3FB6] =	sst s7  }
0x10: {  	[smem:$0x3FB7] =	sst s8  }
0x11: {  	[smem:$0x3FB8] =	sst s9;
	s0 =	simm.s32 @!p0 $0x0  }
0x12: {  	s1 =	sld [smem:$0x3F9E];
	s0 =	simm.s32 @p0 $0x1  }
0x13: {  	[smem:$0x3FB9] =	sst s0;
	s0 =	simm.s32 @!p1 $0x0  }
0x14: {  	s2 =	sld [smem:$0x3F9D];
	s0 =	simm.s32 @p1 $0x1  }
0x15: {  	[smem:$0x3FBA] =	sst s0;
	s0 =	simm.s32 @!p2 $0x0  }
0x16: {  	s3 =	sld [smem:$0x3FDB];
	s0 =	simm.s32 @p2 $0x1  }
0x17: {  	s4 =	simm.s32 $0x1BF5;
	[smem:$0x3FBC] =	sst s0  }
0x18: {  	s0 =	sld [smem:$0x3F9F];
	_ =	swait.ge [sflag:s4], $0x0  }
0x19: {  	s7 =	sld [smem:$0x3FA0]  }
0x1a: {  	s8 =	sadd.s32 $0xFFFFE003, lr  }
0x1b: {  	s9 =	sadd.s32 $0xFFFFFEF7, lr;
	s5 =	simm.s32 $0xFFFFFFFF;
	p2 =	slt.u32 s8, $0xFFFFF086  }
0x1c: {  	p1 =	slt.u32 s9, $0xF7A;
	s5 =	simm.s32 @!p2 $0x0  }
0x1d: {  	s5 =	simm.s32 @p1 $0x1;
	p0 =	seq.s32 s7, s2  }
0x1e: {  	s7 =	smul.u32 @!p0 $0xF7A, s2;
	p2 =	seq.s32 @!p0 s5, $0x0  }
0x1f: {  	s9 =	smul.u32 $0xF7A, s1;
	s8 =	simm.s32 @!p0 $0x1BF5;
	p2 =	por !p2, p0  }
0x20: {  	[sflag:s8] =	ssyncset.s32 @!p0 $0xFFFFF086;
	s6 =	sadd.s32 @!p0 s3, s7;
	s7 =	simm.s32 @!p0 $0x108  }
0x21: {  	s3 =	sadd.s32 s3, s9;
	s6 =	sadd.s32 @!p0 $0x88, s6;
	s7 =	simm.s32 @p2 $0x1082  }
0x22: {  	[simem:s7], [sflag:s8] =	dma.local @!p0 [hbm:s6], $0xF7A  }
0x23: {  	s9 =	sor.u32 $0xD0000000, s2;
	s6 =	simm.s32 $0x108;
	_ =	swait.ge @!p0 [sflag:s8], $0x0  }
0x24: {  	s3 =	sadd.s32 $0x88, s3;
	s6 =	simm.s32 @!p1 $0x1082;
	[sflag:s4] =	ssyncset.s32 $0xFFFFF086  }
0x25: {  	[simem:s6], [sflag:s4] =	dma.local [hbm:s3], $0xF7A  }
0x26: {  	[smem:$0x3FA0] =	sst s1;
	(tag) =	ssettag s2;
	_ =	strace s9  }
0x27: {  	s1 =	sld [smem:$0x3FB0]  }
0x28: {  	s2 =	sld [smem:$0x3FB1]  }
0x29: {  	s4 =	sld [smem:$0x3FB3]  }
0x2a: {  	p0 =	seq.s32 s5, $0x0;
	s5 =	sld [smem:$0x3FB4]  }
0x2b: {  	s6 =	sld [smem:$0x3FB5]  }
0x2c: {  	s7 =	sld [smem:$0x3FB6]  }
0x2d: {  	s3 =	simm.s32 $0x108;
	s8 =	sld [smem:$0x3FB7]  }
0x2e: {  	s3 =	simm.s32 @!p0 $0x1082;
	s9 =	sld [smem:$0x3FB8]  }
0x2f: {  	lr =	sadd.s32 s0, s3;
	s0 =	sld [smem:$0x3FAF]  }
0x30: {  	s3 =	sld [smem:$0x3FB2]  }
0x31: {  	[smem:$0x3FBB] =	sst s10  }
0x32: {  	s10 =	sld [smem:$0x3FB9];
	_ =	sdelay $0x3  }
0x33: {  	p0 =	seq.s32 s10, $0x1;
	s10 =	sld [smem:$0x3FBB];
	_ =	sdelay $0x3  }
0x34: {  	[smem:$0x3FBB] =	sst s10  }
0x35: {  	s10 =	sld [smem:$0x3FBA];
	_ =	sdelay $0x3  }
0x36: {  	p1 =	seq.s32 s10, $0x1;
	s10 =	sld [smem:$0x3FBB];
	_ =	sdelay $0x3  }
0x37: {  	[smem:$0x3FBB] =	sst s10  }
0x38: {  	s10 =	sld [smem:$0x3FBC]  }
0x39: {  	_ = 	snop;
	(pc) =	sbr.ind lr, $3  }
0x3a: {  	_ = 	snop  }
0x3b: {  	_ = 	snop  }
0x3c: {  	p2 =	seq.s32 s10, $0x1;
	s10 =	sld [smem:$0x3FBB]  }
0x3d: {  	_ =	shalt  }
0x3e: {  	_ =	shalt  }
0x3f: {  	_ =	shalt  }
0x40: {  	_ =	shalt  }
0x41: {  	_ =	shalt  }
0x42: {  	_ =	shalt  }
0x43: {  	_ =	shalt  }
0x44: {  	_ =	shalt  }
0x45: {  	_ =	shalt  }
0x46: {  	_ =	shalt  }
0x47: {  	_ =	shalt  }
0x48: {  	_ =	shalt  }
0x49: {  	_ =	shalt  }
0x4a: {  	_ =	shalt  }
0x4b: {  	_ =	shalt  }
0x4c: {  	_ =	shalt  }
0x4d: {  	_ =	shalt  }
0x4e: {  	_ =	shalt  }
0x4f: {  	_ =	shalt  }
0x50: {  	_ =	shalt  }
0x51: {  	_ =	shalt  }
0x52: {  	_ =	shalt  }
0x53: {  	_ =	shalt  }
0x54: {  	_ =	shalt  }
0x55: {  	_ =	shalt  }
0x56: {  	_ =	shalt  }
0x57: {  	_ =	shalt  }
0x58: {  	_ =	shalt  }
0x59: {  	_ =	shalt  }
0x5a: {  	_ =	shalt  }
0x5b: {  	_ =	shalt  }
0x5c: {  	_ =	shalt  }
0x5d: {  	_ =	shalt  }
0x5e: {  	_ =	shalt  }
0x5f: {  	_ =	shalt  }
0x60: {  	_ =	shalt  }
0x61: {  	_ =	shalt  }
0x62: {  	_ =	shalt  }
0x63: {  	_ =	shalt  }
0x64: {  	_ =	shalt  }
0x65: {  	_ =	shalt  }
0x66: {  	_ =	shalt  }
0x67: {  	_ =	shalt  }
0x68: {  	_ =	shalt  }
0x69: {  	_ =	shalt  }
0x6a: {  	_ =	shalt  }
0x6b: {  	_ =	shalt  }
0x6c: {  	_ =	shalt  }
0x6d: {  	_ =	shalt  }
0x6e: {  	_ =	shalt  }
0x6f: {  	_ =	shalt  }
0x70: {  	_ =	shalt  }
0x71: {  	_ =	shalt  }
0x72: {  	_ =	shalt  }
0x73: {  	_ =	shalt  }
0x74: {  	_ =	shalt  }
0x75: {  	_ =	shalt  }
0x76: {  	_ =	shalt  }
0x77: {  	_ =	shalt  }
0x78: {  	_ =	shalt  }
0x79: {  	_ =	shalt  }
0x7a: {  	_ =	shalt  }
0x7b: {  	_ =	shalt  }
0x7c: {  	_ =	shalt  }
0x7d: {  	_ =	shalt  }
0x7e: {  	_ =	shalt  }
0x7f: {  	_ =	shalt  }
0x80: {  	_ =	shalt  }
0x81: {  	_ =	shalt  }
0x82: {  	_ =	shalt  }
0x83: {  	_ =	shalt  }
0x84: {  	_ =	shalt  }
0x85: {  	_ =	shalt  }
0x86: {  	_ =	shalt  }
0x87: {  	_ =	shalt  }
.Lfunc_end0:
.L_simem_size_0:
called_computation.1_lowered:
.L_overlay_start_0:
0x88: {  	s2 =	sld [smem:$0x3FD9]  }
0x89: {  	s3 =	sld [smem:$0x3FFE];
	_ =	sdelay $0x1  }
0x8a: {  	s1 =	srdreg.scid  }
0x8b: {  	s0 =	sand.u32 $0x1, s1  }
0x8c: {  	s17 =	sshll.u32 s0, $0xA;
	s2 =	sadd.s32 s3, s2  }
0x8d: {  	s2 =	sadd.s32 s2, s17  }
0x8e: {  	[smem:$0x3FC7] =	sst s2  }
0x8f: {  	_ = 	snop  }
0x90: {  	s2 =	sld [smem:$0x3FD0];
	(tm) =	ssettm $0x1  }
0x91: {  	s18 =	sld [smem:$0x3FFB];
	_ =	sdelay $0x3  }
0x92: {  	_ =	strace s18  }
0x93: {  	s3 =	sld [smem:$0x3FFC];
	_ =	sdelay $0x3  }
0x94: {  	_ =	strace s3  }
0x95: {  	s3 =	sld [smem:$0x3FFD];
	_ =	sdelay $0x3  }
0x96: {  	_ =	strace s3  }
0x97: {  	_ =	strace $0x8FFFFFFF  }
0x98: {  	s19 =	sld [smem:$0x3FDB];
	_ =	sdelay $0x1  }
0x99: {  	s4 =	simm.s32 $_scs_section_size  }
0x9a: {  	s5 =	simm.s32 $_size__tile_overlayer_lowered;
	s6 =	simm.s32 $_tile_overlayer_lowered  }
0x9b: {  	s22 =	simm.s32 $0x1BFF;
	s21 =	sshll.u32 s6, $0x1;
	s3 =	sadd.s32 s4, s19  }
0x9c: {  	s7 =	simm.s32 $0x0;
	s20 =	sshll.u32 s5, $0x1;
	s5 =	sadd.s32 s21, s3  }
0x9d: {  	[timem:s7], [sflag:s22] =	dma.local [hbm:s5], s20  }
0x9e: {  	_ =	swait.ge [sflag:s22], s20  }
0x9f: {  	s4 =	ssub.s32 $0x0, s20;
	[sflag:s22] =	ssyncset.done $0x0  }
0xa0: {  	[sflag:s22] =	ssyncadd.s32 s4;
	_ =	sdelay $0x1  }
0xa1: {  	s23 =	simm.s32 $0x1B8B  }
0xa2: {  	_ =	swait.ge [sflag:s23], $0x1  }
0xa3: {  	[sflag:s23] =	ssyncset.done $0x0  }
0xa4: {  	s25 =	simm.s32 $0x1B8E;
	s24 =	sld [smem:$0x3FFE];
	[sflag:s23] =	ssyncadd.s32 $0xFFFFFFFF  }
0xa5: {  	s26 =	simm.s32 $execute0_lowered;
	[smem:$0x3FD2] =	sst s25  }
0xa6: {  	s5 =	sshll.u32 s26, $0x1;
	_ =	strace $0x80000046;
	[dreg:$0x1] =	wrdreg $0xFFFFFFFF  }
0xa7: {  	s28 =	simm.s32 $_size_execute0_lowered;
	s3 =	sadd.s32 s3, s5;
	[dreg:$0x0] =	wrdreg $0x0  }
0xa8: {  	s5 =	sshll.u32 s28, $0x1;
	[dreg:$0x2] =	wrdreg s3  }
0xa9: {  	[dreg:$0x3] =	wrdreg s5  }
0xaa: {  	[dreg:$0x4] =	wrdreg $0xC0  }
0xab: {  	_ =	task [dreg:s7], $0x5FFFF  }
0xac: {  	[dreg:$0x1] =	wrdreg $0xFFFFFFFF  }
0xad: {  	[dreg:$0x0] =	wrdreg $0x60  }
0xae: {  	[dreg:$0x2] =	wrdreg s24  }
0xaf: {  	[dreg:$0x3] =	wrdreg s2  }
0xb0: {  	[dreg:$0x4] =	wrdreg $0x9  }
0xb1: {  	_ =	task.clear_ibuf [dreg:s7], $0x5FFFF;
	_ =	strace $0x90000046  }
0xb2: {  	s29 =	simm.s32 $0x9;
	_ =	strace $0x80000048  }
0xb3: {  	_ =	swait.ge [sflag:s29], $0x1  }
0xb4: {  	[sflag:s29] =	ssyncadd.s32 $0xFFFFFFFF  }
0xb5: {  	_ =	strace $0x90000048  }
0xb6: {  	_ =	sfence  }
0xb7: {  	s30 =	sld [smem:$0x0];
	_ =	sdelay $0x2  }
0xb8: {  	s31 =	sshll.u32 s1, $0xD;
	s1 =	sshrl.u32 s1, $0x2  }
0xb9: {  	s3 =	sand.u32 $0x4000, s31;
	s1 =	sadd.s32 s1, s30  }
0xba: {  	s0 =	sor.u32 s3, s0;
	s1 =	sshll.u32 s1, $0x11  }
0xbb: {  	s0 =	sor.u32 s1, s0  }
0xbc: {  	s0 =	sadd.s32 $0x8F2B, s0  }
0xbd: {  	[sflag:s0] =	ssyncadd.remote.s32 $0x1  }
0xbe: {  	_ =	sfence.sel $0xFFFF  }
0xbf: {  	[dreg:$0x0] =	wrdreg $0xFFFFFFFF;
	(pc) =	sbr.abs _section_cstart, $3  }
0xc0: {  	[dreg:$0x1] =	wrdreg $0xFFFFFFFF  }
0xc1: {  	_ =	task.clear_ibuf [dreg:s7], $0x2FFFF;
	_ =	strace $0x9FFFFFFF  }
0xc2: {  	(tm) =	ssettm $0x7FFFFFFF  }
0xc3: {  	_ =	shalt  }
tec
execute0_lowered:
.L_overlay_start_1:
0x0: {  	(tag) =	ssettag $0x1  }
0x1: {  	s0 =	rddreg [dreg:$0x0]  }
0x2: {  	s1 =	rddreg [dreg:$0x1]  }
0x3: {  	s2 =	simm.s32 $0x0;
	s3 =	srdreg.scid;
	s11 =	stileid.u32  }
0x4: {  	[smem:$0x7FF] =	sst s2;
	s3 =	sand.u32 $0x1, s3;
	s4 =	sshll.u32 s11, $0x1  }
0x5: {  	s0 =	sadd.s32 $0x800, s0;
	s5 =	ssub.s32 $0x2, s3;
	s7 =	sor.u32 s3, s4  }
0x6: {  	_ =	strace $0x80000047;
	s21 =	sshrl.u32 s5, $0x1;
	s22 =	sshll.u32 s7, $0x13  }
0x7: {  	[dreg:$0x3] =	wrdreg s0;
	s0 =	ssub.s32 s5, s21;
	s5 =	sadd.s32 s1, s22  }
0x8: {  	s10 =	sadd.s32 $0x2000, s5  }
0x9: {  	s23 =	sadd.s32 $0x4000, s5;
	[dreg:$0x4] =	wrdreg s10  }
0xa: {  	s24 =	sadd.s32 $0x6000, s5;
	[dreg:$0x5] =	wrdreg s23  }
0xb: {  	s25 =	sadd.s32 $0x8000, s5;
	[dreg:$0x6] =	wrdreg s24  }
0xc: {  	s26 =	sadd.s32 $0xA000, s5;
	[dreg:$0x7] =	wrdreg s25  }
0xd: {  	s12 =	sadd.s32 $0xC000, s5;
	[dreg:$0x8] =	wrdreg s26  }
0xe: {  	s19 =	sshll.u32 s11, $0xE;
	s13 =	sadd.s32 $0xE000, s5;
	[dreg:$0x9] =	wrdreg s12  }
0xf: {  	s20 =	sshll.u32 s3, $0xD;
	s14 =	sadd.s32 $0x10000, s5;
	[dreg:$0xa] =	wrdreg s13  }
0x10: {  	s4 =	sshll.u32 s7, $0x6;
	s15 =	sadd.s32 $0x12000, s5;
	[dreg:$0xb] =	wrdreg s14  }
0x11: {  	s9 =	sshllo.u32 s7, $0x6;
	s16 =	sadd.s32 $0x14000, s5;
	[dreg:$0xc] =	wrdreg s15  }
0x12: {  	s8 =	sor.u32 $0x3E, s4;
	s17 =	sadd.s32 $0x16000, s5;
	[dreg:$0xd] =	wrdreg s16  }
0x13: {  	s6 =	sshll.u32 s9, $0x5;
	s21 =	sadd.s32 $0x18000, s5;
	[dreg:$0xe] =	wrdreg s17  }
0x14: {  	s18 =	sshll.u32 s9, $0xD;
	s0 =	smax.u32 s0, $0x1;
	[dreg:$0x11] =	wrdreg s21  }
0x15: {  	s22 =	sor.u32 s20, s19;
	s9 =	sadd.s32 $0x24000, s5;
	[dreg:$0x12] =	wrdreg s0  }
0x16: {  	s4 =	sshll.u32 s8, $0x5;
	s19 =	sadd.s32 $0x36000, s5;
	[dreg:$0x18] =	wrdreg s9  }
0x17: {  	s8 =	sshll.u32 s8, $0xD;
	s20 =	sadd.s32 $0x38000, s5;
	[smem:$0x7E6] =	sst s19  }
0x18: {  	s8 =	sadd.s32 s1, s8;
	[smem:$0x7E7] =	sst s20  }
0x19: {  	s1 =	sadd.s32 s1, s18;
	[dreg:$0xf] =	wrdreg s8  }
0x1a: {  	s25 =	sadd.s32 $0x1A000, s5;
	[dreg:$0x10] =	wrdreg s1  }
0x1b: {  	s26 =	sadd.s32 $0x1C000, s5;
	[dreg:$0x13] =	wrdreg s25  }
0x1c: {  	s10 =	sadd.s32 $0x26000, s5;
	[dreg:$0x14] =	wrdreg s26  }
0x1d: {  	s23 =	sshll.u32 s11, $0x7;
	s11 =	sadd.s32 $0x28000, s5;
	[dreg:$0x19] =	wrdreg s10  }
0x1e: {  	s12 =	sadd.s32 $0x2A000, s5;
	[dreg:$0x1a] =	wrdreg s11  }
0x1f: {  	s13 =	sadd.s32 $0x2C000, s5;
	[dreg:$0x1b] =	wrdreg s12  }
0x20: {  	s15 =	sadd.s32 $0x2E000, s5;
	[dreg:$0x1c] =	wrdreg s13  }
0x21: {  	s16 =	sadd.s32 $0x30000, s5;
	[dreg:$0x1d] =	wrdreg s15  }
0x22: {  	s17 =	sadd.s32 $0x32000, s5;
	[dreg:$0x1e] =	wrdreg s16  }
0x23: {  	s18 =	sadd.s32 $0x34000, s5;
	[dreg:$0x1f] =	wrdreg s17  }
0x24: {  	s21 =	sadd.s32 $0x3A000, s5;
	[smem:$0x7E5] =	sst s18  }
0x25: {  	s30 =	simm.s32 $0x9;
	s9 =	sadd.s32 $0x48000, s5;
	[smem:$0x7E8] =	sst s21  }
0x26: {  	s31 =	simm.s32 $0x1;
	s19 =	sadd.s32 $0x5A000, s5;
	[smem:$0x7EF] =	sst s9  }
0x27: {  	s3 =	sshll.u32 s3, $0x6;
	s20 =	sadd.s32 $0x5C000, s5;
	[smem:$0x7F8] =	sst s19  }
0x28: {  	s24 =	sor.u32 s23, s3;
	s3 =	sadd.s32 $0x20000, s5;
	[smem:$0x7F9] =	sst s20  }
0x29: {  	s7 =	sshll.u32 s7, $0xB;
	s8 =	sadd.s32 $0x22000, s5;
	[dreg:$0x16] =	wrdreg s3  }
0x2a: {  	s1 =	sadd.s32 $0x20C0, s22;
	s22 =	sadd.s32 $0x3C000, s5;
	[dreg:$0x17] =	wrdreg s8  }
0x2b: {  	s28 =	sadd.s32 $0x78000, s5;
	s25 =	sadd.s32 $0x3E000, s5;
	[smem:$0x7E9] =	sst s22  }
0x2c: {  	s29 =	sadd.s32 $0x7A000, s5;
	s26 =	sadd.s32 $0x40000, s5;
	[smem:$0x7EA] =	sst s25  }
0x2d: {  	s0 =	simm.s32 $0x2;
	s10 =	sadd.s32 $0x4A000, s5;
	[smem:$0x7EB] =	sst s26  }
0x2e: {  	s11 =	sadd.s32 $0x4C000, s5;
	s12 =	sadd.s32 $0x4E000, s5;
	[smem:$0x7F0] =	sst s10  }
0x2f: {  	s13 =	sadd.s32 $0x50000, s5;
	s15 =	sadd.s32 $0x52000, s5;
	[smem:$0x7F1] =	sst s11  }
0x30: {  	s16 =	sadd.s32 $0x54000, s5;
	s17 =	sadd.s32 $0x56000, s5;
	[smem:$0x7F2] =	sst s12  }
0x31: {  	s18 =	sadd.s32 $0x58000, s5;
	s21 =	sadd.s32 $0x5E000, s5;
	[smem:$0x7F3] =	sst s13  }
0x32: {  	s19 =	sadd.s32 $0x6E000, s5;
	s20 =	sadd.s32 $0x70000, s5;
	[smem:$0x7F4] =	sst s15  }
0x33: {  	s9 =	simm.s32 $0x6;
	s1 =	sshrl.u32 s1, $0x2;
	[smem:$0x7F5] =	sst s16  }
0x34: {  	s23 =	sor.u32 $0x3E, s24;
	s24 =	sxor.u32 $0x7FF, s24;
	[smem:$0x7F6] =	sst s17  }
0x35: {  	s3 =	sadd.s32 $0x44000, s5;
	s8 =	sadd.s32 $0x46000, s5;
	[smem:$0x7F7] =	sst s18  }
0x36: {  	[smem:$0x7FA] =	sst s21;
	s22 =	sadd.s32 $0x60000, s5;
	s25 =	sadd.s32 $0x62000, s5  }
0x37: {  	s26 =	sadd.s32 $0x64000, s5;
	s15 =	sadd.s32 $0x66000, s5;
	s16 =	sadd.s32 $0x68000, s5  }
0x38: {  	s17 =	sadd.s32 $0x6A000, s5;
	s18 =	sadd.s32 $0x6C000, s5;
	[smem:$0x7ED] =	sst s3  }
0x39: {  	s21 =	sadd.s32 $0x72000, s5;
	s10 =	simm.s32 $0x7;
	[smem:$0x7EE] =	sst s8  }
0x3a: {  	s11 =	simm.s32 $0x8;
	s12 =	simm.s32 $0x0;
	[smem:$0x7FB] =	sst s22  }
0x3b: {  	s14 =	sadd.s32 $0xA0, s1;
	s1 =	sadd.s32 $0x1E000, s5;
	[smem:$0x7FC] =	sst s25  }
0x3c: {  	[smem:$0x7FD] =	sst s26;
	s22 =	sadd.s32 $0x74000, s5;
	s26 =	sadd.s32 $0x76000, s5  }
0x3d: {  	s3 =	simm.s32 $0x4;
	[dreg:$0x15] =	wrdreg s1;
	s1 =	sadd.s32 $0x42000, s5  }
0x3e: {  	s8 =	simm.s32 $0x5;
	[smem:$0x7EC] =	sst s1;
	s1 =	simm.s32 $0x3  }
.LBB2_1:
0x3f: {  	s13 =	rddreg [dreg:$0x3]  }
0x40: {  	[tilespmem:s2], [sflag:$0x9] =	stream.linear.gather [hbm4b:s13+s2], $0xA0, $0x38;
	[tilespmem:$0x108A0] =	vst v63  }
0x41: {  	_ =	swait.ge [sflag:s30], $0xA0  }
0x42: {  	[sflag:s30] =	ssyncset.done $0x0  }
0x43: {  	[sflag:s30] =	ssyncadd.s32 $0xFFFFFF60  }
0x44: {  	v9 =	vld [tilespmem:$0x0]  }
0x45: {  	v2 =	vld [tilespmem:$0x10]  }
0x46: {  	v3 =	vld [tilespmem:$0x20]  }
0x47: {  	v4 =	vld [tilespmem:$0x30]  }
0x48: {  	p0 =	sne.s32 s23, $0x1;
	v5 =	vld [tilespmem:$0x40]  }
.Ltmp0:
0x49: {  	v6 =	vld [tilespmem:$0x50];
	(pc) =	sbr.rel @!p0 .LBB2_3-.Ltmp0, $4  }
0x4a: {  	v7 =	vld [tilespmem:$0x60]  }
0x4b: {  	v8 =	vld [tilespmem:$0x70]  }
0x4c: {  	s13 =	simm.s32 $0xB0;
	v0 =	vld [tilespmem:$0x80]  }
0x4d: {  	s25 =	sadd.s32 $0xFFFFFFFF, s23;
	v1 =	vld [tilespmem:$0x90];
	[tilespmem:s13+$0xFFFFFFF0] =	vst v9  }
.LBB2_2:
0x4e: {  	p0 =	sne.s32 s25, $0x1  }
.Ltmp1:
0x4f: {  	_ = 	snop;
	(pc) =	sbr.rel @p0 .LBB2_2-.Ltmp1, $3  }
0x50: {  	_ =	sdelay $0x1  }
0x51: {  	s25 =	sadd.s32 $0xFFFFFFFF, s25;
	[tilespmem:s13+$0x0] =	vst v2;
	s13 =	sadd.s32 $0x20, s13  }
0x52: {  	[tilespmem:s13+$0xFFFFFFF0] =	vst v9  }
.LBB2_3:
0x53: {  	[tilespmem:s13+$0x0] =	vst v2  }
0x54: {  	[tilespmem:s4+$0xA0] =	vst v3  }
0x55: {  	p0 =	sne.s32 s24, $0x1;
	[tilespmem:s4+$0xB0] =	vst v4  }
.Ltmp2:
0x56: {  	[tilespmem:s6+$0xA0] =	vst v5;
	(pc) =	sbr.rel @!p0 .LBB2_5-.Ltmp2, $4  }
0x57: {  	[tilespmem:s6+$0xB0] =	vst v6  }
0x58: {  	[tilespmem:s7+$0x8A0] =	vst v7  }
0x59: {  	[tilespmem:s7+$0x8B0] =	vst v8  }
0x5a: {  	s13 =	sadd.s32 $0xFFFFFFFF, s24;
	s25 =	smov.u32 s14;
	[tilespmem:s14+$0xFFFFFFF0] =	vst v0  }
.LBB2_4:
0x5b: {  	p0 =	sne.s32 s13, $0x1  }
.Ltmp3:
0x5c: {  	_ = 	snop;
	(pc) =	sbr.rel @p0 .LBB2_4-.Ltmp3, $3  }
0x5d: {  	_ =	sdelay $0x1  }
0x5e: {  	s13 =	sadd.s32 $0xFFFFFFFF, s13;
	[tilespmem:s25+$0x0] =	vst v1;
	s25 =	sadd.s32 $0x20, s25  }
0x5f: {  	[tilespmem:s25+$0xFFFFFFF0] =	vst v0  }
.LBB2_5:
0x60: {  	[tilespmem:s25+$0x0] =	vst v1;
	s13 =	simm.s32 $0x880  }
0x61: {  	[hbm4b:s5+s2] =	stream.linear.scatter [tilespmem:s13], [sflag:$0x1], $0x10000, $0x38;
	[tilespmem:$0x108A0] =	vst v63  }
0x62: {  	s25 =	simm.s32 $0x860;
	s13 =	rddreg [dreg:$0x4]  }
0x63: {  	[hbm4b:s13+s2] =	stream.linear.scatter [tilespmem:s25], [sflag:$0x2], $0x10000, $0x38;
	[tilespmem:$0x108A0] =	vst v63  }
0x64: {  	s13 =	rddreg [dreg:$0x5];
	s25 =	simm.s32 $0x840  }
0x65: {  	[hbm4b:s13+s2] =	stream.linear.scatter [tilespmem:s25], [sflag:$0x3], $0x10000, $0x38;
	[tilespmem:$0x108A0] =	vst v63  }
0x66: {  	s13 =	rddreg [dreg:$0x6];
	s25 =	simm.s32 $0x820  }
0x67: {  	[hbm4b:s13+s2] =	stream.linear.scatter [tilespmem:s25], [sflag:$0x4], $0x10000, $0x38;
	[tilespmem:$0x108A0] =	vst v63  }
0x68: {  	s13 =	rddreg [dreg:$0x7];
	s25 =	simm.s32 $0x800  }
0x69: {  	[hbm4b:s13+s2] =	stream.linear.scatter [tilespmem:s25], [sflag:$0x5], $0x10000, $0x38;
	[tilespmem:$0x108A0] =	vst v63  }
0x6a: {  	s13 =	rddreg [dreg:$0x8];
	s25 =	simm.s32 $0x7E0  }
0x6b: {  	[hbm4b:s13+s2] =	stream.linear.scatter [tilespmem:s25], [sflag:$0x6], $0x10000, $0x38;
	[tilespmem:$0x108A0] =	vst v63  }
0x6c: {  	s13 =	rddreg [dreg:$0x9];
	s25 =	simm.s32 $0x7C0  }
0x6d: {  	[hbm4b:s13+s2] =	stream.linear.scatter [tilespmem:s25], [sflag:$0x7], $0x10000, $0x38;
	[tilespmem:$0x108A0] =	vst v63  }
0x6e: {  	s13 =	rddreg [dreg:$0xa];
	s25 =	simm.s32 $0x7A0  }
0x6f: {  	[hbm4b:s13+s2] =	stream.linear.scatter [tilespmem:s25], [sflag:$0x8], $0x10000, $0x38;
	[tilespmem:$0x108A0] =	vst v63  }
0x70: {  	_ =	swait.ge [sflag:s31], $0x10000  }
0x71: {  	[sflag:s31] =	ssyncset.done $0x0  }
0x72: {  	s25 =	simm.s32 $0x780;
	s13 =	rddreg [dreg:$0xb];
	[sflag:s31] =	ssyncadd.s32 $0xFFFF0000  }
0x73: {  	[hbm4b:s13+s2] =	stream.linear.scatter [tilespmem:s25], [sflag:$0x1], $0x10000, $0x38;
	[tilespmem:$0x108A0] =	vst v63  }
0x74: {  	_ =	swait.ge [sflag:s0], $0x10000  }
0x75: {  	[sflag:s0] =	ssyncset.done $0x0  }
0x76: {  	s25 =	simm.s32 $0x760;
	s13 =	rddreg [dreg:$0xc];
	[sflag:s0] =	ssyncadd.s32 $0xFFFF0000  }
0x77: {  	[hbm4b:s13+s2] =	stream.linear.scatter [tilespmem:s25], [sflag:$0x2], $0x10000, $0x38;
	[tilespmem:$0x108A0] =	vst v63  }
0x78: {  	_ =	swait.ge [sflag:s1], $0x10000  }
0x79: {  	[sflag:s1] =	ssyncset.done $0x0  }
0x7a: {  	s25 =	simm.s32 $0x740;
	s13 =	rddreg [dreg:$0xd];
	[sflag:s1] =	ssyncadd.s32 $0xFFFF0000  }
0x7b: {  	[hbm4b:s13+s2] =	stream.linear.scatter [tilespmem:s25], [sflag:$0x3], $0x10000, $0x38;
	[tilespmem:$0x108A0] =	vst v63  }
0x7c: {  	_ =	swait.ge [sflag:s3], $0x10000  }
0x7d: {  	[sflag:s3] =	ssyncset.done $0x0  }
0x7e: {  	s25 =	simm.s32 $0x720;
	s13 =	rddreg [dreg:$0xe];
	[sflag:s3] =	ssyncadd.s32 $0xFFFF0000  }
0x7f: {  	[hbm4b:s13+s2] =	stream.linear.scatter [tilespmem:s25], [sflag:$0x4], $0x10000, $0x38;
	[tilespmem:$0x108A0] =	vst v63  }
0x80: {  	_ =	swait.ge [sflag:s8], $0x10000  }
0x81: {  	[sflag:s8] =	ssyncset.done $0x0  }
0x82: {  	s25 =	simm.s32 $0x700;
	s13 =	rddreg [dreg:$0x11];
	[sflag:s8] =	ssyncadd.s32 $0xFFFF0000  }
0x83: {  	[hbm4b:s13+s2] =	stream.linear.scatter [tilespmem:s25], [sflag:$0x5], $0x10000, $0x38;
	[tilespmem:$0x108A0] =	vst v63  }
0x84: {  	_ =	swait.ge [sflag:s9], $0x10000  }
0x85: {  	[sflag:s9] =	ssyncset.done $0x0  }
0x86: {  	s25 =	simm.s32 $0x6E0;
	s13 =	rddreg [dreg:$0x13];
	[sflag:s9] =	ssyncadd.s32 $0xFFFF0000  }
0x87: {  	[hbm4b:s13+s2] =	stream.linear.scatter [tilespmem:s25], [sflag:$0x6], $0x10000, $0x38;
	[tilespmem:$0x108A0] =	vst v63  }
0x88: {  	_ =	swait.ge [sflag:s10], $0x10000  }
0x89: {  	[sflag:s10] =	ssyncset.done $0x0  }
0x8a: {  	s25 =	simm.s32 $0x6C0;
	s13 =	rddreg [dreg:$0x14];
	[sflag:s10] =	ssyncadd.s32 $0xFFFF0000  }
0x8b: {  	[hbm4b:s13+s2] =	stream.linear.scatter [tilespmem:s25], [sflag:$0x7], $0x10000, $0x38;
	[tilespmem:$0x108A0] =	vst v63  }
0x8c: {  	_ =	swait.ge [sflag:s11], $0x10000  }
0x8d: {  	[sflag:s11] =	ssyncset.done $0x0  }
0x8e: {  	s25 =	simm.s32 $0x6A0;
	s13 =	rddreg [dreg:$0x15];
	[sflag:s11] =	ssyncadd.s32 $0xFFFF0000  }
0x8f: {  	[hbm4b:s13+s2] =	stream.linear.scatter [tilespmem:s25], [sflag:$0x8], $0x10000, $0x38;
	[tilespmem:$0x108A0] =	vst v63  }
0x90: {  	_ =	swait.ge [sflag:s31], $0x10000  }
0x91: {  	[sflag:s31] =	ssyncset.done $0x0  }
0x92: {  	s25 =	simm.s32 $0x680;
	s13 =	rddreg [dreg:$0x16];
	[sflag:s31] =	ssyncadd.s32 $0xFFFF0000  }
0x93: {  	[hbm4b:s13+s2] =	stream.linear.scatter [tilespmem:s25], [sflag:$0x1], $0x10000, $0x38;
	[tilespmem:$0x108A0] =	vst v63  }
0x94: {  	_ =	swait.ge [sflag:s0], $0x10000  }
0x95: {  	[sflag:s0] =	ssyncset.done $0x0  }
0x96: {  	s25 =	simm.s32 $0x660;
	s13 =	rddreg [dreg:$0x17];
	[sflag:s0] =	ssyncadd.s32 $0xFFFF0000  }
0x97: {  	[hbm4b:s13+s2] =	stream.linear.scatter [tilespmem:s25], [sflag:$0x2], $0x10000, $0x38;
	[tilespmem:$0x108A0] =	vst v63  }
0x98: {  	_ =	swait.ge [sflag:s1], $0x10000  }
0x99: {  	[sflag:s1] =	ssyncset.done $0x0  }
0x9a: {  	s25 =	simm.s32 $0x640;
	s13 =	rddreg [dreg:$0x18];
	[sflag:s1] =	ssyncadd.s32 $0xFFFF0000  }
0x9b: {  	[hbm4b:s13+s2] =	stream.linear.scatter [tilespmem:s25], [sflag:$0x3], $0x10000, $0x38;
	[tilespmem:$0x108A0] =	vst v63  }
0x9c: {  	_ =	swait.ge [sflag:s3], $0x10000  }
0x9d: {  	[sflag:s3] =	ssyncset.done $0x0  }
0x9e: {  	s25 =	simm.s32 $0x620;
	s13 =	rddreg [dreg:$0x19];
	[sflag:s3] =	ssyncadd.s32 $0xFFFF0000  }
0x9f: {  	[hbm4b:s13+s2] =	stream.linear.scatter [tilespmem:s25], [sflag:$0x4], $0x10000, $0x38;
	[tilespmem:$0x108A0] =	vst v63  }
0xa0: {  	_ =	swait.ge [sflag:s8], $0x10000  }
0xa1: {  	[sflag:s8] =	ssyncset.done $0x0  }
0xa2: {  	s25 =	simm.s32 $0x600;
	s13 =	rddreg [dreg:$0x1a];
	[sflag:s8] =	ssyncadd.s32 $0xFFFF0000  }
0xa3: {  	[hbm4b:s13+s2] =	stream.linear.scatter [tilespmem:s25], [sflag:$0x5], $0x10000, $0x38;
	[tilespmem:$0x108A0] =	vst v63  }
0xa4: {  	_ =	swait.ge [sflag:s9], $0x10000  }
0xa5: {  	[sflag:s9] =	ssyncset.done $0x0  }
0xa6: {  	s25 =	simm.s32 $0x5E0;
	s13 =	rddreg [dreg:$0x1b];
	[sflag:s9] =	ssyncadd.s32 $0xFFFF0000  }
0xa7: {  	[hbm4b:s13+s2] =	stream.linear.scatter [tilespmem:s25], [sflag:$0x6], $0x10000, $0x38;
	[tilespmem:$0x108A0] =	vst v63  }
0xa8: {  	_ =	swait.ge [sflag:s10], $0x10000  }
0xa9: {  	[sflag:s10] =	ssyncset.done $0x0  }
0xaa: {  	s25 =	simm.s32 $0x5C0;
	s13 =	rddreg [dreg:$0x1c];
	[sflag:s10] =	ssyncadd.s32 $0xFFFF0000  }
0xab: {  	[hbm4b:s13+s2] =	stream.linear.scatter [tilespmem:s25], [sflag:$0x7], $0x10000, $0x38;
	[tilespmem:$0x108A0] =	vst v63  }
0xac: {  	_ =	swait.ge [sflag:s11], $0x10000  }
0xad: {  	[sflag:s11] =	ssyncset.done $0x0  }
0xae: {  	s25 =	simm.s32 $0x5A0;
	s13 =	rddreg [dreg:$0x1d];
	[sflag:s11] =	ssyncadd.s32 $0xFFFF0000  }
0xaf: {  	[hbm4b:s13+s2] =	stream.linear.scatter [tilespmem:s25], [sflag:$0x8], $0x10000, $0x38;
	[tilespmem:$0x108A0] =	vst v63  }
0xb0: {  	_ =	swait.ge [sflag:s31], $0x10000  }
0xb1: {  	[sflag:s31] =	ssyncset.done $0x0  }
0xb2: {  	s25 =	simm.s32 $0x580;
	s13 =	rddreg [dreg:$0x1e];
	[sflag:s31] =	ssyncadd.s32 $0xFFFF0000  }
0xb3: {  	[hbm4b:s13+s2] =	stream.linear.scatter [tilespmem:s25], [sflag:$0x1], $0x10000, $0x38;
	[tilespmem:$0x108A0] =	vst v63  }
0xb4: {  	_ =	swait.ge [sflag:s0], $0x10000  }
0xb5: {  	[sflag:s0] =	ssyncset.done $0x0  }
0xb6: {  	s25 =	simm.s32 $0x560;
	s13 =	rddreg [dreg:$0x1f];
	[sflag:s0] =	ssyncadd.s32 $0xFFFF0000  }
0xb7: {  	[hbm4b:s13+s2] =	stream.linear.scatter [tilespmem:s25], [sflag:$0x2], $0x10000, $0x38;
	[tilespmem:$0x108A0] =	vst v63  }
0xb8: {  	_ =	swait.ge [sflag:s1], $0x10000  }
0xb9: {  	s13 =	sld [smem:$0x7E5]  }
0xba: {  	[sflag:s1] =	ssyncset.done $0x0  }
0xbb: {  	s25 =	simm.s32 $0x540;
	[sflag:s1] =	ssyncadd.s32 $0xFFFF0000  }
0xbc: {  	[hbm4b:s13+s2] =	stream.linear.scatter [tilespmem:s25], [sflag:$0x3], $0x10000, $0x38;
	[tilespmem:$0x108A0] =	vst v63  }
0xbd: {  	_ =	swait.ge [sflag:s3], $0x10000  }
0xbe: {  	s13 =	sld [smem:$0x7E6]  }
0xbf: {  	[sflag:s3] =	ssyncset.done $0x0  }
0xc0: {  	s25 =	simm.s32 $0x520;
	[sflag:s3] =	ssyncadd.s32 $0xFFFF0000  }
0xc1: {  	[hbm4b:s13+s2] =	stream.linear.scatter [tilespmem:s25], [sflag:$0x4], $0x10000, $0x38;
	[tilespmem:$0x108A0] =	vst v63  }
0xc2: {  	_ =	swait.ge [sflag:s8], $0x10000  }
0xc3: {  	s13 =	sld [smem:$0x7E7]  }
0xc4: {  	[sflag:s8] =	ssyncset.done $0x0  }
0xc5: {  	s25 =	simm.s32 $0x500;
	[sflag:s8] =	ssyncadd.s32 $0xFFFF0000  }
0xc6: {  	[hbm4b:s13+s2] =	stream.linear.scatter [tilespmem:s25], [sflag:$0x5], $0x10000, $0x38;
	[tilespmem:$0x108A0] =	vst v63  }
0xc7: {  	_ =	swait.ge [sflag:s9], $0x10000  }
0xc8: {  	s13 =	sld [smem:$0x7E8]  }
0xc9: {  	[sflag:s9] =	ssyncset.done $0x0  }
0xca: {  	s25 =	simm.s32 $0x4E0;
	[sflag:s9] =	ssyncadd.s32 $0xFFFF0000  }
0xcb: {  	[hbm4b:s13+s2] =	stream.linear.scatter [tilespmem:s25], [sflag:$0x6], $0x10000, $0x38;
	[tilespmem:$0x108A0] =	vst v63  }
0xcc: {  	_ =	swait.ge [sflag:s10], $0x10000  }
0xcd: {  	s13 =	sld [smem:$0x7E9]  }
0xce: {  	[sflag:s10] =	ssyncset.done $0x0  }
0xcf: {  	s25 =	simm.s32 $0x4C0;
	[sflag:s10] =	ssyncadd.s32 $0xFFFF0000  }
0xd0: {  	[hbm4b:s13+s2] =	stream.linear.scatter [tilespmem:s25], [sflag:$0x7], $0x10000, $0x38;
	[tilespmem:$0x108A0] =	vst v63  }
0xd1: {  	_ =	swait.ge [sflag:s11], $0x10000  }
0xd2: {  	s13 =	sld [smem:$0x7EA]  }
0xd3: {  	[sflag:s11] =	ssyncset.done $0x0  }
0xd4: {  	s25 =	simm.s32 $0x4A0;
	[sflag:s11] =	ssyncadd.s32 $0xFFFF0000  }
0xd5: {  	[hbm4b:s13+s2] =	stream.linear.scatter [tilespmem:s25], [sflag:$0x8], $0x10000, $0x38;
	[tilespmem:$0x108A0] =	vst v63  }
0xd6: {  	_ =	swait.ge [sflag:s31], $0x10000  }
0xd7: {  	s13 =	sld [smem:$0x7EB]  }
0xd8: {  	[sflag:s31] =	ssyncset.done $0x0  }
0xd9: {  	s25 =	simm.s32 $0x480;
	[sflag:s31] =	ssyncadd.s32 $0xFFFF0000  }
0xda: {  	[hbm4b:s13+s2] =	stream.linear.scatter [tilespmem:s25], [sflag:$0x1], $0x10000, $0x38;
	[tilespmem:$0x108A0] =	vst v63  }
0xdb: {  	_ =	swait.ge [sflag:s0], $0x10000  }
0xdc: {  	s13 =	sld [smem:$0x7EC]  }
0xdd: {  	[sflag:s0] =	ssyncset.done $0x0  }
0xde: {  	s25 =	simm.s32 $0x460;
	[sflag:s0] =	ssyncadd.s32 $0xFFFF0000  }
0xdf: {  	[hbm4b:s13+s2] =	stream.linear.scatter [tilespmem:s25], [sflag:$0x2], $0x10000, $0x38;
	[tilespmem:$0x108A0] =	vst v63  }
0xe0: {  	_ =	swait.ge [sflag:s1], $0x10000  }
0xe1: {  	s13 =	sld [smem:$0x7ED]  }
0xe2: {  	[sflag:s1] =	ssyncset.done $0x0  }
0xe3: {  	s25 =	simm.s32 $0x440;
	[sflag:s1] =	ssyncadd.s32 $0xFFFF0000  }
0xe4: {  	[hbm4b:s13+s2] =	stream.linear.scatter [tilespmem:s25], [sflag:$0x3], $0x10000, $0x38;
	[tilespmem:$0x108A0] =	vst v63  }
0xe5: {  	_ =	swait.ge [sflag:s3], $0x10000  }
0xe6: {  	s13 =	sld [smem:$0x7EE]  }
0xe7: {  	[sflag:s3] =	ssyncset.done $0x0  }
0xe8: {  	s25 =	simm.s32 $0x420;
	[sflag:s3] =	ssyncadd.s32 $0xFFFF0000  }
0xe9: {  	[hbm4b:s13+s2] =	stream.linear.scatter [tilespmem:s25], [sflag:$0x4], $0x10000, $0x38;
	[tilespmem:$0x108A0] =	vst v63  }
0xea: {  	_ =	swait.ge [sflag:s8], $0x10000  }
0xeb: {  	s13 =	sld [smem:$0x7EF]  }
0xec: {  	[sflag:s8] =	ssyncset.done $0x0  }
0xed: {  	s25 =	simm.s32 $0x400;
	[sflag:s8] =	ssyncadd.s32 $0xFFFF0000  }
0xee: {  	[hbm4b:s13+s2] =	stream.linear.scatter [tilespmem:s25], [sflag:$0x5], $0x10000, $0x38;
	[tilespmem:$0x108A0] =	vst v63  }
0xef: {  	_ =	swait.ge [sflag:s9], $0x10000  }
0xf0: {  	s13 =	sld [smem:$0x7F0]  }
0xf1: {  	[sflag:s9] =	ssyncset.done $0x0  }
0xf2: {  	s25 =	simm.s32 $0x3E0;
	[sflag:s9] =	ssyncadd.s32 $0xFFFF0000  }
0xf3: {  	[hbm4b:s13+s2] =	stream.linear.scatter [tilespmem:s25], [sflag:$0x6], $0x10000, $0x38;
	[tilespmem:$0x108A0] =	vst v63  }
0xf4: {  	_ =	swait.ge [sflag:s10], $0x10000  }
0xf5: {  	s13 =	sld [smem:$0x7F1]  }
0xf6: {  	[sflag:s10] =	ssyncset.done $0x0  }
0xf7: {  	s25 =	simm.s32 $0x3C0;
	[sflag:s10] =	ssyncadd.s32 $0xFFFF0000  }
0xf8: {  	[hbm4b:s13+s2] =	stream.linear.scatter [tilespmem:s25], [sflag:$0x7], $0x10000, $0x38;
	[tilespmem:$0x108A0] =	vst v63  }
0xf9: {  	_ =	swait.ge [sflag:s11], $0x10000  }
0xfa: {  	s13 =	sld [smem:$0x7F2]  }
0xfb: {  	[sflag:s11] =	ssyncset.done $0x0  }
0xfc: {  	s25 =	simm.s32 $0x3A0;
	[sflag:s11] =	ssyncadd.s32 $0xFFFF0000  }
0xfd: {  	[hbm4b:s13+s2] =	stream.linear.scatter [tilespmem:s25], [sflag:$0x8], $0x10000, $0x38;
	[tilespmem:$0x108A0] =	vst v63  }
0xfe: {  	_ =	swait.ge [sflag:s31], $0x10000  }
0xff: {  	s13 =	sld [smem:$0x7F3]  }
0x100: {  	[sflag:s31] =	ssyncset.done $0x0  }
0x101: {  	s25 =	simm.s32 $0x380;
	[sflag:s31] =	ssyncadd.s32 $0xFFFF0000  }
0x102: {  	[hbm4b:s13+s2] =	stream.linear.scatter [tilespmem:s25], [sflag:$0x1], $0x10000, $0x38;
	[tilespmem:$0x108A0] =	vst v63  }
0x103: {  	_ =	swait.ge [sflag:s0], $0x10000  }
0x104: {  	s13 =	sld [smem:$0x7F4]  }
0x105: {  	[sflag:s0] =	ssyncset.done $0x0  }
0x106: {  	s25 =	simm.s32 $0x360;
	[sflag:s0] =	ssyncadd.s32 $0xFFFF0000  }
0x107: {  	[hbm4b:s13+s2] =	stream.linear.scatter [tilespmem:s25], [sflag:$0x2], $0x10000, $0x38;
	[tilespmem:$0x108A0] =	vst v63  }
0x108: {  	_ =	swait.ge [sflag:s1], $0x10000  }
0x109: {  	s13 =	sld [smem:$0x7F5]  }
0x10a: {  	[sflag:s1] =	ssyncset.done $0x0  }
0x10b: {  	s25 =	simm.s32 $0x340;
	[sflag:s1] =	ssyncadd.s32 $0xFFFF0000  }
0x10c: {  	[hbm4b:s13+s2] =	stream.linear.scatter [tilespmem:s25], [sflag:$0x3], $0x10000, $0x38;
	[tilespmem:$0x108A0] =	vst v63  }
0x10d: {  	_ =	swait.ge [sflag:s3], $0x10000  }
0x10e: {  	s13 =	sld [smem:$0x7F6]  }
0x10f: {  	[sflag:s3] =	ssyncset.done $0x0  }
0x110: {  	s25 =	simm.s32 $0x320;
	[sflag:s3] =	ssyncadd.s32 $0xFFFF0000  }
0x111: {  	[hbm4b:s13+s2] =	stream.linear.scatter [tilespmem:s25], [sflag:$0x4], $0x10000, $0x38;
	[tilespmem:$0x108A0] =	vst v63  }
0x112: {  	_ =	swait.ge [sflag:s8], $0x10000  }
0x113: {  	s13 =	sld [smem:$0x7F7]  }
0x114: {  	[sflag:s8] =	ssyncset.done $0x0  }
0x115: {  	s25 =	simm.s32 $0x300;
	[sflag:s8] =	ssyncadd.s32 $0xFFFF0000  }
0x116: {  	[hbm4b:s13+s2] =	stream.linear.scatter [tilespmem:s25], [sflag:$0x5], $0x10000, $0x38;
	[tilespmem:$0x108A0] =	vst v63  }
0x117: {  	_ =	swait.ge [sflag:s9], $0x10000  }
0x118: {  	s13 =	sld [smem:$0x7F8]  }
0x119: {  	[sflag:s9] =	ssyncset.done $0x0  }
0x11a: {  	s25 =	simm.s32 $0x2E0;
	[sflag:s9] =	ssyncadd.s32 $0xFFFF0000  }
0x11b: {  	[hbm4b:s13+s2] =	stream.linear.scatter [tilespmem:s25], [sflag:$0x6], $0x10000, $0x38;
	[tilespmem:$0x108A0] =	vst v63  }
0x11c: {  	_ =	swait.ge [sflag:s10], $0x10000  }
0x11d: {  	s13 =	sld [smem:$0x7F9]  }
0x11e: {  	[sflag:s10] =	ssyncset.done $0x0  }
0x11f: {  	s25 =	simm.s32 $0x2C0;
	[sflag:s10] =	ssyncadd.s32 $0xFFFF0000  }
0x120: {  	[hbm4b:s13+s2] =	stream.linear.scatter [tilespmem:s25], [sflag:$0x7], $0x10000, $0x38;
	[tilespmem:$0x108A0] =	vst v63  }
0x121: {  	_ =	swait.ge [sflag:s11], $0x10000  }
0x122: {  	s13 =	sld [smem:$0x7FA]  }
0x123: {  	[sflag:s11] =	ssyncset.done $0x0  }
0x124: {  	s25 =	simm.s32 $0x2A0;
	[sflag:s11] =	ssyncadd.s32 $0xFFFF0000  }
0x125: {  	[hbm4b:s13+s2] =	stream.linear.scatter [tilespmem:s25], [sflag:$0x8], $0x10000, $0x38;
	[tilespmem:$0x108A0] =	vst v63  }
0x126: {  	_ =	swait.ge [sflag:s31], $0x10000  }
0x127: {  	s13 =	sld [smem:$0x7FB]  }
0x128: {  	[sflag:s31] =	ssyncset.done $0x0  }
0x129: {  	s25 =	simm.s32 $0x280;
	[sflag:s31] =	ssyncadd.s32 $0xFFFF0000  }
0x12a: {  	[hbm4b:s13+s2] =	stream.linear.scatter [tilespmem:s25], [sflag:$0x1], $0x10000, $0x38;
	[tilespmem:$0x108A0] =	vst v63  }
0x12b: {  	_ =	swait.ge [sflag:s0], $0x10000  }
0x12c: {  	s13 =	sld [smem:$0x7FC]  }
0x12d: {  	[sflag:s0] =	ssyncset.done $0x0  }
0x12e: {  	s25 =	simm.s32 $0x260;
	[sflag:s0] =	ssyncadd.s32 $0xFFFF0000  }
0x12f: {  	[hbm4b:s13+s2] =	stream.linear.scatter [tilespmem:s25], [sflag:$0x2], $0x10000, $0x38;
	[tilespmem:$0x108A0] =	vst v63  }
0x130: {  	_ =	swait.ge [sflag:s1], $0x10000  }
0x131: {  	s13 =	sld [smem:$0x7FD]  }
0x132: {  	[sflag:s1] =	ssyncset.done $0x0  }
0x133: {  	s25 =	simm.s32 $0x240;
	[sflag:s1] =	ssyncadd.s32 $0xFFFF0000  }
0x134: {  	[hbm4b:s13+s2] =	stream.linear.scatter [tilespmem:s25], [sflag:$0x3], $0x10000, $0x38;
	[tilespmem:$0x108A0] =	vst v63  }
0x135: {  	_ =	swait.ge [sflag:s3], $0x10000  }
0x136: {  	[sflag:s3] =	ssyncset.done $0x0  }
0x137: {  	s25 =	simm.s32 $0x220;
	[sflag:s3] =	ssyncadd.s32 $0xFFFF0000  }
0x138: {  	[hbm4b:s15+s2] =	stream.linear.scatter [tilespmem:s25], [sflag:$0x4], $0x10000, $0x38;
	[tilespmem:$0x108A0] =	vst v63  }
0x139: {  	_ =	swait.ge [sflag:s8], $0x10000  }
0x13a: {  	[sflag:s8] =	ssyncset.done $0x0  }
0x13b: {  	s25 =	simm.s32 $0x200;
	[sflag:s8] =	ssyncadd.s32 $0xFFFF0000  }
0x13c: {  	[hbm4b:s16+s2] =	stream.linear.scatter [tilespmem:s25], [sflag:$0x5], $0x10000, $0x38;
	[tilespmem:$0x108A0] =	vst v63  }
0x13d: {  	_ =	swait.ge [sflag:s9], $0x10000  }
0x13e: {  	[sflag:s9] =	ssyncset.done $0x0  }
0x13f: {  	s25 =	simm.s32 $0x1E0;
	[sflag:s9] =	ssyncadd.s32 $0xFFFF0000  }
0x140: {  	[hbm4b:s17+s2] =	stream.linear.scatter [tilespmem:s25], [sflag:$0x6], $0x10000, $0x38;
	[tilespmem:$0x108A0] =	vst v63  }
0x141: {  	_ =	swait.ge [sflag:s10], $0x10000  }
0x142: {  	[sflag:s10] =	ssyncset.done $0x0  }
0x143: {  	s25 =	simm.s32 $0x1C0;
	[sflag:s10] =	ssyncadd.s32 $0xFFFF0000  }
0x144: {  	[hbm4b:s18+s2] =	stream.linear.scatter [tilespmem:s25], [sflag:$0x7], $0x10000, $0x38;
	[tilespmem:$0x108A0] =	vst v63  }
0x145: {  	_ =	swait.ge [sflag:s11], $0x10000  }
0x146: {  	[sflag:s11] =	ssyncset.done $0x0  }
0x147: {  	s25 =	simm.s32 $0x1A0;
	[sflag:s11] =	ssyncadd.s32 $0xFFFF0000  }
0x148: {  	[hbm4b:s19+s2] =	stream.linear.scatter [tilespmem:s25], [sflag:$0x8], $0x10000, $0x38;
	[tilespmem:$0x108A0] =	vst v63  }
0x149: {  	_ =	swait.ge [sflag:s31], $0x10000  }
0x14a: {  	[sflag:s31] =	ssyncset.done $0x0  }
0x14b: {  	s25 =	simm.s32 $0x180;
	[sflag:s31] =	ssyncadd.s32 $0xFFFF0000  }
0x14c: {  	[hbm4b:s20+s2] =	stream.linear.scatter [tilespmem:s25], [sflag:$0x1], $0x10000, $0x38;
	[tilespmem:$0x108A0] =	vst v63  }
0x14d: {  	_ =	swait.ge [sflag:s0], $0x10000  }
0x14e: {  	[sflag:s0] =	ssyncset.done $0x0  }
0x14f: {  	s25 =	simm.s32 $0x160;
	[sflag:s0] =	ssyncadd.s32 $0xFFFF0000  }
0x150: {  	[hbm4b:s21+s2] =	stream.linear.scatter [tilespmem:s25], [sflag:$0x2], $0x10000, $0x38;
	[tilespmem:$0x108A0] =	vst v63  }
0x151: {  	_ =	swait.ge [sflag:s1], $0x10000  }
0x152: {  	[sflag:s1] =	ssyncset.done $0x0  }
0x153: {  	s25 =	simm.s32 $0x140;
	[sflag:s1] =	ssyncadd.s32 $0xFFFF0000  }
0x154: {  	[hbm4b:s22+s2] =	stream.linear.scatter [tilespmem:s25], [sflag:$0x3], $0x10000, $0x38;
	[tilespmem:$0x108A0] =	vst v63  }
0x155: {  	_ =	swait.ge [sflag:s3], $0x10000  }
0x156: {  	[sflag:s3] =	ssyncset.done $0x0  }
0x157: {  	s25 =	simm.s32 $0x120;
	[sflag:s3] =	ssyncadd.s32 $0xFFFF0000  }
0x158: {  	[hbm4b:s26+s2] =	stream.linear.scatter [tilespmem:s25], [sflag:$0x4], $0x10000, $0x38;
	[tilespmem:$0x108A0] =	vst v63  }
0x159: {  	_ =	swait.ge [sflag:s8], $0x10000  }
0x15a: {  	[sflag:s8] =	ssyncset.done $0x0  }
0x15b: {  	s25 =	simm.s32 $0x100;
	[sflag:s8] =	ssyncadd.s32 $0xFFFF0000  }
0x15c: {  	[hbm4b:s28+s2] =	stream.linear.scatter [tilespmem:s25], [sflag:$0x5], $0x10000, $0x38;
	[tilespmem:$0x108A0] =	vst v63  }
0x15d: {  	_ =	swait.ge [sflag:s9], $0x10000  }
0x15e: {  	[sflag:s9] =	ssyncset.done $0x0  }
0x15f: {  	s25 =	simm.s32 $0xE0;
	[sflag:s9] =	ssyncadd.s32 $0xFFFF0000  }
0x160: {  	[hbm4b:s29+s2] =	stream.linear.scatter [tilespmem:s25], [sflag:$0x6], $0x10000, $0x38;
	[tilespmem:$0x108A0] =	vst v63  }
0x161: {  	_ =	swait.ge [sflag:s10], $0x10000  }
0x162: {  	[sflag:s10] =	ssyncset.done $0x0  }
0x163: {  	s25 =	simm.s32 $0xC0;
	s13 =	rddreg [dreg:$0xf];
	[sflag:s10] =	ssyncadd.s32 $0xFFFF0000  }
0x164: {  	[hbm4b:s13+s2] =	stream.linear.scatter [tilespmem:s25], [sflag:$0x7], $0x10000, $0x38;
	[tilespmem:$0x108A0] =	vst v63  }
0x165: {  	_ =	swait.ge [sflag:s11], $0x10000  }
0x166: {  	[sflag:s11] =	ssyncset.done $0x0  }
0x167: {  	s25 =	simm.s32 $0xA0;
	s13 =	rddreg [dreg:$0x10];
	[sflag:s11] =	ssyncadd.s32 $0xFFFF0000  }
0x168: {  	[hbm4b:s13+s2] =	stream.linear.scatter [tilespmem:s25], [sflag:$0x8], $0x10000, $0x38;
	[tilespmem:$0x108A0] =	vst v63  }
0x169: {  	_ =	swait.ge [sflag:s31], $0x10000  }
0x16a: {  	[sflag:s31] =	ssyncset.done $0x0  }
0x16b: {  	[sflag:s31] =	ssyncadd.s32 $0xFFFF0000  }
0x16c: {  	_ =	swait.ge [sflag:s0], $0x10000  }
0x16d: {  	[sflag:s0] =	ssyncset.done $0x0  }
0x16e: {  	[sflag:s0] =	ssyncadd.s32 $0xFFFF0000  }
0x16f: {  	_ =	swait.ge [sflag:s1], $0x10000  }
0x170: {  	[sflag:s1] =	ssyncset.done $0x0  }
0x171: {  	[sflag:s1] =	ssyncadd.s32 $0xFFFF0000  }
0x172: {  	_ =	swait.ge [sflag:s3], $0x10000  }
0x173: {  	[sflag:s3] =	ssyncset.done $0x0  }
0x174: {  	[sflag:s3] =	ssyncadd.s32 $0xFFFF0000  }
0x175: {  	_ =	swait.ge [sflag:s8], $0x10000  }
0x176: {  	[sflag:s8] =	ssyncset.done $0x0  }
0x177: {  	[sflag:s8] =	ssyncadd.s32 $0xFFFF0000  }
0x178: {  	_ =	swait.ge [sflag:s9], $0x10000  }
0x179: {  	[sflag:s9] =	ssyncset.done $0x0  }
0x17a: {  	[sflag:s9] =	ssyncadd.s32 $0xFFFF0000  }
0x17b: {  	_ =	swait.ge [sflag:s10], $0x10000  }
0x17c: {  	[sflag:s10] =	ssyncset.done $0x0  }
0x17d: {  	[sflag:s10] =	ssyncadd.s32 $0xFFFF0000  }
0x17e: {  	_ =	swait.ge [sflag:s11], $0x10000  }
0x17f: {  	s12 =	sadd.s32 $0x1, s12;
	s25 =	rddreg [dreg:$0x12]  }
0x180: {  	p0 =	sne.s32 s12, s25  }
.Ltmp4:
0x181: {  	_ = 	snop;
	(pc) =	sbr.rel @p0 .LBB2_1-.Ltmp4, $3  }
0x182: {  	_ =	sdelay $0x1  }
0x183: {  	[sflag:s11] =	ssyncset.done $0x0  }
0x184: {  	[sflag:s11] =	ssyncadd.s32 $0xFFFF0000  }
0x185: {  	_ =	sfence.sel $0x180000  }
0x186: {  	[bflag:$0x0] =	sbarrier.arrive $0xFFFF  }
0x187: {  	_ =	strace $0x90000047  }
0x188: {  	s0 =	stileid.u32;
	[bflag:$0x2] =	sbarrier.arrive $0xFFFF  }
0x189: {  	p0 =	sne.s32 s0, $0x0;
	s0 =	rddreg [dreg:$0x2]  }
0x18a: {  	s0 =	sadd.s32 @!p0 $0x100000, s0  }
0x18b: {  	[sflag:s0] =	ssyncadd.tile.s32 @!p0 $0x1;
	_ =	shalt  }
.Lfunc_end2:
_tile_overlayer_lowered:
.L_overlay_start_2:
0x18c: {  	(tag) =	ssettag $0x2  }
0x18d: {  	s0 =	rddreg [dreg:$0x0];
	s2 =	stileid.u32  }
0x18e: {  	s1 =	rddreg [dreg:$0x1];
	p0 =	sne.s32 s2, $0x0  }
0x18f: {  	s3 =	rddreg [dreg:$0x2];
	[bflag:$0x3] =	sbarrier.arrive $0xFFFF;
	s2 =	simm.s32 @!p0 $0x1C09  }
0x190: {  	[timem:s3], [sflag:s2] =	dma.local @!p0 [hbm:s0], s1  }
0x191: {  	s0 =	simm.s32 @!p0 $0x9  }
0x192: {  	_ =	swait.ge @!p0 [sflag:s0], s1  }
0x193: {  	s1 =	ssub.s32 @!p0 $0x0, s1;
	[sflag:s0] =	ssyncset.done @!p0 $0x0  }
0x194: {  	[sflag:s0] =	ssyncadd.s32 @!p0 s1  }
0x195: {  	[bflag:$0x3] =	sbarrier.arrive $0xFFFF  }
0x196: {  	_ =	shalt  }

// kernel: sparse-core-data-format-call.cloned.1.call-start
scs
called_computation_lowered:
.L_overlay_start_0:
0x0: {  	s2 =	sld [smem:$0x3FD9]  }
0x1: {  	s3 =	sld [smem:$0x3FFE];
	_ =	sdelay $0x1  }
0x2: {  	s1 =	srdreg.scid  }
0x3: {  	s0 =	sand.u32 $0x1, s1  }
0x4: {  	s18 =	sshll.u32 s0, $0xA;
	s2 =	sadd.s32 s3, s2  }
0x5: {  	s2 =	sadd.s32 s2, s18  }
0x6: {  	[smem:$0x3FC7] =	sst s2  }
0x7: {  	_ = 	snop  }
0x8: {  	s2 =	sld [smem:$0x3FD0];
	(tm) =	ssettm $0x1  }
0x9: {  	s19 =	sld [smem:$0x3FFB];
	_ =	sdelay $0x3  }
0xa: {  	_ =	strace s19  }
0xb: {  	s3 =	sld [smem:$0x3FFC];
	_ =	sdelay $0x3  }
0xc: {  	_ =	strace s3  }
0xd: {  	s3 =	sld [smem:$0x3FFD];
	_ =	sdelay $0x3  }
0xe: {  	_ =	strace s3  }
0xf: {  	_ =	strace $0x8FFFFFFF  }
0x10: {  	s20 =	sld [smem:$0x3FDB];
	_ =	sdelay $0x1  }
0x11: {  	s4 =	simm.s32 $_scs_section_size  }
0x12: {  	s5 =	simm.s32 $_size__tile_overlayer_lowered;
	s6 =	simm.s32 $_tile_overlayer_lowered  }
0x13: {  	s23 =	simm.s32 $0x1BFF;
	s22 =	sshll.u32 s6, $0x1;
	s3 =	sadd.s32 s4, s20  }
0x14: {  	s7 =	simm.s32 $0x0;
	s21 =	sshll.u32 s5, $0x1;
	s5 =	sadd.s32 s22, s3  }
0x15: {  	[timem:s7], [sflag:s23] =	dma.local [hbm:s5], s21  }
0x16: {  	_ =	swait.ge [sflag:s23], s21  }
0x17: {  	s4 =	ssub.s32 $0x0, s21;
	[sflag:s23] =	ssyncset.done $0x0  }
0x18: {  	[sflag:s23] =	ssyncadd.s32 s4;
	_ =	sdelay $0x1  }
0x19: {  	s24 =	simm.s32 $0x1B8B  }
0x1a: {  	_ =	swait.ge [sflag:s24], $0x1  }
0x1b: {  	[sflag:s24] =	ssyncset.done $0x0  }
0x1c: {  	s26 =	simm.s32 $0x1B8E;
	s25 =	sld [smem:$0x3FFE];
	[sflag:s24] =	ssyncadd.s32 $0xFFFFFFFF  }
0x1d: {  	s27 =	simm.s32 $execute0_lowered;
	[smem:$0x3FD2] =	sst s26  }
0x1e: {  	s5 =	sshll.u32 s27, $0x1;
	_ =	strace $0x80000049;
	[dreg:$0x1] =	wrdreg $0xFFFFFFFF  }
0x1f: {  	s28 =	simm.s32 $_size_execute0_lowered;
	s3 =	sadd.s32 s3, s5;
	[dreg:$0x0] =	wrdreg $0x0  }
0x20: {  	s5 =	sshll.u32 s28, $0x1;
	[dreg:$0x2] =	wrdreg s3  }
0x21: {  	[dreg:$0x3] =	wrdreg s5  }
0x22: {  	[dreg:$0x4] =	wrdreg $0xC0  }
0x23: {  	_ =	task [dreg:s7], $0x5FFFF  }
0x24: {  	[dreg:$0x1] =	wrdreg $0xFFFFFFFF  }
0x25: {  	[dreg:$0x0] =	wrdreg $0x60  }
0x26: {  	[dreg:$0x2] =	wrdreg s25  }
0x27: {  	[dreg:$0x3] =	wrdreg s2  }
0x28: {  	[dreg:$0x4] =	wrdreg $0x9  }
0x29: {  	_ =	task.clear_ibuf [dreg:s7], $0x5FFFF;
	_ =	strace $0x90000049  }
0x2a: {  	s29 =	simm.s32 $0x9;
	_ =	strace $0x8000004B  }
0x2b: {  	_ =	swait.ge [sflag:s29], $0x1  }
0x2c: {  	[sflag:s29] =	ssyncadd.s32 $0xFFFFFFFF  }
0x2d: {  	_ =	strace $0x9000004B  }
0x2e: {  	_ =	sfence  }
0x2f: {  	s30 =	sld [smem:$0x0];
	_ =	sdelay $0x2  }
0x30: {  	s31 =	sshll.u32 s1, $0xD;
	s1 =	sshrl.u32 s1, $0x2  }
0x31: {  	s3 =	sand.u32 $0x4000, s31;
	s1 =	sadd.s32 s1, s30  }
0x32: {  	s0 =	sor.u32 s3, s0;
	s1 =	sshll.u32 s1, $0x11  }
0x33: {  	s0 =	sor.u32 s1, s0  }
0x34: {  	s0 =	sadd.s32 $0x8F2B, s0  }
0x35: {  	[sflag:s0] =	ssyncadd.remote.s32 $0x1  }
0x36: {  	_ =	sfence.sel $0xFFFF  }
0x37: {  	[dreg:$0x0] =	wrdreg $0xFFFFFFFF;
	(pc) =	sbr.abs _section_cstart, $3  }
0x38: {  	[dreg:$0x1] =	wrdreg $0xFFFFFFFF  }
0x39: {  	_ =	task.clear_ibuf [dreg:s7], $0x2FFFF;
	_ =	strace $0x9FFFFFFF  }
0x3a: {  	(tm) =	ssettm $0x7FFFFFFF  }
0x3b: {  	_ =	shalt  }
tec
execute0_lowered:
.L_overlay_start_1:
0x0: {  	(tag) =	ssettag $0x1  }
0x1: {  	s0 =	srdreg.scid;
	s9 =	rddreg [dreg:$0x0]  }
0x2: {  	s2 =	rddreg [dreg:$0x1];
	s7 =	simm.s32 $0x1;
	s1 =	sshll.u32 s0, $0x4  }
0x3: {  	s8 =	simm.s32 $0x2;
	s0 =	stileid.u32;
	s1 =	sand.u32 $0x10, s1  }
0x4: {  	s15 =	simm.s32 $0x0;
	s11 =	simm.s32 $0x4000;
	s1 =	sor.u32 s0, s1  }
0x5: {  	s16 =	simm.s32 $0x0;
	s12 =	simm.s32 $0x0;
	s3 =	sshll.u32 s1, $0x2  }
0x6: {  	s14 =	simm.s32 $0x0;
	s4 =	sadd.s32 $0x800, s9;
	s6 =	ssub.s32 $0x800, s3  }
0x7: {  	s1 =	rddreg [dreg:$0x2];
	_ =	strace $0x8000004A;
	s5 =	sand.u32 $0x7C, s6  }
.Ltmp0:
0x8: {  	s13 =	smov.u32 s3;
	p0 =	sne.s32 s5, $0x0;
	(pc) =	sbr.rel .LBB1_1-.Ltmp0, $4  }
0x9: {  	s6 =	sshrl.u32 s6, $0x7;
	s5 =	simm.s32 $0x1;
	s7 =	simm.s32 @!p0 $0x0  }
0xa: {  	[sflag:s5] =	ssyncpa.u1 $0x0;
	p0 =	por $0x0, $0x0;
	s6 =	sadd.s32 s7, s6  }
0xb: {  	[sflag:s8] =	ssyncpa.u1 $0x0;
	s7 =	sadd.s32 $0x8800, s9;
	s6 =	sshll.u32 s6, $0x4  }
0xc: {  	s8 =	sadd.s32 $0x10800, s9;
	s9 =	sadd.s32 $0x18800, s9;
	s10 =	sor.u32 $0x1, s6  }
.LBB1_7:
0xd: {  	s17 =	sadd.s32 $0x80, s12  }
0xe: {  	s15 =	sadd.s32 $0x80, s13;
	s19 =	smov.u32 s13;
	p2 =	sgt.s32 s17, $0x7FF  }
0xf: {  	s19 =	smov.u32 @p2 s15  }
0x10: {  	s17 =	simm.s32 @p2 $0x0;
	p2 =	sgt.s32 s19, $0x7FF  }
0x11: {  	s19 =	smov.u32 @p2 s3;
	p2 =	sne.s32 s14, s10  }
.Ltmp1:
0x12: {  	p1 =	slt.u32 s14, $0x2;
	(pc) =	sbr.rel @!p2 .LBB1_8-.Ltmp1, $4  }
0x13: {  	s18 =	simm.s32 @!p1 $0x2  }
0x14: {  	s16 =	smov.u32 s13;
	p0 =	por !p0, !p0;
	_ =	swait.ge @!p1 [sflag:s18], $0x4000  }
0x15: {  	s15 =	smov.u32 s12;
	[sflag:s18] =	ssyncset.done @!p1 $0x0;
	s12 =	smov.u32 s17  }
0x16: {  	s14 =	sadd.s32 $0x1, s14;
	[sflag:s18] =	ssyncadd.s32 @!p1 $0xFFFFC000;
	s13 =	smov.u32 s19  }
.LBB1_1:
0x17: {  	p1 =	sge.u32 s14, s6  }
0x18: {  	s17 =	sxor.u32 @!p1 $0xFFFFFFFF, s14  }
0x19: {  	s18 =	sshll.u32 @!p1 s13, $0xF;
	s19 =	sshll.u32 @!p1 s12, $0x4;
	s21 =	simm.s32 @!p1 $0x20  }
0x1a: {  	s17 =	sshll.u32 @!p1 s17, $0xE;
	s19 =	sand.u32 @!p1 $0x7FF0, s19;
	s20 =	sadd.s32 @!p1 s4, s18  }
0x1b: {  	s22 =	simm.s32 @!p1 $0x80;
	s17 =	sand.u32 @!p1 $0x4000, s17;
	s20 =	sadd.s32 @!p1 s19, s20  }
0x1c: {  	[tilespmem:s17], [sflag:$0x1] =	stream.strided.gather @!p1 [hbm4b:s20+s21], $0x1000, s22, s21, $0x38;
	[tilespmem:$0x10100] =	vst v63  }
0x1d: {  	s20 =	sadd.s32 @!p1 s18, s7  }
0x1e: {  	s23 =	sor.u32 @!p1 $0x1000, s17;
	s20 =	sadd.s32 @!p1 s19, s20  }
0x1f: {  	[tilespmem:s23], [sflag:$0x1] =	stream.strided.gather @!p1 [hbm4b:s20+s21], $0x1000, s22, s21, $0x38;
	[tilespmem:$0x10100] =	vst v63  }
0x20: {  	s20 =	sadd.s32 @!p1 s18, s8  }
0x21: {  	s23 =	sor.u32 @!p1 $0x2000, s17;
	s18 =	sadd.s32 @!p1 s18, s9;
	s20 =	sadd.s32 @!p1 s19, s20  }
0x22: {  	[tilespmem:s23], [sflag:$0x1] =	stream.strided.gather @!p1 [hbm4b:s20+s21], $0x1000, s22, s21, $0x38;
	[tilespmem:$0x10100] =	vst v63  }
0x23: {  	s31 =	sadd.s32 $0xFFFFFFFF, s14;
	s17 =	sor.u32 @!p1 $0x3000, s17;
	s18 =	sadd.s32 @!p1 s19, s18  }
0x24: {  	[tilespmem:s17], [sflag:$0x1] =	stream.strided.gather @!p1 [hbm4b:s18+s21], $0x1000, s22, s21, $0x38;
	[tilespmem:$0x10100] =	vst v63  }
0x25: {  	p1 =	sge.u32 s31, s6  }
.Ltmp2:
0x26: {  	_ = 	snop;
	(pc) =	sbr.rel @p1 .LBB1_7-.Ltmp2, $1  }
0x27: {  	_ =	sdelay $0x3  }
0x28: {  	s17 =	simm.s32 $0x1;
	s19 =	sand.u32 $0x1, s14  }
0x29: {  	_ =	swait.ge [sflag:s5], $0x4000;
	s17 =	simm.s32 @!p0 $0x0;
	s20 =	smul.u32 $0x10200, s19  }
0x2a: {  	[sflag:s5] =	ssyncset.done $0x0;
	s18 =	smul.u32 $0x10200, s17  }
0x2b: {  	s17 =	sshll.u32 s17, $0xE;
	[sflag:s5] =	ssyncadd.s32 $0xFFFFC000  }
0x2c: {  	s19 =	sor.u32 $0x10, s17;
	s31 =	sshrl.u32 s20, $0x2;
	s18 =	sshrl.u32 s18, $0x2  }
0x2d: {  	s20 =	simm.s32 $0x0;
	s17 =	sor.u32 $0x8000, s31;
	s18 =	sor.u32 $0x8000, s18  }
.LBB1_3:
0x2e: {  	v1 =	vld [tilespmem:s19+$0x0]  }
0x2f: {  	v0 =	vld [tilespmem:s19+$0xFFFFFFF0];
	_ =	sdelay $0x2  }
0x30: {  	s23 =	sadd.s32 $0x0, s18  }
0x31: {  	s21 =	simm.s32 $0x4;
	s22 =	sadd.s32 $0x20, s19;
	[tilespmem:s23+$0x810 ss:$0x81] =	vst.msk $0xffff, v1  }
.LBB1_4:
0x32: {  	v1 =	vld [tilespmem:s22+$0x0];
	p1 =	sne.s32 s21, $0x1FC;
	[tilespmem:s23+$0x0 ss:$0x81] =	vst.msk $0xffff, v0;
	s23 =	smov.u32 s21;
	s21 =	sadd.s32 $0x4, s21  }
.Ltmp3:
0x33: {  	v0 =	vld [tilespmem:s22+$0xFFFFFFF0];
	(pc) =	sbr.rel @p1 .LBB1_4-.Ltmp3, $4  }
0x34: {  	_ = 	snop  }
0x35: {  	s23 =	sshra.s32 s23, $0x2  }
0x36: {  	s23 =	sadd.s32 s23, s18  }
0x37: {  	s22 =	sadd.s32 $0x20, s22;
	[tilespmem:s23+$0x810 ss:$0x81] =	vst.msk $0xffff, v1  }
0x38: {  	s20 =	sadd.s32 $0x1, s20  }
0x39: {  	p1 =	sne.s32 s20, $0x4  }
.Ltmp4:
0x3a: {  	_ = 	snop;
	(pc) =	sbr.rel @p1 .LBB1_3-.Ltmp4, $2  }
0x3b: {  	_ =	sdelay $0x2  }
0x3c: {  	[tilespmem:s23+$0x0 ss:$0x81] =	vst.msk $0xffff, v0;
	s18 =	sadd.s32 $0x1020, s18;
	s19 =	sadd.s32 $0x1000, s19  }
0x3d: {  	s18 =	sshll.u32 s15, $0x3;
	s19 =	sand.u32 $0x78, s15;
	s16 =	sshll.u32 s16, $0xD  }
.Ltmp5:
0x3e: {  	s30 =	sand.u32 $0x1F00, s15;
	s18 =	sand.u32 $0x400, s18;
	(pc) =	sbr.rel .LBB1_7-.Ltmp5, $4  }
0x3f: {  	s31 =	sand.u32 $0x7, s15;
	s16 =	sadd.s32 s2, s16;
	s18 =	sor.u32 s19, s18  }
0x40: {  	s15 =	sshll.u32 s31, $0x12;
	s16 =	sadd.s32 s30, s16;
	s18 =	sshrl.u32 s18, $0x3  }
0x41: {  	s15 =	sor.u32 $0x400, s15;
	s16 =	sadd.s32 s18, s16  }
0x42: {  	[hbm4b:s16+s15] =	stream.strided.scatter [tilespmem:s17], [sflag:$0x2], $0x4000, s11, s15, $0x20;
	[tilespmem:$0x10100] =	vst v63  }
.LBB1_8:
0x43: {  	_ =	sfence.sel $0x180000  }
0x44: {  	s2 =	simm.s32 $0x1;
	[bflag:$0x0] =	sbarrier.arrive $0xFFFF  }
0x45: {  	s31 =	simm.s32 $0x2;
	[sflag:s2] =	ssyncpa.u1 $0x1  }
0x46: {  	[sflag:s31] =	ssyncpa.u1 $0x1  }
0x47: {  	p0 =	sne.s32 s0, $0x0;
	_ =	strace $0x9000004A  }
0x48: {  	s0 =	sadd.s32 @!p0 $0x100000, s1;
	[bflag:$0x2] =	sbarrier.arrive $0xFFFF  }
0x49: {  	[sflag:s0] =	ssyncadd.tile.s32 @!p0 $0x1;
	_ =	shalt  }
.Lfunc_end1:
_tile_overlayer_lowered:
.L_overlay_start_2:
0x4a: {  	(tag) =	ssettag $0x2  }
0x4b: {  	s0 =	rddreg [dreg:$0x0];
	s2 =	stileid.u32  }
0x4c: {  	s1 =	rddreg [dreg:$0x1];
	p0 =	sne.s32 s2, $0x0  }
0x4d: {  	s3 =	rddreg [dreg:$0x2];
	[bflag:$0x3] =	sbarrier.arrive $0xFFFF;
	s2 =	simm.s32 @!p0 $0x1C01  }
0x4e: {  	[timem:s3], [sflag:s2] =	dma.local @!p0 [hbm:s0], s1  }
0x4f: {  	s0 =	simm.s32 @!p0 $0x1  }
0x50: {  	_ =	swait.ge @!p0 [sflag:s0], s1  }
0x51: {  	s1 =	ssub.s32 @!p0 $0x0, s1;
	[sflag:s0] =	ssyncset.done @!p0 $0x0  }
0x52: {  	[sflag:s0] =	ssyncadd.s32 @!p0 s1  }
0x53: {  	[bflag:$0x3] =	sbarrier.arrive $0xFFFF  }
0x54: {  	_ =	shalt  }

</sc_bundles>
